<compile_context>
chip_gen: v7x
topology: tpu7x:2x2x1
jax: 0.10.2.dev20260603
libtpu: 0.0.44.dev20260713+nightly
codegen_flags: <defaults>
</compile_context>

<pallas_src>
import numpy as np

import jax
import jax.numpy as jnp
from jax import lax
from jax.experimental import pallas as pl
from jax.experimental.pallas import tpu as pltpu
from jax.experimental.pallas import tpu_sc as plsc

N = 10000
E = 320000
D = 128
KE = 2
H = 16
C = 10

NC = 2
NS = 16
NW = NC * NS
EPW = E // NW
CHUNK = 2000
NCHUNK = EPW // CHUNK
N_PAD = 10240
STRIPE = N_PAD // NS

_mesh = plsc.VectorSubcoreMesh(core_axis_name="c", subcore_axis_name="s")

_ZEROS_T = np.zeros((STRIPE, H), np.float32)
_ONES_N = np.ones((CHUNK,), np.float32)
_ZEROS_N = np.zeros((STRIPE,), np.float32)


def _deg_body(dst_hbm, ones_hbm, zeros_hbm, out_hbm,
              idxd0, idxd1, ones_v, dn_v, rep_v, deg_sh, ssem0, ssem1):
    cid = lax.axis_index("c")
    sid = lax.axis_index("s")
    wid = cid * NS + sid
    idxd = [idxd0, idxd1]
    ssems = [ssem0, ssem1]
    scps = [None, None]
    pltpu.sync_copy(zeros_hbm, deg_sh.at[pl.ds(sid * STRIPE, STRIPE)])
    pltpu.sync_copy(ones_hbm, ones_v)
    pltpu.sync_copy(dst_hbm.at[pl.ds(wid * EPW, CHUNK)], idxd0)
    plsc.subcore_barrier()
    for k in range(NCHUNK):
        cur = k % 2
        if k + 1 < NCHUNK:
            nxt = (k + 1) % 2
            if scps[nxt] is not None:
                scps[nxt].wait()
                scps[nxt] = None
            pltpu.sync_copy(
                dst_hbm.at[pl.ds(wid * EPW + (k + 1) * CHUNK, CHUNK)],
                idxd[nxt])
        scps[cur] = pltpu.async_copy(ones_v, deg_sh.at[idxd[cur]],
                                     ssems[cur], add=True)
    for b in range(2):
        if scps[b] is not None:
            scps[b].wait()
    plsc.subcore_barrier()
    pltpu.sync_copy(deg_sh.at[pl.ds(sid * STRIPE, STRIPE)], dn_v)

    def rep_row(i, _):
        chunk = dn_v[pl.ds(i * 16, 16)]
        for m in range(16):
            rep_v[i * 16 + m] = jnp.full((16,), chunk[m], jnp.float32)
        return 0

    lax.fori_loop(0, STRIPE // 16, rep_row, 0)
    pltpu.sync_copy(rep_v, out_hbm.at[cid, pl.ds(sid * STRIPE, STRIPE)])


_deg_scatter = pl.kernel(
    _deg_body,
    mesh=_mesh,
    compiler_params=pltpu.CompilerParams(use_tc_tiling_on_sc=False),
    out_type=jax.ShapeDtypeStruct((NC, N_PAD, H), jnp.float32),
    scratch_types=[
        pltpu.VMEM((CHUNK,), jnp.int32),
        pltpu.VMEM((CHUNK,), jnp.int32),
        pltpu.VMEM((CHUNK,), jnp.float32),
        pltpu.VMEM((STRIPE,), jnp.float32),
        pltpu.VMEM((STRIPE, H), jnp.float32),
        pltpu.VMEM_SHARED((N_PAD,), jnp.float32),
        pltpu.SemaphoreType.DMA,
        pltpu.SemaphoreType.DMA,
    ],
)


def _make_edge_scatter(gather: bool):

    def body(src_hbm, dst_hbm, table_hbm, zeros_hbm, out_hbm,
             idxs0, idxs1, idxd0, idxd1, rows0, rows1, acc_sh,
             sem0, sem1, ssem0, ssem1):
        cid = lax.axis_index("c")
        sid = lax.axis_index("s")
        wid = cid * NS + sid
        idxs = [idxs0, idxs1]
        idxd = [idxd0, idxd1]
        rows = [rows0, rows1]
        sems = [sem0, sem1]
        ssems = [ssem0, ssem1]
        cps = [None, None]
        scps = [None, None]
        pltpu.sync_copy(zeros_hbm, acc_sh.at[pl.ds(sid * STRIPE, STRIPE)])
        if gather:
            pltpu.sync_copy(src_hbm.at[pl.ds(wid * EPW, CHUNK)], idxs0)
            cps[0] = pltpu.async_copy(table_hbm.at[idxs0], rows0, sem0)
            pltpu.sync_copy(dst_hbm.at[pl.ds(wid * EPW, CHUNK)], idxd0)
        else:
            pltpu.sync_copy(table_hbm, rows0)
        plsc.subcore_barrier()
        for k in range(NCHUNK):
            base = wid * EPW + k * CHUNK
            cur = k % 2
            if gather:
                if k + 1 < NCHUNK:
                    nxt = (k + 1) % 2
                    pltpu.sync_copy(src_hbm.at[pl.ds(base + CHUNK, CHUNK)],
                                    idxs[nxt])
                    if scps[nxt] is not None:
                        scps[nxt].wait()
                        scps[nxt] = None
                    cps[nxt] = pltpu.async_copy(table_hbm.at[idxs[nxt]],
                                                rows[nxt], sems[nxt])
                    pltpu.sync_copy(dst_hbm.at[pl.ds(base + CHUNK, CHUNK)],
                                    idxd[nxt])
                cps[cur].wait()
                scps[cur] = pltpu.async_copy(rows[cur], acc_sh.at[idxd[cur]],
                                             ssems[cur], add=True)
            else:
                pltpu.sync_copy(dst_hbm.at[pl.ds(base, CHUNK)], idxd0)
                pltpu.sync_copy(rows0, acc_sh.at[idxd0], add=True)
        for b in range(2):
            if scps[b] is not None:
                scps[b].wait()
        plsc.subcore_barrier()
        pltpu.sync_copy(acc_sh.at[pl.ds(sid * STRIPE, STRIPE)],
                        out_hbm.at[cid, pl.ds(sid * STRIPE, STRIPE)])

    return pl.kernel(
        body,
        mesh=_mesh,
        compiler_params=pltpu.CompilerParams(use_tc_tiling_on_sc=False),
        out_type=jax.ShapeDtypeStruct((NC, N_PAD, H), jnp.float32),
        scratch_types=[
            pltpu.VMEM((CHUNK,), jnp.int32),
            pltpu.VMEM((CHUNK,), jnp.int32),
            pltpu.VMEM((CHUNK,), jnp.int32),
            pltpu.VMEM((CHUNK,), jnp.int32),
            pltpu.VMEM((CHUNK, H), jnp.float32),
            pltpu.VMEM((CHUNK, H), jnp.float32),
            pltpu.VMEM_SHARED((N_PAD, H), jnp.float32),
            pltpu.SemaphoreType.DMA,
            pltpu.SemaphoreType.DMA,
            pltpu.SemaphoreType.DMA,
            pltpu.SemaphoreType.DMA,
        ],
    )


_edge_scatter = _make_edge_scatter(gather=True)


RW = N // 8
RWP = N_PAD // 8
GRP = 128 // H

_LANE = np.arange(128)
_P_BCAST = ((_LANE[:, None] % H == 0)
            & (_LANE[:, None] // H == _LANE[None, :] // H)).astype(np.float32)
_G_SUM = (_LANE[:, None] // H == _LANE[None, :] // H).astype(np.float32)


_SPB = E // 10


def _split_body(e_ref, s_ref, d_ref):
    s_ref[...] = e_ref[0].reshape(1, _SPB // 128, 128)
    d_ref[...] = e_ref[1].reshape(1, _SPB // 128, 128)


_tcsplit = pl.pallas_call(
    _split_body,
    grid=(10,),
    in_specs=[pl.BlockSpec((2, _SPB), lambda i: (0, i))],
    out_specs=(pl.BlockSpec((1, _SPB // 128, 128), lambda i: (i, 0, 0)),
               pl.BlockSpec((1, _SPB // 128, 128), lambda i: (i, 0, 0))),
    out_shape=(jax.ShapeDtypeStruct((10, _SPB // 128, 128), jnp.int32),
               jax.ShapeDtypeStruct((10, _SPB // 128, 128), jnp.int32)),
)


def _tc1a_body(x3_ref, ke3_ref, w1a_ref, w1b_ref, hraw_ref):
    h3 = lax.dot_general(x3_ref[...], w1a_ref[...],
                         dimension_numbers=(((2,), (0,)), ((), ())),
                         preferred_element_type=jnp.float32)
    k3 = lax.dot_general(ke3_ref[...], w1b_ref[...],
                         dimension_numbers=(((2,), (0,)), ((), ())),
                         preferred_element_type=jnp.float32)
    hraw_ref[...] = (h3 + k3).reshape(RW, 128)


_tc1a = pl.pallas_call(
    _tc1a_body,
    out_shape=jax.ShapeDtypeStruct((RW, 128), jnp.float32),
)


def _tc1b_body(deg_ref, hraw_ref, g1_ref, dinv_ref):
    deg = 1.0 + deg_ref[0, :RW] + deg_ref[1, :RW]
    dinv = lax.rsqrt(deg)
    g1_ref[...] = hraw_ref[...] * dinv
    dinv_ref[...] = dinv


_tc1b = pl.pallas_call(
    _tc1b_body,
    out_shape=(jax.ShapeDtypeStruct((RW, 128), jnp.float32),
               jax.ShapeDtypeStruct((RW, 128), jnp.float32)),
)


def _tc2_body(acc_ref, g1_ref, dinv_ref, b1_ref, w2blk_ref, g2_ref):
    acc = acc_ref[0, :RW] + acc_ref[1, :RW] + g1_ref[...]
    h1 = jnp.maximum(acc * dinv_ref[...] + b1_ref[...], 0.0)
    g2_ref[...] = jnp.dot(h1, w2blk_ref[...],
                          preferred_element_type=jnp.float32) * dinv_ref[...]


_tc2 = pl.pallas_call(
    _tc2_body,
    out_shape=jax.ShapeDtypeStruct((RW, 128), jnp.float32),
)


def _tc3_body(acc_ref, g2_ref, dinv_ref, b2_ref, p_ref, g_ref, out_ref):
    t = (acc_ref[0, :RW] + acc_ref[1, :RW] + g2_ref[...]) * dinv_ref[...]
    t = t + b2_ref[...]
    lane = lax.broadcasted_iota(jnp.int32, (RW, 128), 1)
    jm = lane % H
    valid = jm < C
    tm = jnp.where(valid, t, -3.0e38)
    for s in (1, 2, 4, 8):
        rolled = jnp.concatenate([tm[:, s:], tm[:, :s]], axis=1)
        keep = (jm + s) < H
        tm = jnp.where(keep, jnp.maximum(tm, rolled), tm)
    mb = jnp.dot(tm, p_ref[...], preferred_element_type=jnp.float32)
    ex = jnp.where(valid, jnp.exp(t - mb), 0.0)
    ssum = jnp.dot(ex, g_ref[...], preferred_element_type=jnp.float32)
    out_ref[...] = t - mb - jnp.log(ssum)


_tc3 = pl.pallas_call(
    _tc3_body,
    out_shape=jax.ShapeDtypeStruct((RW, 128), jnp.float32),
)


def kernel(x, edge_index, ke, W1, b1, W2, b2):
    src2, dst2 = _tcsplit(edge_index)
    src = src2.reshape(E)
    dst = dst2.reshape(E)
    zeros_t = jnp.asarray(_ZEROS_T)
    eye8 = jnp.eye(GRP, dtype=jnp.float32)
    W2p = jnp.concatenate([W2, jnp.zeros((H, H - C), W2.dtype)], axis=1)
    W2blk = jnp.kron(eye8, W2p)
    b1t = jnp.tile(b1, GRP)
    b2t = jnp.tile(jnp.concatenate([b2, jnp.zeros((H - C,), b2.dtype)]), GRP)
    x3 = x.reshape(RW, GRP, D)
    ke3 = ke.reshape(RW, GRP, KE)

    deg_parts = _deg_scatter(dst, jnp.asarray(_ONES_N), jnp.asarray(_ZEROS_N))
    hraw = _tc1a(x3, ke3, W1[:D], W1[D:])
    g1w, dinvw = _tc1b(deg_parts.reshape(NC, RWP, 128), hraw)
    acc1 = _edge_scatter(src, dst, g1w.reshape(N, H), zeros_t)
    g2w = _tc2(acc1.reshape(NC, RWP, 128), g1w, dinvw, b1t, W2blk)
    acc2 = _edge_scatter(src, dst, g2w.reshape(N, H), zeros_t)
    outw = _tc3(acc2.reshape(NC, RWP, 128), g2w, dinvw, b2t,
                jnp.asarray(_P_BCAST), jnp.asarray(_G_SUM))
    return outw.reshape(N, H)[:, :C]

# --- scband reference (transcript-rebuilt; emitter-appended) ---
"""Pipeline reference for scband-gcnwith-ke-64639257805298 (READ-ONLY COPY).

The authoritative reference and input builder live on the scoring server;
editing this copy changes nothing except your own understanding.
"""

import jax, jax.numpy as jnp
import numpy as np

N = 10000
E = 320000
D = 128
KE = 2
H = 16
C = 10


def gcn_conv(x, edge_index, W, b):
    # PyG GCNConv: linear transform, add self-loops, symmetric normalization, scatter-add
    h = x @ W
    src = edge_index[0]
    dst = edge_index[1]
    loop = jnp.arange(N, dtype=edge_index.dtype)
    src = jnp.concatenate([src, loop])
    dst = jnp.concatenate([dst, loop])
    deg = jnp.zeros((N,), dtype=h.dtype).at[dst].add(1.0)
    deg_inv_sqrt = jnp.where(deg > 0, deg ** -0.5, 0.0)
    norm = deg_inv_sqrt[src] * deg_inv_sqrt[dst]
    msg = h[src] * norm[:, None]
    out = jnp.zeros_like(h).at[dst].add(msg)
    return out + b


def setup_inputs(seed: int = 0) -> dict:
    key = jax.random.key(seed)
    k1, k2, k3, k4, k5 = jax.random.split(key, 5)
    x = jax.random.normal(k1, (N, D), dtype=jnp.float32)
    ke = jax.random.normal(k2, (N, KE), dtype=jnp.float32)
    edge_index = jax.random.randint(k3, (2, E), 0, N, dtype=jnp.int32)
    W1 = jax.random.normal(k4, (D + KE, H), dtype=jnp.float32) * 0.1
    b1 = jnp.zeros((H,), dtype=jnp.float32)
    W2 = jax.random.normal(k5, (H, C), dtype=jnp.float32) * 0.1
    b2 = jnp.zeros((C,), dtype=jnp.float32)
    return {"x": x, "edge_index": edge_index, "ke": ke, "W1": W1, "b1": b1, "W2": W2, "b2": b2}


def reference(x, edge_index, ke, W1, b1, W2, b2):
    # dropout treated as identity (eval mode)
    h = jnp.concatenate([x, ke], axis=1)
    h = gcn_conv(h, edge_index, W1, b1)
    h = jax.nn.relu(h)
    h = gcn_conv(h, edge_index, W2, b2)
    return jax.nn.log_softmax(h, axis=1)

if __name__ == "__main__":
    import jax
    _d = setup_inputs()
    print(jax.jit(kernel)(*tuple(_d.values())))

</pallas_src>

<mosaic_0001>
#map = affine_map<(d0, d1) -> (0)>
#map1 = affine_map<(d0, d1) -> (0, 0, 0)>
module attributes {stable_mosaic.version = 14 : i64} {
  func.func @_deg_body(%arg0: i32, %arg1: i32, %arg2: memref<320000xi32, #tpu.memory_space<hbm>>, %arg3: memref<2000xf32, #tpu.memory_space<hbm>>, %arg4: memref<640xf32, #tpu.memory_space<hbm>>, %arg5: memref<2x10240x16xf32, #tpu.memory_space<hbm>>, %arg6: memref<2000xi32, #tpu.memory_space<vmem>>, %arg7: memref<2000xi32, #tpu.memory_space<vmem>>, %arg8: memref<2000xf32, #tpu.memory_space<vmem>>, %arg9: memref<640xf32, #tpu.memory_space<vmem>>, %arg10: memref<640x16xf32, #tpu.memory_space<vmem>>, %arg11: memref<10240xf32, #tpu.memory_space<vmem_shared>>, %arg12: memref<!tpu.dma_semaphore, #tpu.memory_space<semaphore_mem>>, %arg13: memref<!tpu.dma_semaphore, #tpu.memory_space<semaphore_mem>>) attributes {dimension_semantics = [#tpu.dimension_semantics<core_parallel>, #tpu.dimension_semantics<subcore_parallel>], iteration_bounds = array<i64: 2, 16>, scalar_prefetch = 0 : i64, scratch_operands = 8 : i64, tpu.core_type = #tpu.core_type<sc_vector_subcore>, window_params = [{transform_indices = #map}, {transform_indices = #map}, {transform_indices = #map}, {transform_indices = #map1}]} {
    %mul3A = arith.constant 16 : i32
    %mul3A_0 = arith.muli %arg0, %mul3A : i32
    %add3A = arith.addi %mul3A_0, %arg1 : i32
    %mul3A_1 = arith.constant 640 : i32
    %mul3A_2 = arith.muli %arg1, %mul3A_1 : i32
    "tpu.region"() ({
      %run_scoped3A = tpu.sem_alloc : memref<!tpu.dma_semaphore, #tpu.memory_space<semaphore_mem>>
      %dma_start3A_50 = tpu.memref_slice %arg11[%mul3A_2] : memref<10240xf32, #tpu.memory_space<vmem_shared>> -> memref<640xf32, #tpu.memory_space<vmem_shared>>
      tpu.enqueue_dma source(%arg4 : memref<640xf32, #tpu.memory_space<hbm>>) target(%dma_start3A_50 : memref<640xf32, #tpu.memory_space<vmem_shared>>) target_semaphore(%run_scoped3A : memref<!tpu.dma_semaphore, #tpu.memory_space<semaphore_mem>>)
      %dma_wait3A_51 = tpu.memref_slice %arg11[%mul3A_2] : memref<10240xf32, #tpu.memory_space<vmem_shared>> -> memref<640xf32, #tpu.memory_space<vmem_shared>>
      tpu.wait_dma2 semaphore(%run_scoped3A : memref<!tpu.dma_semaphore, #tpu.memory_space<semaphore_mem>>) src(%arg4 : memref<640xf32, #tpu.memory_space<hbm>>) dst(%dma_wait3A_51 : memref<640xf32, #tpu.memory_space<vmem_shared>>)
      tpu.yield
    }) : () -> ()
    "tpu.region"() ({
      %run_scoped3A = tpu.sem_alloc : memref<!tpu.dma_semaphore, #tpu.memory_space<semaphore_mem>>
      tpu.enqueue_dma source(%arg3 : memref<2000xf32, #tpu.memory_space<hbm>>) target(%arg8 : memref<2000xf32, #tpu.memory_space<vmem>>) target_semaphore(%run_scoped3A : memref<!tpu.dma_semaphore, #tpu.memory_space<semaphore_mem>>)
      tpu.wait_dma2 semaphore(%run_scoped3A : memref<!tpu.dma_semaphore, #tpu.memory_space<semaphore_mem>>) src(%arg3 : memref<2000xf32, #tpu.memory_space<hbm>>) dst(%arg8 : memref<2000xf32, #tpu.memory_space<vmem>>)
      tpu.yield
    }) : () -> ()
    %mul3A_3 = arith.constant 10000 : i32
    %mul3A_4 = arith.muli %add3A, %mul3A_3 : i32
    "tpu.region"() ({
      %run_scoped3A = tpu.sem_alloc : memref<!tpu.dma_semaphore, #tpu.memory_space<semaphore_mem>>
      %dma_start3A_50 = tpu.memref_slice %arg2[%mul3A_4] : memref<320000xi32, #tpu.memory_space<hbm>> -> memref<2000xi32, #tpu.memory_space<hbm>>
      %dma_start3A_51 = tpu.memref_slice %arg2[%mul3A_4] : memref<320000xi32, #tpu.memory_space<hbm>> -> memref<2000xi32, #tpu.memory_space<hbm>>
      tpu.enqueue_dma source(%dma_start3A_51 : memref<2000xi32, #tpu.memory_space<hbm>>) target(%arg6 : memref<2000xi32, #tpu.memory_space<vmem>>) target_semaphore(%run_scoped3A : memref<!tpu.dma_semaphore, #tpu.memory_space<semaphore_mem>>)
      %dma_wait3A_52 = tpu.memref_slice %arg2[%mul3A_4] : memref<320000xi32, #tpu.memory_space<hbm>> -> memref<2000xi32, #tpu.memory_space<hbm>>
      %dma_wait3A_53 = tpu.memref_slice %arg2[%mul3A_4] : memref<320000xi32, #tpu.memory_space<hbm>> -> memref<2000xi32, #tpu.memory_space<hbm>>
      tpu.wait_dma2 semaphore(%run_scoped3A : memref<!tpu.dma_semaphore, #tpu.memory_space<semaphore_mem>>) src(%dma_wait3A_53 : memref<2000xi32, #tpu.memory_space<hbm>>) dst(%arg6 : memref<2000xi32, #tpu.memory_space<vmem>>)
      tpu.yield
    }) : () -> ()
    %barrier3A = arith.constant 0 : index
    tpu.barrier barrier_id(%barrier3A)
    %mul3A_5 = arith.constant 10000 : i32
    %mul3A_6 = arith.muli %add3A, %mul3A_5 : i32
    %add3A_7 = arith.constant 2000 : i32
    %add3A_8 = arith.addi %mul3A_6, %add3A_7 : i32
    "tpu.region"() ({
      %run_scoped3A = tpu.sem_alloc : memref<!tpu.dma_semaphore, #tpu.memory_space<semaphore_mem>>
      %dma_start3A_50 = tpu.memref_slice %arg2[%add3A_8] : memref<320000xi32, #tpu.memory_space<hbm>> -> memref<2000xi32, #tpu.memory_space<hbm>>
      %dma_start3A_51 = tpu.memref_slice %arg2[%add3A_8] : memref<320000xi32, #tpu.memory_space<hbm>> -> memref<2000xi32, #tpu.memory_space<hbm>>
      tpu.enqueue_dma source(%dma_start3A_51 : memref<2000xi32, #tpu.memory_space<hbm>>) target(%arg7 : memref<2000xi32, #tpu.memory_space<vmem>>) target_semaphore(%run_scoped3A : memref<!tpu.dma_semaphore, #tpu.memory_space<semaphore_mem>>)
      %dma_wait3A_52 = tpu.memref_slice %arg2[%add3A_8] : memref<320000xi32, #tpu.memory_space<hbm>> -> memref<2000xi32, #tpu.memory_space<hbm>>
      %dma_wait3A_53 = tpu.memref_slice %arg2[%add3A_8] : memref<320000xi32, #tpu.memory_space<hbm>> -> memref<2000xi32, #tpu.memory_space<hbm>>
      tpu.wait_dma2 semaphore(%run_scoped3A : memref<!tpu.dma_semaphore, #tpu.memory_space<semaphore_mem>>) src(%dma_wait3A_53 : memref<2000xi32, #tpu.memory_space<hbm>>) dst(%arg7 : memref<2000xi32, #tpu.memory_space<vmem>>)
      tpu.yield
    }) : () -> ()
    %dma_start3A = arith.constant 0 : i32
    %dma_start3A_9 = tpu.memref_slice %arg11[%dma_start3A] : memref<10240xf32, #tpu.memory_space<vmem_shared>> -> memref<10240xf32, #tpu.memory_space<vmem_shared>>
    tpu.enqueue_indirect_dma source(%arg8 : memref<2000xf32, #tpu.memory_space<vmem>>) target(%dma_start3A_9 : memref<10240xf32, #tpu.memory_space<vmem_shared>>) offsets(%arg6 : memref<2000xi32, #tpu.memory_space<vmem>>) semaphore(%arg12 : memref<!tpu.dma_semaphore, #tpu.memory_space<semaphore_mem>>) {add = true}
    %dma_wait3A = arith.constant 0 : i32
    %dma_wait3A_10 = tpu.memref_slice %arg11[%dma_wait3A] : memref<10240xf32, #tpu.memory_space<vmem_shared>> -> memref<10240xf32, #tpu.memory_space<vmem_shared>>
    tpu.wait_indirect_dma semaphore(%arg12 : memref<!tpu.dma_semaphore, #tpu.memory_space<semaphore_mem>>) src(%arg8 : memref<2000xf32, #tpu.memory_space<vmem>>) dst(%dma_wait3A_10 : memref<10240xf32, #tpu.memory_space<vmem_shared>>)
    %mul3A_11 = arith.constant 10000 : i32
    %mul3A_12 = arith.muli %add3A, %mul3A_11 : i32
    %add3A_13 = arith.constant 4000 : i32
    %add3A_14 = arith.addi %mul3A_12, %add3A_13 : i32
    "tpu.region"() ({
      %run_scoped3A = tpu.sem_alloc : memref<!tpu.dma_semaphore, #tpu.memory_space<semaphore_mem>>
      %dma_start3A_50 = tpu.memref_slice %arg2[%add3A_14] : memref<320000xi32, #tpu.memory_space<hbm>> -> memref<2000xi32, #tpu.memory_space<hbm>>
      %dma_start3A_51 = tpu.memref_slice %arg2[%add3A_14] : memref<320000xi32, #tpu.memory_space<hbm>> -> memref<2000xi32, #tpu.memory_space<hbm>>
      tpu.enqueue_dma source(%dma_start3A_51 : memref<2000xi32, #tpu.memory_space<hbm>>) target(%arg6 : memref<2000xi32, #tpu.memory_space<vmem>>) target_semaphore(%run_scoped3A : memref<!tpu.dma_semaphore, #tpu.memory_space<semaphore_mem>>)
      %dma_wait3A_52 = tpu.memref_slice %arg2[%add3A_14] : memref<320000xi32, #tpu.memory_space<hbm>> -> memref<2000xi32, #tpu.memory_space<hbm>>
      %dma_wait3A_53 = tpu.memref_slice %arg2[%add3A_14] : memref<320000xi32, #tpu.memory_space<hbm>> -> memref<2000xi32, #tpu.memory_space<hbm>>
      tpu.wait_dma2 semaphore(%run_scoped3A : memref<!tpu.dma_semaphore, #tpu.memory_space<semaphore_mem>>) src(%dma_wait3A_53 : memref<2000xi32, #tpu.memory_space<hbm>>) dst(%arg6 : memref<2000xi32, #tpu.memory_space<vmem>>)
      tpu.yield
    }) : () -> ()
    %dma_start3A_15 = arith.constant 0 : i32
    %dma_start3A_16 = tpu.memref_slice %arg11[%dma_start3A_15] : memref<10240xf32, #tpu.memory_space<vmem_shared>> -> memref<10240xf32, #tpu.memory_space<vmem_shared>>
    tpu.enqueue_indirect_dma source(%arg8 : memref<2000xf32, #tpu.memory_space<vmem>>) target(%dma_start3A_16 : memref<10240xf32, #tpu.memory_space<vmem_shared>>) offsets(%arg7 : memref<2000xi32, #tpu.memory_space<vmem>>) semaphore(%arg13 : memref<!tpu.dma_semaphore, #tpu.memory_space<semaphore_mem>>) {add = true}
    %dma_wait3A_17 = arith.constant 0 : i32
    %dma_wait3A_18 = tpu.memref_slice %arg11[%dma_wait3A_17] : memref<10240xf32, #tpu.memory_space<vmem_shared>> -> memref<10240xf32, #tpu.memory_space<vmem_shared>>
    tpu.wait_indirect_dma semaphore(%arg13 : memref<!tpu.dma_semaphore, #tpu.memory_space<semaphore_mem>>) src(%arg8 : memref<2000xf32, #tpu.memory_space<vmem>>) dst(%dma_wait3A_18 : memref<10240xf32, #tpu.memory_space<vmem_shared>>)
    %mul3A_19 = arith.constant 10000 : i32
    %mul3A_20 = arith.muli %add3A, %mul3A_19 : i32
    %add3A_21 = arith.constant 6000 : i32
    %add3A_22 = arith.addi %mul3A_20, %add3A_21 : i32
    "tpu.region"() ({
      %run_scoped3A = tpu.sem_alloc : memref<!tpu.dma_semaphore, #tpu.memory_space<semaphore_mem>>
      %dma_start3A_50 = tpu.memref_slice %arg2[%add3A_22] : memref<320000xi32, #tpu.memory_space<hbm>> -> memref<2000xi32, #tpu.memory_space<hbm>>
      %dma_start3A_51 = tpu.memref_slice %arg2[%add3A_22] : memref<320000xi32, #tpu.memory_space<hbm>> -> memref<2000xi32, #tpu.memory_space<hbm>>
      tpu.enqueue_dma source(%dma_start3A_51 : memref<2000xi32, #tpu.memory_space<hbm>>) target(%arg7 : memref<2000xi32, #tpu.memory_space<vmem>>) target_semaphore(%run_scoped3A : memref<!tpu.dma_semaphore, #tpu.memory_space<semaphore_mem>>)
      %dma_wait3A_52 = tpu.memref_slice %arg2[%add3A_22] : memref<320000xi32, #tpu.memory_space<hbm>> -> memref<2000xi32, #tpu.memory_space<hbm>>
      %dma_wait3A_53 = tpu.memref_slice %arg2[%add3A_22] : memref<320000xi32, #tpu.memory_space<hbm>> -> memref<2000xi32, #tpu.memory_space<hbm>>
      tpu.wait_dma2 semaphore(%run_scoped3A : memref<!tpu.dma_semaphore, #tpu.memory_space<semaphore_mem>>) src(%dma_wait3A_53 : memref<2000xi32, #tpu.memory_space<hbm>>) dst(%arg7 : memref<2000xi32, #tpu.memory_space<vmem>>)
      tpu.yield
    }) : () -> ()
    %dma_start3A_23 = arith.constant 0 : i32
    %dma_start3A_24 = tpu.memref_slice %arg11[%dma_start3A_23] : memref<10240xf32, #tpu.memory_space<vmem_shared>> -> memref<10240xf32, #tpu.memory_space<vmem_shared>>
    tpu.enqueue_indirect_dma source(%arg8 : memref<2000xf32, #tpu.memory_space<vmem>>) target(%dma_start3A_24 : memref<10240xf32, #tpu.memory_space<vmem_shared>>) offsets(%arg6 : memref<2000xi32, #tpu.memory_space<vmem>>) semaphore(%arg12 : memref<!tpu.dma_semaphore, #tpu.memory_space<semaphore_mem>>) {add = true}
    %dma_wait3A_25 = arith.constant 0 : i32
    %dma_wait3A_26 = tpu.memref_slice %arg11[%dma_wait3A_25] : memref<10240xf32, #tpu.memory_space<vmem_shared>> -> memref<10240xf32, #tpu.memory_space<vmem_shared>>
    tpu.wait_indirect_dma semaphore(%arg12 : memref<!tpu.dma_semaphore, #tpu.memory_space<semaphore_mem>>) src(%arg8 : memref<2000xf32, #tpu.memory_space<vmem>>) dst(%dma_wait3A_26 : memref<10240xf32, #tpu.memory_space<vmem_shared>>)
    %mul3A_27 = arith.constant 10000 : i32
    %mul3A_28 = arith.muli %add3A, %mul3A_27 : i32
    %add3A_29 = arith.constant 8000 : i32
    %add3A_30 = arith.addi %mul3A_28, %add3A_29 : i32
    "tpu.region"() ({
      %run_scoped3A = tpu.sem_alloc : memref<!tpu.dma_semaphore, #tpu.memory_space<semaphore_mem>>
      %dma_start3A_50 = tpu.memref_slice %arg2[%add3A_30] : memref<320000xi32, #tpu.memory_space<hbm>> -> memref<2000xi32, #tpu.memory_space<hbm>>
      %dma_start3A_51 = tpu.memref_slice %arg2[%add3A_30] : memref<320000xi32, #tpu.memory_space<hbm>> -> memref<2000xi32, #tpu.memory_space<hbm>>
      tpu.enqueue_dma source(%dma_start3A_51 : memref<2000xi32, #tpu.memory_space<hbm>>) target(%arg6 : memref<2000xi32, #tpu.memory_space<vmem>>) target_semaphore(%run_scoped3A : memref<!tpu.dma_semaphore, #tpu.memory_space<semaphore_mem>>)
      %dma_wait3A_52 = tpu.memref_slice %arg2[%add3A_30] : memref<320000xi32, #tpu.memory_space<hbm>> -> memref<2000xi32, #tpu.memory_space<hbm>>
      %dma_wait3A_53 = tpu.memref_slice %arg2[%add3A_30] : memref<320000xi32, #tpu.memory_space<hbm>> -> memref<2000xi32, #tpu.memory_space<hbm>>
      tpu.wait_dma2 semaphore(%run_scoped3A : memref<!tpu.dma_semaphore, #tpu.memory_space<semaphore_mem>>) src(%dma_wait3A_53 : memref<2000xi32, #tpu.memory_space<hbm>>) dst(%arg6 : memref<2000xi32, #tpu.memory_space<vmem>>)
      tpu.yield
    }) : () -> ()
    %dma_start3A_31 = arith.constant 0 : i32
    %dma_start3A_32 = tpu.memref_slice %arg11[%dma_start3A_31] : memref<10240xf32, #tpu.memory_space<vmem_shared>> -> memref<10240xf32, #tpu.memory_space<vmem_shared>>
    tpu.enqueue_indirect_dma source(%arg8 : memref<2000xf32, #tpu.memory_space<vmem>>) target(%dma_start3A_32 : memref<10240xf32, #tpu.memory_space<vmem_shared>>) offsets(%arg7 : memref<2000xi32, #tpu.memory_space<vmem>>) semaphore(%arg13 : memref<!tpu.dma_semaphore, #tpu.memory_space<semaphore_mem>>) {add = true}
    %dma_start3A_33 = arith.constant 0 : i32
    %dma_start3A_34 = tpu.memref_slice %arg11[%dma_start3A_33] : memref<10240xf32, #tpu.memory_space<vmem_shared>> -> memref<10240xf32, #tpu.memory_space<vmem_shared>>
    tpu.enqueue_indirect_dma source(%arg8 : memref<2000xf32, #tpu.memory_space<vmem>>) target(%dma_start3A_34 : memref<10240xf32, #tpu.memory_space<vmem_shared>>) offsets(%arg6 : memref<2000xi32, #tpu.memory_space<vmem>>) semaphore(%arg12 : memref<!tpu.dma_semaphore, #tpu.memory_space<semaphore_mem>>) {add = true}
    %dma_wait3A_35 = arith.constant 0 : i32
    %dma_wait3A_36 = tpu.memref_slice %arg11[%dma_wait3A_35] : memref<10240xf32, #tpu.memory_space<vmem_shared>> -> memref<10240xf32, #tpu.memory_space<vmem_shared>>
    tpu.wait_indirect_dma semaphore(%arg12 : memref<!tpu.dma_semaphore, #tpu.memory_space<semaphore_mem>>) src(%arg8 : memref<2000xf32, #tpu.memory_space<vmem>>) dst(%dma_wait3A_36 : memref<10240xf32, #tpu.memory_space<vmem_shared>>)
    %dma_wait3A_37 = arith.constant 0 : i32
    %dma_wait3A_38 = tpu.memref_slice %arg11[%dma_wait3A_37] : memref<10240xf32, #tpu.memory_space<vmem_shared>> -> memref<10240xf32, #tpu.memory_space<vmem_shared>>
    tpu.wait_indirect_dma semaphore(%arg13 : memref<!tpu.dma_semaphore, #tpu.memory_space<semaphore_mem>>) src(%arg8 : memref<2000xf32, #tpu.memory_space<vmem>>) dst(%dma_wait3A_38 : memref<10240xf32, #tpu.memory_space<vmem_shared>>)
    %barrier3A_39 = arith.constant 0 : index
    tpu.barrier barrier_id(%barrier3A_39)
    %mul3A_40 = arith.constant 640 : i32
    %mul3A_41 = arith.muli %arg1, %mul3A_40 : i32
    "tpu.region"() ({
      %run_scoped3A = tpu.sem_alloc : memref<!tpu.dma_semaphore, #tpu.memory_space<semaphore_mem>>
      %dma_start3A_50 = tpu.memref_slice %arg11[%mul3A_41] : memref<10240xf32, #tpu.memory_space<vmem_shared>> -> memref<640xf32, #tpu.memory_space<vmem_shared>>
      %dma_start3A_51 = tpu.memref_slice %arg11[%mul3A_41] : memref<10240xf32, #tpu.memory_space<vmem_shared>> -> memref<640xf32, #tpu.memory_space<vmem_shared>>
      tpu.enqueue_dma source(%dma_start3A_51 : memref<640xf32, #tpu.memory_space<vmem_shared>>) target(%arg9 : memref<640xf32, #tpu.memory_space<vmem>>) target_semaphore(%run_scoped3A : memref<!tpu.dma_semaphore, #tpu.memory_space<semaphore_mem>>)
      %dma_wait3A_52 = tpu.memref_slice %arg11[%mul3A_41] : memref<10240xf32, #tpu.memory_space<vmem_shared>> -> memref<640xf32, #tpu.memory_space<vmem_shared>>
      %dma_wait3A_53 = tpu.memref_slice %arg11[%mul3A_41] : memref<10240xf32, #tpu.memory_space<vmem_shared>> -> memref<640xf32, #tpu.memory_space<vmem_shared>>
      tpu.wait_dma2 semaphore(%run_scoped3A : memref<!tpu.dma_semaphore, #tpu.memory_space<semaphore_mem>>) src(%dma_wait3A_53 : memref<640xf32, #tpu.memory_space<vmem_shared>>) dst(%arg9 : memref<640xf32, #tpu.memory_space<vmem>>)
      tpu.yield
    }) : () -> ()
    %scan3A = arith.constant 0 : i32
    %scan3A_42 = arith.constant 0 : i32
    %scan3A_43 = arith.constant 40 : i32
    %scan3A_44 = arith.addi %scan3A_42, %scan3A_43 : i32
    %scan3A_45 = arith.constant 1 : i32
    %scan3A_46 = scf.for %scan3A_50 = %scan3A_42 to %scan3A_44 step %scan3A_45 iter_args(%scan3A_51 = %scan3A) -> (i32)  : i32 {
      %mul3A_52 = arith.constant 16 : i32
      %mul3A_53 = arith.muli %scan3A_50, %mul3A_52 : i32
      %get3A = arith.index_cast %mul3A_53 : i32 to index
      %get3A_54 = tpu.vector_load %arg9[%get3A] {strides = array<i32>} : memref<640xf32, #tpu.memory_space<vmem>>, vector<16xf32>,
      %get3A_55 = vector.shape_cast %get3A_54 : vector<16xf32> to vector<16xf32>
      %slice3A = vector.extract_strided_slice %get3A_55 {offsets = [0], sizes = [1], strides = [1]} : vector<16xf32> to vector<1xf32>
      %squeeze3A = vector.extract %slice3A[0] : f32 from vector<1xf32>
      %broadcast_in_dim3A = vector.broadcast %squeeze3A : f32 to vector<16xf32>
      %mul3A_56 = arith.constant 16 : i32
      %mul3A_57 = arith.muli %scan3A_50, %mul3A_56 : i32
      %add3A_58 = arith.constant 0 : i32
      %add3A_59 = arith.addi %mul3A_57, %add3A_58 : i32
      %swap3A = arith.index_cast %add3A_59 : i32 to index
      %swap3A_60 = arith.constant 0 : index
      %swap3A_61 = tpu.vector_load %arg10[%swap3A, %swap3A_60] {strides = array<i32>} : memref<640x16xf32, #tpu.memory_space<vmem>>, vector<1x16xf32>,
      %swap3A_62 = vector.shape_cast %swap3A_61 : vector<1x16xf32> to vector<16xf32>
      %swap3A_63 = vector.shape_cast %broadcast_in_dim3A : vector<16xf32> to vector<1x16xf32>
      tpu.vector_store %arg10[%swap3A, %swap3A_60], %swap3A_63 {strides = array<i32>} : memref<640x16xf32, #tpu.memory_space<vmem>>, vector<1x16xf32>,
      %slice3A_64 = vector.extract_strided_slice %get3A_55 {offsets = [1], sizes = [1], strides = [1]} : vector<16xf32> to vector<1xf32>
      %squeeze3A_65 = vector.extract %slice3A_64[0] : f32 from vector<1xf32>
      %broadcast_in_dim3A_66 = vector.broadcast %squeeze3A_65 : f32 to vector<16xf32>
      %mul3A_67 = arith.constant 16 : i32
      %mul3A_68 = arith.muli %scan3A_50, %mul3A_67 : i32
      %add3A_69 = arith.constant 1 : i32
      %add3A_70 = arith.addi %mul3A_68, %add3A_69 : i32
      %swap3A_71 = arith.index_cast %add3A_70 : i32 to index
      %swap3A_72 = arith.constant 0 : index
      %swap3A_73 = tpu.vector_load %arg10[%swap3A_71, %swap3A_72] {strides = array<i32>} : memref<640x16xf32, #tpu.memory_space<vmem>>, vector<1x16xf32>,
      %swap3A_74 = vector.shape_cast %swap3A_73 : vector<1x16xf32> to vector<16xf32>
      %swap3A_75 = vector.shape_cast %broadcast_in_dim3A_66 : vector<16xf32> to vector<1x16xf32>
      tpu.vector_store %arg10[%swap3A_71, %swap3A_72], %swap3A_75 {strides = array<i32>} : memref<640x16xf32, #tpu.memory_space<vmem>>, vector<1x16xf32>,
      %slice3A_76 = vector.extract_strided_slice %get3A_55 {offsets = [2], sizes = [1], strides = [1]} : vector<16xf32> to vector<1xf32>
      %squeeze3A_77 = vector.extract %slice3A_76[0] : f32 from vector<1xf32>
      %broadcast_in_dim3A_78 = vector.broadcast %squeeze3A_77 : f32 to vector<16xf32>
      %mul3A_79 = arith.constant 16 : i32
      %mul3A_80 = arith.muli %scan3A_50, %mul3A_79 : i32
      %add3A_81 = arith.constant 2 : i32
      %add3A_82 = arith.addi %mul3A_80, %add3A_81 : i32
      %swap3A_83 = arith.index_cast %add3A_82 : i32 to index
      %swap3A_84 = arith.constant 0 : index
      %swap3A_85 = tpu.vector_load %arg10[%swap3A_83, %swap3A_84] {strides = array<i32>} : memref<640x16xf32, #tpu.memory_space<vmem>>, vector<1x16xf32>,
      %swap3A_86 = vector.shape_cast %swap3A_85 : vector<1x16xf32> to vector<16xf32>
      %swap3A_87 = vector.shape_cast %broadcast_in_dim3A_78 : vector<16xf32> to vector<1x16xf32>
      tpu.vector_store %arg10[%swap3A_83, %swap3A_84], %swap3A_87 {strides = array<i32>} : memref<640x16xf32, #tpu.memory_space<vmem>>, vector<1x16xf32>,
      %slice3A_88 = vector.extract_strided_slice %get3A_55 {offsets = [3], sizes = [1], strides = [1]} : vector<16xf32> to vector<1xf32>
      %squeeze3A_89 = vector.extract %slice3A_88[0] : f32 from vector<1xf32>
      %broadcast_in_dim3A_90 = vector.broadcast %squeeze3A_89 : f32 to vector<16xf32>
      %mul3A_91 = arith.constant 16 : i32
      %mul3A_92 = arith.muli %scan3A_50, %mul3A_91 : i32
      %add3A_93 = arith.constant 3 : i32
      %add3A_94 = arith.addi %mul3A_92, %add3A_93 : i32
      %swap3A_95 = arith.index_cast %add3A_94 : i32 to index
      %swap3A_96 = arith.constant 0 : index
      %swap3A_97 = tpu.vector_load %arg10[%swap3A_95, %swap3A_96] {strides = array<i32>} : memref<640x16xf32, #tpu.memory_space<vmem>>, vector<1x16xf32>,
      %swap3A_98 = vector.shape_cast %swap3A_97 : vector<1x16xf32> to vector<16xf32>
      %swap3A_99 = vector.shape_cast %broadcast_in_dim3A_90 : vector<16xf32> to vector<1x16xf32>
      tpu.vector_store %arg10[%swap3A_95, %swap3A_96], %swap3A_99 {strides = array<i32>} : memref<640x16xf32, #tpu.memory_space<vmem>>, vector<1x16xf32>,
      %slice3A_100 = vector.extract_strided_slice %get3A_55 {offsets = [4], sizes = [1], strides = [1]} : vector<16xf32> to vector<1xf32>
      %squeeze3A_101 = vector.extract %slice3A_100[0] : f32 from vector<1xf32>
      %broadcast_in_dim3A_102 = vector.broadcast %squeeze3A_101 : f32 to vector<16xf32>
      %mul3A_103 = arith.constant 16 : i32
      %mul3A_104 = arith.muli %scan3A_50, %mul3A_103 : i32
      %add3A_105 = arith.constant 4 : i32
      %add3A_106 = arith.addi %mul3A_104, %add3A_105 : i32
      %swap3A_107 = arith.index_cast %add3A_106 : i32 to index
      %swap3A_108 = arith.constant 0 : index
      %swap3A_109 = tpu.vector_load %arg10[%swap3A_107, %swap3A_108] {strides = array<i32>} : memref<640x16xf32, #tpu.memory_space<vmem>>, vector<1x16xf32>,
      %swap3A_110 = vector.shape_cast %swap3A_109 : vector<1x16xf32> to vector<16xf32>
      %swap3A_111 = vector.shape_cast %broadcast_in_dim3A_102 : vector<16xf32> to vector<1x16xf32>
      tpu.vector_store %arg10[%swap3A_107, %swap3A_108], %swap3A_111 {strides = array<i32>} : memref<640x16xf32, #tpu.memory_space<vmem>>, vector<1x16xf32>,
      %slice3A_112 = vector.extract_strided_slice %get3A_55 {offsets = [5], sizes = [1], strides = [1]} : vector<16xf32> to vector<1xf32>
      %squeeze3A_113 = vector.extract %slice3A_112[0] : f32 from vector<1xf32>
      %broadcast_in_dim3A_114 = vector.broadcast %squeeze3A_113 : f32 to vector<16xf32>
      %mul3A_115 = arith.constant 16 : i32
      %mul3A_116 = arith.muli %scan3A_50, %mul3A_115 : i32
      %add3A_117 = arith.constant 5 : i32
      %add3A_118 = arith.addi %mul3A_116, %add3A_117 : i32
      %swap3A_119 = arith.index_cast %add3A_118 : i32 to index
      %swap3A_120 = arith.constant 0 : index
      %swap3A_121 = tpu.vector_load %arg10[%swap3A_119, %swap3A_120] {strides = array<i32>} : memref<640x16xf32, #tpu.memory_space<vmem>>, vector<1x16xf32>,
      %swap3A_122 = vector.shape_cast %swap3A_121 : vector<1x16xf32> to vector<16xf32>
      %swap3A_123 = vector.shape_cast %broadcast_in_dim3A_114 : vector<16xf32> to vector<1x16xf32>
      tpu.vector_store %arg10[%swap3A_119, %swap3A_120], %swap3A_123 {strides = array<i32>} : memref<640x16xf32, #tpu.memory_space<vmem>>, vector<1x16xf32>,
      %slice3A_124 = vector.extract_strided_slice %get3A_55 {offsets = [6], sizes = [1], strides = [1]} : vector<16xf32> to vector<1xf32>
      %squeeze3A_125 = vector.extract %slice3A_124[0] : f32 from vector<1xf32>
      %broadcast_in_dim3A_126 = vector.broadcast %squeeze3A_125 : f32 to vector<16xf32>
      %mul3A_127 = arith.constant 16 : i32
      %mul3A_128 = arith.muli %scan3A_50, %mul3A_127 : i32
      %add3A_129 = arith.constant 6 : i32
      %add3A_130 = arith.addi %mul3A_128, %add3A_129 : i32
      %swap3A_131 = arith.index_cast %add3A_130 : i32 to index
      %swap3A_132 = arith.constant 0 : index
      %swap3A_133 = tpu.vector_load %arg10[%swap3A_131, %swap3A_132] {strides = array<i32>} : memref<640x16xf32, #tpu.memory_space<vmem>>, vector<1x16xf32>,
      %swap3A_134 = vector.shape_cast %swap3A_133 : vector<1x16xf32> to vector<16xf32>
      %swap3A_135 = vector.shape_cast %broadcast_in_dim3A_126 : vector<16xf32> to vector<1x16xf32>
      tpu.vector_store %arg10[%swap3A_131, %swap3A_132], %swap3A_135 {strides = array<i32>} : memref<640x16xf32, #tpu.memory_space<vmem>>, vector<1x16xf32>,
      %slice3A_136 = vector.extract_strided_slice %get3A_55 {offsets = [7], sizes = [1], strides = [1]} : vector<16xf32> to vector<1xf32>
      %squeeze3A_137 = vector.extract %slice3A_136[0] : f32 from vector<1xf32>
      %broadcast_in_dim3A_138 = vector.broadcast %squeeze3A_137 : f32 to vector<16xf32>
      %mul3A_139 = arith.constant 16 : i32
      %mul3A_140 = arith.muli %scan3A_50, %mul3A_139 : i32
      %add3A_141 = arith.constant 7 : i32
      %add3A_142 = arith.addi %mul3A_140, %add3A_141 : i32
      %swap3A_143 = arith.index_cast %add3A_142 : i32 to index
      %swap3A_144 = arith.constant 0 : index
      %swap3A_145 = tpu.vector_load %arg10[%swap3A_143, %swap3A_144] {strides = array<i32>} : memref<640x16xf32, #tpu.memory_space<vmem>>, vector<1x16xf32>,
      %swap3A_146 = vector.shape_cast %swap3A_145 : vector<1x16xf32> to vector<16xf32>
      %swap3A_147 = vector.shape_cast %broadcast_in_dim3A_138 : vector<16xf32> to vector<1x16xf32>
      tpu.vector_store %arg10[%swap3A_143, %swap3A_144], %swap3A_147 {strides = array<i32>} : memref<640x16xf32, #tpu.memory_space<vmem>>, vector<1x16xf32>,
      %slice3A_148 = vector.extract_strided_slice %get3A_55 {offsets = [8], sizes = [1], strides = [1]} : vector<16xf32> to vector<1xf32>
      %squeeze3A_149 = vector.extract %slice3A_148[0] : f32 from vector<1xf32>
      %broadcast_in_dim3A_150 = vector.broadcast %squeeze3A_149 : f32 to vector<16xf32>
      %mul3A_151 = arith.constant 16 : i32
      %mul3A_152 = arith.muli %scan3A_50, %mul3A_151 : i32
      %add3A_153 = arith.constant 8 : i32
      %add3A_154 = arith.addi %mul3A_152, %add3A_153 : i32
      %swap3A_155 = arith.index_cast %add3A_154 : i32 to index
      %swap3A_156 = arith.constant 0 : index
      %swap3A_157 = tpu.vector_load %arg10[%swap3A_155, %swap3A_156] {strides = array<i32>} : memref<640x16xf32, #tpu.memory_space<vmem>>, vector<1x16xf32>,
      %swap3A_158 = vector.shape_cast %swap3A_157 : vector<1x16xf32> to vector<16xf32>
      %swap3A_159 = vector.shape_cast %broadcast_in_dim3A_150 : vector<16xf32> to vector<1x16xf32>
      tpu.vector_store %arg10[%swap3A_155, %swap3A_156], %swap3A_159 {strides = array<i32>} : memref<640x16xf32, #tpu.memory_space<vmem>>, vector<1x16xf32>,
      %slice3A_160 = vector.extract_strided_slice %get3A_55 {offsets = [9], sizes = [1], strides = [1]} : vector<16xf32> to vector<1xf32>
      %squeeze3A_161 = vector.extract %slice3A_160[0] : f32 from vector<1xf32>
      %broadcast_in_dim3A_162 = vector.broadcast %squeeze3A_161 : f32 to vector<16xf32>
      %mul3A_163 = arith.constant 16 : i32
      %mul3A_164 = arith.muli %scan3A_50, %mul3A_163 : i32
      %add3A_165 = arith.constant 9 : i32
      %add3A_166 = arith.addi %mul3A_164, %add3A_165 : i32
      %swap3A_167 = arith.index_cast %add3A_166 : i32 to index
      %swap3A_168 = arith.constant 0 : index
      %swap3A_169 = tpu.vector_load %arg10[%swap3A_167, %swap3A_168] {strides = array<i32>} : memref<640x16xf32, #tpu.memory_space<vmem>>, vector<1x16xf32>,
      %swap3A_170 = vector.shape_cast %swap3A_169 : vector<1x16xf32> to vector<16xf32>
      %swap3A_171 = vector.shape_cast %broadcast_in_dim3A_162 : vector<16xf32> to vector<1x16xf32>
      tpu.vector_store %arg10[%swap3A_167, %swap3A_168], %swap3A_171 {strides = array<i32>} : memref<640x16xf32, #tpu.memory_space<vmem>>, vector<1x16xf32>,
      %slice3A_172 = vector.extract_strided_slice %get3A_55 {offsets = [10], sizes = [1], strides = [1]} : vector<16xf32> to vector<1xf32>
      %squeeze3A_173 = vector.extract %slice3A_172[0] : f32 from vector<1xf32>
      %broadcast_in_dim3A_174 = vector.broadcast %squeeze3A_173 : f32 to vector<16xf32>
      %mul3A_175 = arith.constant 16 : i32
      %mul3A_176 = arith.muli %scan3A_50, %mul3A_175 : i32
      %add3A_177 = arith.constant 10 : i32
      %add3A_178 = arith.addi %mul3A_176, %add3A_177 : i32
      %swap3A_179 = arith.index_cast %add3A_178 : i32 to index
      %swap3A_180 = arith.constant 0 : index
      %swap3A_181 = tpu.vector_load %arg10[%swap3A_179, %swap3A_180] {strides = array<i32>} : memref<640x16xf32, #tpu.memory_space<vmem>>, vector<1x16xf32>,
      %swap3A_182 = vector.shape_cast %swap3A_181 : vector<1x16xf32> to vector<16xf32>
      %swap3A_183 = vector.shape_cast %broadcast_in_dim3A_174 : vector<16xf32> to vector<1x16xf32>
      tpu.vector_store %arg10[%swap3A_179, %swap3A_180], %swap3A_183 {strides = array<i32>} : memref<640x16xf32, #tpu.memory_space<vmem>>, vector<1x16xf32>,
      %slice3A_184 = vector.extract_strided_slice %get3A_55 {offsets = [11], sizes = [1], strides = [1]} : vector<16xf32> to vector<1xf32>
      %squeeze3A_185 = vector.extract %slice3A_184[0] : f32 from vector<1xf32>
      %broadcast_in_dim3A_186 = vector.broadcast %squeeze3A_185 : f32 to vector<16xf32>
      %mul3A_187 = arith.constant 16 : i32
      %mul3A_188 = arith.muli %scan3A_50, %mul3A_187 : i32
      %add3A_189 = arith.constant 11 : i32
      %add3A_190 = arith.addi %mul3A_188, %add3A_189 : i32
      %swap3A_191 = arith.index_cast %add3A_190 : i32 to index
      %swap3A_192 = arith.constant 0 : index
      %swap3A_193 = tpu.vector_load %arg10[%swap3A_191, %swap3A_192] {strides = array<i32>} : memref<640x16xf32, #tpu.memory_space<vmem>>, vector<1x16xf32>,
      %swap3A_194 = vector.shape_cast %swap3A_193 : vector<1x16xf32> to vector<16xf32>
      %swap3A_195 = vector.shape_cast %broadcast_in_dim3A_186 : vector<16xf32> to vector<1x16xf32>
      tpu.vector_store %arg10[%swap3A_191, %swap3A_192], %swap3A_195 {strides = array<i32>} : memref<640x16xf32, #tpu.memory_space<vmem>>, vector<1x16xf32>,
      %slice3A_196 = vector.extract_strided_slice %get3A_55 {offsets = [12], sizes = [1], strides = [1]} : vector<16xf32> to vector<1xf32>
      %squeeze3A_197 = vector.extract %slice3A_196[0] : f32 from vector<1xf32>
      %broadcast_in_dim3A_198 = vector.broadcast %squeeze3A_197 : f32 to vector<16xf32>
      %mul3A_199 = arith.constant 16 : i32
      %mul3A_200 = arith.muli %scan3A_50, %mul3A_199 : i32
      %add3A_201 = arith.constant 12 : i32
      %add3A_202 = arith.addi %mul3A_200, %add3A_201 : i32
      %swap3A_203 = arith.index_cast %add3A_202 : i32 to index
      %swap3A_204 = arith.constant 0 : index
      %swap3A_205 = tpu.vector_load %arg10[%swap3A_203, %swap3A_204] {strides = array<i32>} : memref<640x16xf32, #tpu.memory_space<vmem>>, vector<1x16xf32>,
      %swap3A_206 = vector.shape_cast %swap3A_205 : vector<1x16xf32> to vector<16xf32>
      %swap3A_207 = vector.shape_cast %broadcast_in_dim3A_198 : vector<16xf32> to vector<1x16xf32>
      tpu.vector_store %arg10[%swap3A_203, %swap3A_204], %swap3A_207 {strides = array<i32>} : memref<640x16xf32, #tpu.memory_space<vmem>>, vector<1x16xf32>,
      %slice3A_208 = vector.extract_strided_slice %get3A_55 {offsets = [13], sizes = [1], strides = [1]} : vector<16xf32> to vector<1xf32>
      %squeeze3A_209 = vector.extract %slice3A_208[0] : f32 from vector<1xf32>
      %broadcast_in_dim3A_210 = vector.broadcast %squeeze3A_209 : f32 to vector<16xf32>
      %mul3A_211 = arith.constant 16 : i32
      %mul3A_212 = arith.muli %scan3A_50, %mul3A_211 : i32
      %add3A_213 = arith.constant 13 : i32
      %add3A_214 = arith.addi %mul3A_212, %add3A_213 : i32
      %swap3A_215 = arith.index_cast %add3A_214 : i32 to index
      %swap3A_216 = arith.constant 0 : index
      %swap3A_217 = tpu.vector_load %arg10[%swap3A_215, %swap3A_216] {strides = array<i32>} : memref<640x16xf32, #tpu.memory_space<vmem>>, vector<1x16xf32>,
      %swap3A_218 = vector.shape_cast %swap3A_217 : vector<1x16xf32> to vector<16xf32>
      %swap3A_219 = vector.shape_cast %broadcast_in_dim3A_210 : vector<16xf32> to vector<1x16xf32>
      tpu.vector_store %arg10[%swap3A_215, %swap3A_216], %swap3A_219 {strides = array<i32>} : memref<640x16xf32, #tpu.memory_space<vmem>>, vector<1x16xf32>,
      %slice3A_220 = vector.extract_strided_slice %get3A_55 {offsets = [14], sizes = [1], strides = [1]} : vector<16xf32> to vector<1xf32>
      %squeeze3A_221 = vector.extract %slice3A_220[0] : f32 from vector<1xf32>
      %broadcast_in_dim3A_222 = vector.broadcast %squeeze3A_221 : f32 to vector<16xf32>
      %mul3A_223 = arith.constant 16 : i32
      %mul3A_224 = arith.muli %scan3A_50, %mul3A_223 : i32
      %add3A_225 = arith.constant 14 : i32
      %add3A_226 = arith.addi %mul3A_224, %add3A_225 : i32
      %swap3A_227 = arith.index_cast %add3A_226 : i32 to index
      %swap3A_228 = arith.constant 0 : index
      %swap3A_229 = tpu.vector_load %arg10[%swap3A_227, %swap3A_228] {strides = array<i32>} : memref<640x16xf32, #tpu.memory_space<vmem>>, vector<1x16xf32>,
      %swap3A_230 = vector.shape_cast %swap3A_229 : vector<1x16xf32> to vector<16xf32>
      %swap3A_231 = vector.shape_cast %broadcast_in_dim3A_222 : vector<16xf32> to vector<1x16xf32>
      tpu.vector_store %arg10[%swap3A_227, %swap3A_228], %swap3A_231 {strides = array<i32>} : memref<640x16xf32, #tpu.memory_space<vmem>>, vector<1x16xf32>,
      %slice3A_232 = vector.extract_strided_slice %get3A_55 {offsets = [15], sizes = [1], strides = [1]} : vector<16xf32> to vector<1xf32>
      %squeeze3A_233 = vector.extract %slice3A_232[0] : f32 from vector<1xf32>
      %broadcast_in_dim3A_234 = vector.broadcast %squeeze3A_233 : f32 to vector<16xf32>
      %mul3A_235 = arith.constant 16 : i32
      %mul3A_236 = arith.muli %scan3A_50, %mul3A_235 : i32
      %add3A_237 = arith.constant 15 : i32
      %add3A_238 = arith.addi %mul3A_236, %add3A_237 : i32
      %swap3A_239 = arith.index_cast %add3A_238 : i32 to index
      %swap3A_240 = arith.constant 0 : index
      %swap3A_241 = tpu.vector_load %arg10[%swap3A_239, %swap3A_240] {strides = array<i32>} : memref<640x16xf32, #tpu.memory_space<vmem>>, vector<1x16xf32>,
      %swap3A_242 = vector.shape_cast %swap3A_241 : vector<1x16xf32> to vector<16xf32>
      %swap3A_243 = vector.shape_cast %broadcast_in_dim3A_234 : vector<16xf32> to vector<1x16xf32>
      tpu.vector_store %arg10[%swap3A_239, %swap3A_240], %swap3A_243 {strides = array<i32>} : memref<640x16xf32, #tpu.memory_space<vmem>>, vector<1x16xf32>,
      %scan3A_244 = arith.constant 0 : i32
      scf.yield %scan3A_244 : i32
    }
    %scan3A_47 = arith.constant 40 : i32
    %mul3A_48 = arith.constant 640 : i32
    %mul3A_49 = arith.muli %arg1, %mul3A_48 : i32
    "tpu.region"() ({
      %run_scoped3A = tpu.sem_alloc : memref<!tpu.dma_semaphore, #tpu.memory_space<semaphore_mem>>
      %dma_start3A_50 = arith.constant 0 : i32
      %dma_start3A_51 = tpu.memref_slice %arg5[%arg0, %mul3A_49, %dma_start3A_50] : memref<2x10240x16xf32, #tpu.memory_space<hbm>> -> memref<1x640x16xf32, #tpu.memory_space<hbm>>
      %dma_start3A_52 = tpu.memref_squeeze %dma_start3A_51 : memref<1x640x16xf32, #tpu.memory_space<hbm>> -> memref<640x16xf32, #tpu.memory_space<hbm>>
      %dma_start3A_53 = arith.constant 0 : i32
      %dma_start3A_54 = tpu.memref_slice %arg5[%arg0, %mul3A_49, %dma_start3A_53] : memref<2x10240x16xf32, #tpu.memory_space<hbm>> -> memref<1x640x16xf32, #tpu.memory_space<hbm>>
      %dma_start3A_55 = tpu.memref_squeeze %dma_start3A_54 : memref<1x640x16xf32, #tpu.memory_space<hbm>> -> memref<640x16xf32, #tpu.memory_space<hbm>>
      tpu.enqueue_dma source(%arg10 : memref<640x16xf32, #tpu.memory_space<vmem>>) target(%dma_start3A_55 : memref<640x16xf32, #tpu.memory_space<hbm>>) target_semaphore(%run_scoped3A : memref<!tpu.dma_semaphore, #tpu.memory_space<semaphore_mem>>)
      %dma_wait3A_56 = arith.constant 0 : i32
      %dma_wait3A_57 = tpu.memref_slice %arg5[%arg0, %mul3A_49, %dma_wait3A_56] : memref<2x10240x16xf32, #tpu.memory_space<hbm>> -> memref<1x640x16xf32, #tpu.memory_space<hbm>>
      %dma_wait3A_58 = tpu.memref_squeeze %dma_wait3A_57 : memref<1x640x16xf32, #tpu.memory_space<hbm>> -> memref<640x16xf32, #tpu.memory_space<hbm>>
      %dma_wait3A_59 = arith.constant 0 : i32
      %dma_wait3A_60 = tpu.memref_slice %arg5[%arg0, %mul3A_49, %dma_wait3A_59] : memref<2x10240x16xf32, #tpu.memory_space<hbm>> -> memref<1x640x16xf32, #tpu.memory_space<hbm>>
      %dma_wait3A_61 = tpu.memref_squeeze %dma_wait3A_60 : memref<1x640x16xf32, #tpu.memory_space<hbm>> -> memref<640x16xf32, #tpu.memory_space<hbm>>
      tpu.wait_dma2 semaphore(%run_scoped3A : memref<!tpu.dma_semaphore, #tpu.memory_space<semaphore_mem>>) src(%arg10 : memref<640x16xf32, #tpu.memory_space<vmem>>) dst(%dma_wait3A_61 : memref<640x16xf32, #tpu.memory_space<hbm>>)
      tpu.yield
    }) : () -> ()
    return
  }
}

#map = affine_map<(d0, d1) -> (0)>
#map1 = affine_map<(d0, d1) -> (0, 0)>
#map2 = affine_map<(d0, d1) -> (0, 0, 0)>
module attributes {stable_mosaic.version = 14 : i64} {
  func.func @body(%arg0: i32, %arg1: i32, %arg2: memref<320000xi32, #tpu.memory_space<hbm>>, %arg3: memref<320000xi32, #tpu.memory_space<hbm>>, %arg4: memref<10000x16xf32, #tpu.memory_space<hbm>>, %arg5: memref<640x16xf32, #tpu.memory_space<hbm>>, %arg6: memref<2x10240x16xf32, #tpu.memory_space<hbm>>, %arg7: memref<2000xi32, #tpu.memory_space<vmem>>, %arg8: memref<2000xi32, #tpu.memory_space<vmem>>, %arg9: memref<2000xi32, #tpu.memory_space<vmem>>, %arg10: memref<2000xi32, #tpu.memory_space<vmem>>, %arg11: memref<2000x16xf32, #tpu.memory_space<vmem>>, %arg12: memref<2000x16xf32, #tpu.memory_space<vmem>>, %arg13: memref<10240x16xf32, #tpu.memory_space<vmem_shared>>, %arg14: memref<!tpu.dma_semaphore, #tpu.memory_space<semaphore_mem>>, %arg15: memref<!tpu.dma_semaphore, #tpu.memory_space<semaphore_mem>>, %arg16: memref<!tpu.dma_semaphore, #tpu.memory_space<semaphore_mem>>, %arg17: memref<!tpu.dma_semaphore, #tpu.memory_space<semaphore_mem>>) attributes {dimension_semantics = [#tpu.dimension_semantics<core_parallel>, #tpu.dimension_semantics<subcore_parallel>], iteration_bounds = array<i64: 2, 16>, scalar_prefetch = 0 : i64, scratch_operands = 11 : i64, tpu.core_type = #tpu.core_type<sc_vector_subcore>, window_params = [{transform_indices = #map}, {transform_indices = #map}, {transform_indices = #map1}, {transform_indices = #map1}, {transform_indices = #map2}]} {
    %mul3A = arith.constant 16 : i32
    %mul3A_0 = arith.muli %arg0, %mul3A : i32
    %add3A = arith.addi %mul3A_0, %arg1 : i32
    %mul3A_1 = arith.constant 640 : i32
    %mul3A_2 = arith.muli %arg1, %mul3A_1 : i32
    "tpu.region"() ({
      %run_scoped3A = tpu.sem_alloc : memref<!tpu.dma_semaphore, #tpu.memory_space<semaphore_mem>>
      %dma_start3A_106 = arith.constant 0 : i32
      %dma_start3A_107 = tpu.memref_slice %arg13[%mul3A_2, %dma_start3A_106] : memref<10240x16xf32, #tpu.memory_space<vmem_shared>> -> memref<640x16xf32, #tpu.memory_space<vmem_shared>>
      tpu.enqueue_dma source(%arg5 : memref<640x16xf32, #tpu.memory_space<hbm>>) target(%dma_start3A_107 : memref<640x16xf32, #tpu.memory_space<vmem_shared>>) target_semaphore(%run_scoped3A : memref<!tpu.dma_semaphore, #tpu.memory_space<semaphore_mem>>)
      %dma_wait3A_108 = arith.constant 0 : i32
      %dma_wait3A_109 = tpu.memref_slice %arg13[%mul3A_2, %dma_wait3A_108] : memref<10240x16xf32, #tpu.memory_space<vmem_shared>> -> memref<640x16xf32, #tpu.memory_space<vmem_shared>>
      tpu.wait_dma2 semaphore(%run_scoped3A : memref<!tpu.dma_semaphore, #tpu.memory_space<semaphore_mem>>) src(%arg5 : memref<640x16xf32, #tpu.memory_space<hbm>>) dst(%dma_wait3A_109 : memref<640x16xf32, #tpu.memory_space<vmem_shared>>)
      tpu.yield
    }) : () -> ()
    %mul3A_3 = arith.constant 10000 : i32
    %mul3A_4 = arith.muli %add3A, %mul3A_3 : i32
    "tpu.region"() ({
      %run_scoped3A = tpu.sem_alloc : memref<!tpu.dma_semaphore, #tpu.memory_space<semaphore_mem>>
      %dma_start3A_106 = tpu.memref_slice %arg2[%mul3A_4] : memref<320000xi32, #tpu.memory_space<hbm>> -> memref<2000xi32, #tpu.memory_space<hbm>>
      %dma_start3A_107 = tpu.memref_slice %arg2[%mul3A_4] : memref<320000xi32, #tpu.memory_space<hbm>> -> memref<2000xi32, #tpu.memory_space<hbm>>
      tpu.enqueue_dma source(%dma_start3A_107 : memref<2000xi32, #tpu.memory_space<hbm>>) target(%arg7 : memref<2000xi32, #tpu.memory_space<vmem>>) target_semaphore(%run_scoped3A : memref<!tpu.dma_semaphore, #tpu.memory_space<semaphore_mem>>)
      %dma_wait3A_108 = tpu.memref_slice %arg2[%mul3A_4] : memref<320000xi32, #tpu.memory_space<hbm>> -> memref<2000xi32, #tpu.memory_space<hbm>>
      %dma_wait3A_109 = tpu.memref_slice %arg2[%mul3A_4] : memref<320000xi32, #tpu.memory_space<hbm>> -> memref<2000xi32, #tpu.memory_space<hbm>>
      tpu.wait_dma2 semaphore(%run_scoped3A : memref<!tpu.dma_semaphore, #tpu.memory_space<semaphore_mem>>) src(%dma_wait3A_109 : memref<2000xi32, #tpu.memory_space<hbm>>) dst(%arg7 : memref<2000xi32, #tpu.memory_space<vmem>>)
      tpu.yield
    }) : () -> ()
    %dma_start3A = arith.constant 0 : i32
    %dma_start3A_5 = arith.constant 0 : i32
    %dma_start3A_6 = tpu.memref_slice %arg4[%dma_start3A, %dma_start3A_5] : memref<10000x16xf32, #tpu.memory_space<hbm>> -> memref<10000x16xf32, #tpu.memory_space<hbm>>
    tpu.enqueue_indirect_dma source(%dma_start3A_6 : memref<10000x16xf32, #tpu.memory_space<hbm>>) target(%arg11 : memref<2000x16xf32, #tpu.memory_space<vmem>>) offsets(%arg7 : memref<2000xi32, #tpu.memory_space<vmem>>) semaphore(%arg14 : memref<!tpu.dma_semaphore, #tpu.memory_space<semaphore_mem>>)
    %mul3A_7 = arith.constant 10000 : i32
    %mul3A_8 = arith.muli %add3A, %mul3A_7 : i32
    "tpu.region"() ({
      %run_scoped3A = tpu.sem_alloc : memref<!tpu.dma_semaphore, #tpu.memory_space<semaphore_mem>>
      %dma_start3A_106 = tpu.memref_slice %arg3[%mul3A_8] : memref<320000xi32, #tpu.memory_space<hbm>> -> memref<2000xi32, #tpu.memory_space<hbm>>
      %dma_start3A_107 = tpu.memref_slice %arg3[%mul3A_8] : memref<320000xi32, #tpu.memory_space<hbm>> -> memref<2000xi32, #tpu.memory_space<hbm>>
      tpu.enqueue_dma source(%dma_start3A_107 : memref<2000xi32, #tpu.memory_space<hbm>>) target(%arg9 : memref<2000xi32, #tpu.memory_space<vmem>>) target_semaphore(%run_scoped3A : memref<!tpu.dma_semaphore, #tpu.memory_space<semaphore_mem>>)
      %dma_wait3A_108 = tpu.memref_slice %arg3[%mul3A_8] : memref<320000xi32, #tpu.memory_space<hbm>> -> memref<2000xi32, #tpu.memory_space<hbm>>
      %dma_wait3A_109 = tpu.memref_slice %arg3[%mul3A_8] : memref<320000xi32, #tpu.memory_space<hbm>> -> memref<2000xi32, #tpu.memory_space<hbm>>
      tpu.wait_dma2 semaphore(%run_scoped3A : memref<!tpu.dma_semaphore, #tpu.memory_space<semaphore_mem>>) src(%dma_wait3A_109 : memref<2000xi32, #tpu.memory_space<hbm>>) dst(%arg9 : memref<2000xi32, #tpu.memory_space<vmem>>)
      tpu.yield
    }) : () -> ()
    %barrier3A = arith.constant 0 : index
    tpu.barrier barrier_id(%barrier3A)
    %mul3A_9 = arith.constant 10000 : i32
    %mul3A_10 = arith.muli %add3A, %mul3A_9 : i32
    %add3A_11 = arith.constant 0 : i32
    %add3A_12 = arith.addi %mul3A_10, %add3A_11 : i32
    %add3A_13 = arith.constant 2000 : i32
    %add3A_14 = arith.addi %add3A_12, %add3A_13 : i32
    "tpu.region"() ({
      %run_scoped3A = tpu.sem_alloc : memref<!tpu.dma_semaphore, #tpu.memory_space<semaphore_mem>>
      %dma_start3A_106 = tpu.memref_slice %arg2[%add3A_14] : memref<320000xi32, #tpu.memory_space<hbm>> -> memref<2000xi32, #tpu.memory_space<hbm>>
      %dma_start3A_107 = tpu.memref_slice %arg2[%add3A_14] : memref<320000xi32, #tpu.memory_space<hbm>> -> memref<2000xi32, #tpu.memory_space<hbm>>
      tpu.enqueue_dma source(%dma_start3A_107 : memref<2000xi32, #tpu.memory_space<hbm>>) target(%arg8 : memref<2000xi32, #tpu.memory_space<vmem>>) target_semaphore(%run_scoped3A : memref<!tpu.dma_semaphore, #tpu.memory_space<semaphore_mem>>)
      %dma_wait3A_108 = tpu.memref_slice %arg2[%add3A_14] : memref<320000xi32, #tpu.memory_space<hbm>> -> memref<2000xi32, #tpu.memory_space<hbm>>
      %dma_wait3A_109 = tpu.memref_slice %arg2[%add3A_14] : memref<320000xi32, #tpu.memory_space<hbm>> -> memref<2000xi32, #tpu.memory_space<hbm>>
      tpu.wait_dma2 semaphore(%run_scoped3A : memref<!tpu.dma_semaphore, #tpu.memory_space<semaphore_mem>>) src(%dma_wait3A_109 : memref<2000xi32, #tpu.memory_space<hbm>>) dst(%arg8 : memref<2000xi32, #tpu.memory_space<vmem>>)
      tpu.yield
    }) : () -> ()
    %dma_start3A_15 = arith.constant 0 : i32
    %dma_start3A_16 = arith.constant 0 : i32
    %dma_start3A_17 = tpu.memref_slice %arg4[%dma_start3A_15, %dma_start3A_16] : memref<10000x16xf32, #tpu.memory_space<hbm>> -> memref<10000x16xf32, #tpu.memory_space<hbm>>
    tpu.enqueue_indirect_dma source(%dma_start3A_17 : memref<10000x16xf32, #tpu.memory_space<hbm>>) target(%arg12 : memref<2000x16xf32, #tpu.memory_space<vmem>>) offsets(%arg8 : memref<2000xi32, #tpu.memory_space<vmem>>) semaphore(%arg15 : memref<!tpu.dma_semaphore, #tpu.memory_space<semaphore_mem>>)
    %add3A_18 = arith.constant 2000 : i32
    %add3A_19 = arith.addi %add3A_12, %add3A_18 : i32
    "tpu.region"() ({
      %run_scoped3A = tpu.sem_alloc : memref<!tpu.dma_semaphore, #tpu.memory_space<semaphore_mem>>
      %dma_start3A_106 = tpu.memref_slice %arg3[%add3A_19] : memref<320000xi32, #tpu.memory_space<hbm>> -> memref<2000xi32, #tpu.memory_space<hbm>>
      %dma_start3A_107 = tpu.memref_slice %arg3[%add3A_19] : memref<320000xi32, #tpu.memory_space<hbm>> -> memref<2000xi32, #tpu.memory_space<hbm>>
      tpu.enqueue_dma source(%dma_start3A_107 : memref<2000xi32, #tpu.memory_space<hbm>>) target(%arg10 : memref<2000xi32, #tpu.memory_space<vmem>>) target_semaphore(%run_scoped3A : memref<!tpu.dma_semaphore, #tpu.memory_space<semaphore_mem>>)
      %dma_wait3A_108 = tpu.memref_slice %arg3[%add3A_19] : memref<320000xi32, #tpu.memory_space<hbm>> -> memref<2000xi32, #tpu.memory_space<hbm>>
      %dma_wait3A_109 = tpu.memref_slice %arg3[%add3A_19] : memref<320000xi32, #tpu.memory_space<hbm>> -> memref<2000xi32, #tpu.memory_space<hbm>>
      tpu.wait_dma2 semaphore(%run_scoped3A : memref<!tpu.dma_semaphore, #tpu.memory_space<semaphore_mem>>) src(%dma_wait3A_109 : memref<2000xi32, #tpu.memory_space<hbm>>) dst(%arg10 : memref<2000xi32, #tpu.memory_space<vmem>>)
      tpu.yield
    }) : () -> ()
    %dma_wait3A = arith.constant 0 : i32
    %dma_wait3A_20 = arith.constant 0 : i32
    %dma_wait3A_21 = tpu.memref_slice %arg4[%dma_wait3A, %dma_wait3A_20] : memref<10000x16xf32, #tpu.memory_space<hbm>> -> memref<10000x16xf32, #tpu.memory_space<hbm>>
    tpu.wait_indirect_dma semaphore(%arg14 : memref<!tpu.dma_semaphore, #tpu.memory_space<semaphore_mem>>) src(%dma_wait3A_21 : memref<10000x16xf32, #tpu.memory_space<hbm>>) dst(%arg11 : memref<2000x16xf32, #tpu.memory_space<vmem>>)
    %dma_start3A_22 = arith.constant 0 : i32
    %dma_start3A_23 = arith.constant 0 : i32
    %dma_start3A_24 = tpu.memref_slice %arg13[%dma_start3A_22, %dma_start3A_23] : memref<10240x16xf32, #tpu.memory_space<vmem_shared>> -> memref<10240x16xf32, #tpu.memory_space<vmem_shared>>
    tpu.enqueue_indirect_dma source(%arg11 : memref<2000x16xf32, #tpu.memory_space<vmem>>) target(%dma_start3A_24 : memref<10240x16xf32, #tpu.memory_space<vmem_shared>>) offsets(%arg9 : memref<2000xi32, #tpu.memory_space<vmem>>) semaphore(%arg16 : memref<!tpu.dma_semaphore, #tpu.memory_space<semaphore_mem>>) {add = true}
    %mul3A_25 = arith.constant 10000 : i32
    %mul3A_26 = arith.muli %add3A, %mul3A_25 : i32
    %add3A_27 = arith.constant 2000 : i32
    %add3A_28 = arith.addi %mul3A_26, %add3A_27 : i32
    %add3A_29 = arith.constant 2000 : i32
    %add3A_30 = arith.addi %add3A_28, %add3A_29 : i32
    "tpu.region"() ({
      %run_scoped3A = tpu.sem_alloc : memref<!tpu.dma_semaphore, #tpu.memory_space<semaphore_mem>>
      %dma_start3A_106 = tpu.memref_slice %arg2[%add3A_30] : memref<320000xi32, #tpu.memory_space<hbm>> -> memref<2000xi32, #tpu.memory_space<hbm>>
      %dma_start3A_107 = tpu.memref_slice %arg2[%add3A_30] : memref<320000xi32, #tpu.memory_space<hbm>> -> memref<2000xi32, #tpu.memory_space<hbm>>
      tpu.enqueue_dma source(%dma_start3A_107 : memref<2000xi32, #tpu.memory_space<hbm>>) target(%arg7 : memref<2000xi32, #tpu.memory_space<vmem>>) target_semaphore(%run_scoped3A : memref<!tpu.dma_semaphore, #tpu.memory_space<semaphore_mem>>)
      %dma_wait3A_108 = tpu.memref_slice %arg2[%add3A_30] : memref<320000xi32, #tpu.memory_space<hbm>> -> memref<2000xi32, #tpu.memory_space<hbm>>
      %dma_wait3A_109 = tpu.memref_slice %arg2[%add3A_30] : memref<320000xi32, #tpu.memory_space<hbm>> -> memref<2000xi32, #tpu.memory_space<hbm>>
      tpu.wait_dma2 semaphore(%run_scoped3A : memref<!tpu.dma_semaphore, #tpu.memory_space<semaphore_mem>>) src(%dma_wait3A_109 : memref<2000xi32, #tpu.memory_space<hbm>>) dst(%arg7 : memref<2000xi32, #tpu.memory_space<vmem>>)
      tpu.yield
    }) : () -> ()
    %dma_wait3A_31 = arith.constant 0 : i32
    %dma_wait3A_32 = arith.constant 0 : i32
    %dma_wait3A_33 = tpu.memref_slice %arg13[%dma_wait3A_31, %dma_wait3A_32] : memref<10240x16xf32, #tpu.memory_space<vmem_shared>> -> memref<10240x16xf32, #tpu.memory_space<vmem_shared>>
    tpu.wait_indirect_dma semaphore(%arg16 : memref<!tpu.dma_semaphore, #tpu.memory_space<semaphore_mem>>) src(%arg11 : memref<2000x16xf32, #tpu.memory_space<vmem>>) dst(%dma_wait3A_33 : memref<10240x16xf32, #tpu.memory_space<vmem_shared>>)
    %dma_start3A_34 = arith.constant 0 : i32
    %dma_start3A_35 = arith.constant 0 : i32
    %dma_start3A_36 = tpu.memref_slice %arg4[%dma_start3A_34, %dma_start3A_35] : memref<10000x16xf32, #tpu.memory_space<hbm>> -> memref<10000x16xf32, #tpu.memory_space<hbm>>
    tpu.enqueue_indirect_dma source(%dma_start3A_36 : memref<10000x16xf32, #tpu.memory_space<hbm>>) target(%arg11 : memref<2000x16xf32, #tpu.memory_space<vmem>>) offsets(%arg7 : memref<2000xi32, #tpu.memory_space<vmem>>) semaphore(%arg14 : memref<!tpu.dma_semaphore, #tpu.memory_space<semaphore_mem>>)
    %add3A_37 = arith.constant 2000 : i32
    %add3A_38 = arith.addi %add3A_28, %add3A_37 : i32
    "tpu.region"() ({
      %run_scoped3A = tpu.sem_alloc : memref<!tpu.dma_semaphore, #tpu.memory_space<semaphore_mem>>
      %dma_start3A_106 = tpu.memref_slice %arg3[%add3A_38] : memref<320000xi32, #tpu.memory_space<hbm>> -> memref<2000xi32, #tpu.memory_space<hbm>>
      %dma_start3A_107 = tpu.memref_slice %arg3[%add3A_38] : memref<320000xi32, #tpu.memory_space<hbm>> -> memref<2000xi32, #tpu.memory_space<hbm>>
      tpu.enqueue_dma source(%dma_start3A_107 : memref<2000xi32, #tpu.memory_space<hbm>>) target(%arg9 : memref<2000xi32, #tpu.memory_space<vmem>>) target_semaphore(%run_scoped3A : memref<!tpu.dma_semaphore, #tpu.memory_space<semaphore_mem>>)
      %dma_wait3A_108 = tpu.memref_slice %arg3[%add3A_38] : memref<320000xi32, #tpu.memory_space<hbm>> -> memref<2000xi32, #tpu.memory_space<hbm>>
      %dma_wait3A_109 = tpu.memref_slice %arg3[%add3A_38] : memref<320000xi32, #tpu.memory_space<hbm>> -> memref<2000xi32, #tpu.memory_space<hbm>>
      tpu.wait_dma2 semaphore(%run_scoped3A : memref<!tpu.dma_semaphore, #tpu.memory_space<semaphore_mem>>) src(%dma_wait3A_109 : memref<2000xi32, #tpu.memory_space<hbm>>) dst(%arg9 : memref<2000xi32, #tpu.memory_space<vmem>>)
      tpu.yield
    }) : () -> ()
    %dma_wait3A_39 = arith.constant 0 : i32
    %dma_wait3A_40 = arith.constant 0 : i32
    %dma_wait3A_41 = tpu.memref_slice %arg4[%dma_wait3A_39, %dma_wait3A_40] : memref<10000x16xf32, #tpu.memory_space<hbm>> -> memref<10000x16xf32, #tpu.memory_space<hbm>>
    tpu.wait_indirect_dma semaphore(%arg15 : memref<!tpu.dma_semaphore, #tpu.memory_space<semaphore_mem>>) src(%dma_wait3A_41 : memref<10000x16xf32, #tpu.memory_space<hbm>>) dst(%arg12 : memref<2000x16xf32, #tpu.memory_space<vmem>>)
    %dma_start3A_42 = arith.constant 0 : i32
    %dma_start3A_43 = arith.constant 0 : i32
    %dma_start3A_44 = tpu.memref_slice %arg13[%dma_start3A_42, %dma_start3A_43] : memref<10240x16xf32, #tpu.memory_space<vmem_shared>> -> memref<10240x16xf32, #tpu.memory_space<vmem_shared>>
    tpu.enqueue_indirect_dma source(%arg12 : memref<2000x16xf32, #tpu.memory_space<vmem>>) target(%dma_start3A_44 : memref<10240x16xf32, #tpu.memory_space<vmem_shared>>) offsets(%arg10 : memref<2000xi32, #tpu.memory_space<vmem>>) semaphore(%arg17 : memref<!tpu.dma_semaphore, #tpu.memory_space<semaphore_mem>>) {add = true}
    %mul3A_45 = arith.constant 10000 : i32
    %mul3A_46 = arith.muli %add3A, %mul3A_45 : i32
    %add3A_47 = arith.constant 4000 : i32
    %add3A_48 = arith.addi %mul3A_46, %add3A_47 : i32
    %add3A_49 = arith.constant 2000 : i32
    %add3A_50 = arith.addi %add3A_48, %add3A_49 : i32
    "tpu.region"() ({
      %run_scoped3A = tpu.sem_alloc : memref<!tpu.dma_semaphore, #tpu.memory_space<semaphore_mem>>
      %dma_start3A_106 = tpu.memref_slice %arg2[%add3A_50] : memref<320000xi32, #tpu.memory_space<hbm>> -> memref<2000xi32, #tpu.memory_space<hbm>>
      %dma_start3A_107 = tpu.memref_slice %arg2[%add3A_50] : memref<320000xi32, #tpu.memory_space<hbm>> -> memref<2000xi32, #tpu.memory_space<hbm>>
      tpu.enqueue_dma source(%dma_start3A_107 : memref<2000xi32, #tpu.memory_space<hbm>>) target(%arg8 : memref<2000xi32, #tpu.memory_space<vmem>>) target_semaphore(%run_scoped3A : memref<!tpu.dma_semaphore, #tpu.memory_space<semaphore_mem>>)
      %dma_wait3A_108 = tpu.memref_slice %arg2[%add3A_50] : memref<320000xi32, #tpu.memory_space<hbm>> -> memref<2000xi32, #tpu.memory_space<hbm>>
      %dma_wait3A_109 = tpu.memref_slice %arg2[%add3A_50] : memref<320000xi32, #tpu.memory_space<hbm>> -> memref<2000xi32, #tpu.memory_space<hbm>>
      tpu.wait_dma2 semaphore(%run_scoped3A : memref<!tpu.dma_semaphore, #tpu.memory_space<semaphore_mem>>) src(%dma_wait3A_109 : memref<2000xi32, #tpu.memory_space<hbm>>) dst(%arg8 : memref<2000xi32, #tpu.memory_space<vmem>>)
      tpu.yield
    }) : () -> ()
    %dma_wait3A_51 = arith.constant 0 : i32
    %dma_wait3A_52 = arith.constant 0 : i32
    %dma_wait3A_53 = tpu.memref_slice %arg13[%dma_wait3A_51, %dma_wait3A_52] : memref<10240x16xf32, #tpu.memory_space<vmem_shared>> -> memref<10240x16xf32, #tpu.memory_space<vmem_shared>>
    tpu.wait_indirect_dma semaphore(%arg17 : memref<!tpu.dma_semaphore, #tpu.memory_space<semaphore_mem>>) src(%arg12 : memref<2000x16xf32, #tpu.memory_space<vmem>>) dst(%dma_wait3A_53 : memref<10240x16xf32, #tpu.memory_space<vmem_shared>>)
    %dma_start3A_54 = arith.constant 0 : i32
    %dma_start3A_55 = arith.constant 0 : i32
    %dma_start3A_56 = tpu.memref_slice %arg4[%dma_start3A_54, %dma_start3A_55] : memref<10000x16xf32, #tpu.memory_space<hbm>> -> memref<10000x16xf32, #tpu.memory_space<hbm>>
    tpu.enqueue_indirect_dma source(%dma_start3A_56 : memref<10000x16xf32, #tpu.memory_space<hbm>>) target(%arg12 : memref<2000x16xf32, #tpu.memory_space<vmem>>) offsets(%arg8 : memref<2000xi32, #tpu.memory_space<vmem>>) semaphore(%arg15 : memref<!tpu.dma_semaphore, #tpu.memory_space<semaphore_mem>>)
    %add3A_57 = arith.constant 2000 : i32
    %add3A_58 = arith.addi %add3A_48, %add3A_57 : i32
    "tpu.region"() ({
      %run_scoped3A = tpu.sem_alloc : memref<!tpu.dma_semaphore, #tpu.memory_space<semaphore_mem>>
      %dma_start3A_106 = tpu.memref_slice %arg3[%add3A_58] : memref<320000xi32, #tpu.memory_space<hbm>> -> memref<2000xi32, #tpu.memory_space<hbm>>
      %dma_start3A_107 = tpu.memref_slice %arg3[%add3A_58] : memref<320000xi32, #tpu.memory_space<hbm>> -> memref<2000xi32, #tpu.memory_space<hbm>>
      tpu.enqueue_dma source(%dma_start3A_107 : memref<2000xi32, #tpu.memory_space<hbm>>) target(%arg10 : memref<2000xi32, #tpu.memory_space<vmem>>) target_semaphore(%run_scoped3A : memref<!tpu.dma_semaphore, #tpu.memory_space<semaphore_mem>>)
      %dma_wait3A_108 = tpu.memref_slice %arg3[%add3A_58] : memref<320000xi32, #tpu.memory_space<hbm>> -> memref<2000xi32, #tpu.memory_space<hbm>>
      %dma_wait3A_109 = tpu.memref_slice %arg3[%add3A_58] : memref<320000xi32, #tpu.memory_space<hbm>> -> memref<2000xi32, #tpu.memory_space<hbm>>
      tpu.wait_dma2 semaphore(%run_scoped3A : memref<!tpu.dma_semaphore, #tpu.memory_space<semaphore_mem>>) src(%dma_wait3A_109 : memref<2000xi32, #tpu.memory_space<hbm>>) dst(%arg10 : memref<2000xi32, #tpu.memory_space<vmem>>)
      tpu.yield
    }) : () -> ()
    %dma_wait3A_59 = arith.constant 0 : i32
    %dma_wait3A_60 = arith.constant 0 : i32
    %dma_wait3A_61 = tpu.memref_slice %arg4[%dma_wait3A_59, %dma_wait3A_60] : memref<10000x16xf32, #tpu.memory_space<hbm>> -> memref<10000x16xf32, #tpu.memory_space<hbm>>
    tpu.wait_indirect_dma semaphore(%arg14 : memref<!tpu.dma_semaphore, #tpu.memory_space<semaphore_mem>>) src(%dma_wait3A_61 : memref<10000x16xf32, #tpu.memory_space<hbm>>) dst(%arg11 : memref<2000x16xf32, #tpu.memory_space<vmem>>)
    %dma_start3A_62 = arith.constant 0 : i32
    %dma_start3A_63 = arith.constant 0 : i32
    %dma_start3A_64 = tpu.memref_slice %arg13[%dma_start3A_62, %dma_start3A_63] : memref<10240x16xf32, #tpu.memory_space<vmem_shared>> -> memref<10240x16xf32, #tpu.memory_space<vmem_shared>>
    tpu.enqueue_indirect_dma source(%arg11 : memref<2000x16xf32, #tpu.memory_space<vmem>>) target(%dma_start3A_64 : memref<10240x16xf32, #tpu.memory_space<vmem_shared>>) offsets(%arg9 : memref<2000xi32, #tpu.memory_space<vmem>>) semaphore(%arg16 : memref<!tpu.dma_semaphore, #tpu.memory_space<semaphore_mem>>) {add = true}
    %mul3A_65 = arith.constant 10000 : i32
    %mul3A_66 = arith.muli %add3A, %mul3A_65 : i32
    %add3A_67 = arith.constant 6000 : i32
    %add3A_68 = arith.addi %mul3A_66, %add3A_67 : i32
    %add3A_69 = arith.constant 2000 : i32
    %add3A_70 = arith.addi %add3A_68, %add3A_69 : i32
    "tpu.region"() ({
      %run_scoped3A = tpu.sem_alloc : memref<!tpu.dma_semaphore, #tpu.memory_space<semaphore_mem>>
      %dma_start3A_106 = tpu.memref_slice %arg2[%add3A_70] : memref<320000xi32, #tpu.memory_space<hbm>> -> memref<2000xi32, #tpu.memory_space<hbm>>
      %dma_start3A_107 = tpu.memref_slice %arg2[%add3A_70] : memref<320000xi32, #tpu.memory_space<hbm>> -> memref<2000xi32, #tpu.memory_space<hbm>>
      tpu.enqueue_dma source(%dma_start3A_107 : memref<2000xi32, #tpu.memory_space<hbm>>) target(%arg7 : memref<2000xi32, #tpu.memory_space<vmem>>) target_semaphore(%run_scoped3A : memref<!tpu.dma_semaphore, #tpu.memory_space<semaphore_mem>>)
      %dma_wait3A_108 = tpu.memref_slice %arg2[%add3A_70] : memref<320000xi32, #tpu.memory_space<hbm>> -> memref<2000xi32, #tpu.memory_space<hbm>>
      %dma_wait3A_109 = tpu.memref_slice %arg2[%add3A_70] : memref<320000xi32, #tpu.memory_space<hbm>> -> memref<2000xi32, #tpu.memory_space<hbm>>
      tpu.wait_dma2 semaphore(%run_scoped3A : memref<!tpu.dma_semaphore, #tpu.memory_space<semaphore_mem>>) src(%dma_wait3A_109 : memref<2000xi32, #tpu.memory_space<hbm>>) dst(%arg7 : memref<2000xi32, #tpu.memory_space<vmem>>)
      tpu.yield
    }) : () -> ()
    %dma_wait3A_71 = arith.constant 0 : i32
    %dma_wait3A_72 = arith.constant 0 : i32
    %dma_wait3A_73 = tpu.memref_slice %arg13[%dma_wait3A_71, %dma_wait3A_72] : memref<10240x16xf32, #tpu.memory_space<vmem_shared>> -> memref<10240x16xf32, #tpu.memory_space<vmem_shared>>
    tpu.wait_indirect_dma semaphore(%arg16 : memref<!tpu.dma_semaphore, #tpu.memory_space<semaphore_mem>>) src(%arg11 : memref<2000x16xf32, #tpu.memory_space<vmem>>) dst(%dma_wait3A_73 : memref<10240x16xf32, #tpu.memory_space<vmem_shared>>)
    %dma_start3A_74 = arith.constant 0 : i32
    %dma_start3A_75 = arith.constant 0 : i32
    %dma_start3A_76 = tpu.memref_slice %arg4[%dma_start3A_74, %dma_start3A_75] : memref<10000x16xf32, #tpu.memory_space<hbm>> -> memref<10000x16xf32, #tpu.memory_space<hbm>>
    tpu.enqueue_indirect_dma source(%dma_start3A_76 : memref<10000x16xf32, #tpu.memory_space<hbm>>) target(%arg11 : memref<2000x16xf32, #tpu.memory_space<vmem>>) offsets(%arg7 : memref<2000xi32, #tpu.memory_space<vmem>>) semaphore(%arg14 : memref<!tpu.dma_semaphore, #tpu.memory_space<semaphore_mem>>)
    %add3A_77 = arith.constant 2000 : i32
    %add3A_78 = arith.addi %add3A_68, %add3A_77 : i32
    "tpu.region"() ({
      %run_scoped3A = tpu.sem_alloc : memref<!tpu.dma_semaphore, #tpu.memory_space<semaphore_mem>>
      %dma_start3A_106 = tpu.memref_slice %arg3[%add3A_78] : memref<320000xi32, #tpu.memory_space<hbm>> -> memref<2000xi32, #tpu.memory_space<hbm>>
      %dma_start3A_107 = tpu.memref_slice %arg3[%add3A_78] : memref<320000xi32, #tpu.memory_space<hbm>> -> memref<2000xi32, #tpu.memory_space<hbm>>
      tpu.enqueue_dma source(%dma_start3A_107 : memref<2000xi32, #tpu.memory_space<hbm>>) target(%arg9 : memref<2000xi32, #tpu.memory_space<vmem>>) target_semaphore(%run_scoped3A : memref<!tpu.dma_semaphore, #tpu.memory_space<semaphore_mem>>)
      %dma_wait3A_108 = tpu.memref_slice %arg3[%add3A_78] : memref<320000xi32, #tpu.memory_space<hbm>> -> memref<2000xi32, #tpu.memory_space<hbm>>
      %dma_wait3A_109 = tpu.memref_slice %arg3[%add3A_78] : memref<320000xi32, #tpu.memory_space<hbm>> -> memref<2000xi32, #tpu.memory_space<hbm>>
      tpu.wait_dma2 semaphore(%run_scoped3A : memref<!tpu.dma_semaphore, #tpu.memory_space<semaphore_mem>>) src(%dma_wait3A_109 : memref<2000xi32, #tpu.memory_space<hbm>>) dst(%arg9 : memref<2000xi32, #tpu.memory_space<vmem>>)
      tpu.yield
    }) : () -> ()
    %dma_wait3A_79 = arith.constant 0 : i32
    %dma_wait3A_80 = arith.constant 0 : i32
    %dma_wait3A_81 = tpu.memref_slice %arg4[%dma_wait3A_79, %dma_wait3A_80] : memref<10000x16xf32, #tpu.memory_space<hbm>> -> memref<10000x16xf32, #tpu.memory_space<hbm>>
    tpu.wait_indirect_dma semaphore(%arg15 : memref<!tpu.dma_semaphore, #tpu.memory_space<semaphore_mem>>) src(%dma_wait3A_81 : memref<10000x16xf32, #tpu.memory_space<hbm>>) dst(%arg12 : memref<2000x16xf32, #tpu.memory_space<vmem>>)
    %dma_start3A_82 = arith.constant 0 : i32
    %dma_start3A_83 = arith.constant 0 : i32
    %dma_start3A_84 = tpu.memref_slice %arg13[%dma_start3A_82, %dma_start3A_83] : memref<10240x16xf32, #tpu.memory_space<vmem_shared>> -> memref<10240x16xf32, #tpu.memory_space<vmem_shared>>
    tpu.enqueue_indirect_dma source(%arg12 : memref<2000x16xf32, #tpu.memory_space<vmem>>) target(%dma_start3A_84 : memref<10240x16xf32, #tpu.memory_space<vmem_shared>>) offsets(%arg10 : memref<2000xi32, #tpu.memory_space<vmem>>) semaphore(%arg17 : memref<!tpu.dma_semaphore, #tpu.memory_space<semaphore_mem>>) {add = true}
    %mul3A_85 = arith.constant 10000 : i32
    %mul3A_86 = arith.muli %add3A, %mul3A_85 : i32
    %add3A_87 = arith.constant 8000 : i32
    %add3A_88 = arith.addi %mul3A_86, %add3A_87 : i32
    %dma_wait3A_89 = arith.constant 0 : i32
    %dma_wait3A_90 = arith.constant 0 : i32
    %dma_wait3A_91 = tpu.memref_slice %arg4[%dma_wait3A_89, %dma_wait3A_90] : memref<10000x16xf32, #tpu.memory_space<hbm>> -> memref<10000x16xf32, #tpu.memory_space<hbm>>
    tpu.wait_indirect_dma semaphore(%arg14 : memref<!tpu.dma_semaphore, #tpu.memory_space<semaphore_mem>>) src(%dma_wait3A_91 : memref<10000x16xf32, #tpu.memory_space<hbm>>) dst(%arg11 : memref<2000x16xf32, #tpu.memory_space<vmem>>)
    %dma_start3A_92 = arith.constant 0 : i32
    %dma_start3A_93 = arith.constant 0 : i32
    %dma_start3A_94 = tpu.memref_slice %arg13[%dma_start3A_92, %dma_start3A_93] : memref<10240x16xf32, #tpu.memory_space<vmem_shared>> -> memref<10240x16xf32, #tpu.memory_space<vmem_shared>>
    tpu.enqueue_indirect_dma source(%arg11 : memref<2000x16xf32, #tpu.memory_space<vmem>>) target(%dma_start3A_94 : memref<10240x16xf32, #tpu.memory_space<vmem_shared>>) offsets(%arg9 : memref<2000xi32, #tpu.memory_space<vmem>>) semaphore(%arg16 : memref<!tpu.dma_semaphore, #tpu.memory_space<semaphore_mem>>) {add = true}
    %dma_wait3A_95 = arith.constant 0 : i32
    %dma_wait3A_96 = arith.constant 0 : i32
    %dma_wait3A_97 = tpu.memref_slice %arg13[%dma_wait3A_95, %dma_wait3A_96] : memref<10240x16xf32, #tpu.memory_space<vmem_shared>> -> memref<10240x16xf32, #tpu.memory_space<vmem_shared>>
    tpu.wait_indirect_dma semaphore(%arg16 : memref<!tpu.dma_semaphore, #tpu.memory_space<semaphore_mem>>) src(%arg11 : memref<2000x16xf32, #tpu.memory_space<vmem>>) dst(%dma_wait3A_97 : memref<10240x16xf32, #tpu.memory_space<vmem_shared>>)
    %dma_wait3A_98 = arith.constant 0 : i32
    %dma_wait3A_99 = arith.constant 0 : i32
    %dma_wait3A_100 = tpu.memref_slice %arg13[%dma_wait3A_98, %dma_wait3A_99] : memref<10240x16xf32, #tpu.memory_space<vmem_shared>> -> memref<10240x16xf32, #tpu.memory_space<vmem_shared>>
    tpu.wait_indirect_dma semaphore(%arg17 : memref<!tpu.dma_semaphore, #tpu.memory_space<semaphore_mem>>) src(%arg12 : memref<2000x16xf32, #tpu.memory_space<vmem>>) dst(%dma_wait3A_100 : memref<10240x16xf32, #tpu.memory_space<vmem_shared>>)
    %barrier3A_101 = arith.constant 0 : index
    tpu.barrier barrier_id(%barrier3A_101)
    %mul3A_102 = arith.constant 640 : i32
    %mul3A_103 = arith.muli %arg1, %mul3A_102 : i32
    %mul3A_104 = arith.constant 640 : i32
    %mul3A_105 = arith.muli %arg1, %mul3A_104 : i32
    "tpu.region"() ({
      %run_scoped3A = tpu.sem_alloc : memref<!tpu.dma_semaphore, #tpu.memory_space<semaphore_mem>>
      %dma_start3A_106 = arith.constant 0 : i32
      %dma_start3A_107 = tpu.memref_slice %arg6[%arg0, %mul3A_105, %dma_start3A_106] : memref<2x10240x16xf32, #tpu.memory_space<hbm>> -> memref<1x640x16xf32, #tpu.memory_space<hbm>>
      %dma_start3A_108 = tpu.memref_squeeze %dma_start3A_107 : memref<1x640x16xf32, #tpu.memory_space<hbm>> -> memref<640x16xf32, #tpu.memory_space<hbm>>
      %dma_start3A_109 = arith.constant 0 : i32
      %dma_start3A_110 = tpu.memref_slice %arg13[%mul3A_103, %dma_start3A_109] : memref<10240x16xf32, #tpu.memory_space<vmem_shared>> -> memref<640x16xf32, #tpu.memory_space<vmem_shared>>
      tpu.enqueue_dma source(%dma_start3A_110 : memref<640x16xf32, #tpu.memory_space<vmem_shared>>) target(%dma_start3A_108 : memref<640x16xf32, #tpu.memory_space<hbm>>) target_semaphore(%run_scoped3A : memref<!tpu.dma_semaphore, #tpu.memory_space<semaphore_mem>>)
      %dma_wait3A_111 = arith.constant 0 : i32
      %dma_wait3A_112 = tpu.memref_slice %arg6[%arg0, %mul3A_105, %dma_wait3A_111] : memref<2x10240x16xf32, #tpu.memory_space<hbm>> -> memref<1x640x16xf32, #tpu.memory_space<hbm>>
      %dma_wait3A_113 = tpu.memref_squeeze %dma_wait3A_112 : memref<1x640x16xf32, #tpu.memory_space<hbm>> -> memref<640x16xf32, #tpu.memory_space<hbm>>
      %dma_wait3A_114 = arith.constant 0 : i32
      %dma_wait3A_115 = tpu.memref_slice %arg13[%mul3A_103, %dma_wait3A_114] : memref<10240x16xf32, #tpu.memory_space<vmem_shared>> -> memref<640x16xf32, #tpu.memory_space<vmem_shared>>
      tpu.wait_dma2 semaphore(%run_scoped3A : memref<!tpu.dma_semaphore, #tpu.memory_space<semaphore_mem>>) src(%dma_wait3A_115 : memref<640x16xf32, #tpu.memory_space<vmem_shared>>) dst(%dma_wait3A_113 : memref<640x16xf32, #tpu.memory_space<hbm>>)
      tpu.yield
    }) : () -> ()
    return
  }
}

#map = affine_map<(d0, d1) -> (0)>
#map1 = affine_map<(d0, d1) -> (0, 0)>
#map2 = affine_map<(d0, d1) -> (0, 0, 0)>
module attributes {stable_mosaic.version = 14 : i64} {
  func.func @body(%arg0: i32, %arg1: i32, %arg2: memref<320000xi32, #tpu.memory_space<hbm>>, %arg3: memref<320000xi32, #tpu.memory_space<hbm>>, %arg4: memref<10000x16xf32, #tpu.memory_space<hbm>>, %arg5: memref<640x16xf32, #tpu.memory_space<hbm>>, %arg6: memref<2x10240x16xf32, #tpu.memory_space<hbm>>, %arg7: memref<2000xi32, #tpu.memory_space<vmem>>, %arg8: memref<2000xi32, #tpu.memory_space<vmem>>, %arg9: memref<2000xi32, #tpu.memory_space<vmem>>, %arg10: memref<2000xi32, #tpu.memory_space<vmem>>, %arg11: memref<2000x16xf32, #tpu.memory_space<vmem>>, %arg12: memref<2000x16xf32, #tpu.memory_space<vmem>>, %arg13: memref<10240x16xf32, #tpu.memory_space<vmem_shared>>, %arg14: memref<!tpu.dma_semaphore, #tpu.memory_space<semaphore_mem>>, %arg15: memref<!tpu.dma_semaphore, #tpu.memory_space<semaphore_mem>>, %arg16: memref<!tpu.dma_semaphore, #tpu.memory_space<semaphore_mem>>, %arg17: memref<!tpu.dma_semaphore, #tpu.memory_space<semaphore_mem>>) attributes {dimension_semantics = [#tpu.dimension_semantics<core_parallel>, #tpu.dimension_semantics<subcore_parallel>], iteration_bounds = array<i64: 2, 16>, scalar_prefetch = 0 : i64, scratch_operands = 11 : i64, tpu.core_type = #tpu.core_type<sc_vector_subcore>, window_params = [{transform_indices = #map}, {transform_indices = #map}, {transform_indices = #map1}, {transform_indices = #map1}, {transform_indices = #map2}]} {
    %mul3A = arith.constant 16 : i32
    %mul3A_0 = arith.muli %arg0, %mul3A : i32
    %add3A = arith.addi %mul3A_0, %arg1 : i32
    %mul3A_1 = arith.constant 640 : i32
    %mul3A_2 = arith.muli %arg1, %mul3A_1 : i32
    "tpu.region"() ({
      %run_scoped3A = tpu.sem_alloc : memref<!tpu.dma_semaphore, #tpu.memory_space<semaphore_mem>>
      %dma_start3A_106 = arith.constant 0 : i32
      %dma_start3A_107 = tpu.memref_slice %arg13[%mul3A_2, %dma_start3A_106] : memref<10240x16xf32, #tpu.memory_space<vmem_shared>> -> memref<640x16xf32, #tpu.memory_space<vmem_shared>>
      tpu.enqueue_dma source(%arg5 : memref<640x16xf32, #tpu.memory_space<hbm>>) target(%dma_start3A_107 : memref<640x16xf32, #tpu.memory_space<vmem_shared>>) target_semaphore(%run_scoped3A : memref<!tpu.dma_semaphore, #tpu.memory_space<semaphore_mem>>)
      %dma_wait3A_108 = arith.constant 0 : i32
      %dma_wait3A_109 = tpu.memref_slice %arg13[%mul3A_2, %dma_wait3A_108] : memref<10240x16xf32, #tpu.memory_space<vmem_shared>> -> memref<640x16xf32, #tpu.memory_space<vmem_shared>>
      tpu.wait_dma2 semaphore(%run_scoped3A : memref<!tpu.dma_semaphore, #tpu.memory_space<semaphore_mem>>) src(%arg5 : memref<640x16xf32, #tpu.memory_space<hbm>>) dst(%dma_wait3A_109 : memref<640x16xf32, #tpu.memory_space<vmem_shared>>)
      tpu.yield
    }) : () -> ()
    %mul3A_3 = arith.constant 10000 : i32
    %mul3A_4 = arith.muli %add3A, %mul3A_3 : i32
    "tpu.region"() ({
      %run_scoped3A = tpu.sem_alloc : memref<!tpu.dma_semaphore, #tpu.memory_space<semaphore_mem>>
      %dma_start3A_106 = tpu.memref_slice %arg2[%mul3A_4] : memref<320000xi32, #tpu.memory_space<hbm>> -> memref<2000xi32, #tpu.memory_space<hbm>>
      %dma_start3A_107 = tpu.memref_slice %arg2[%mul3A_4] : memref<320000xi32, #tpu.memory_space<hbm>> -> memref<2000xi32, #tpu.memory_space<hbm>>
      tpu.enqueue_dma source(%dma_start3A_107 : memref<2000xi32, #tpu.memory_space<hbm>>) target(%arg7 : memref<2000xi32, #tpu.memory_space<vmem>>) target_semaphore(%run_scoped3A : memref<!tpu.dma_semaphore, #tpu.memory_space<semaphore_mem>>)
      %dma_wait3A_108 = tpu.memref_slice %arg2[%mul3A_4] : memref<320000xi32, #tpu.memory_space<hbm>> -> memref<2000xi32, #tpu.memory_space<hbm>>
      %dma_wait3A_109 = tpu.memref_slice %arg2[%mul3A_4] : memref<320000xi32, #tpu.memory_space<hbm>> -> memref<2000xi32, #tpu.memory_space<hbm>>
      tpu.wait_dma2 semaphore(%run_scoped3A : memref<!tpu.dma_semaphore, #tpu.memory_space<semaphore_mem>>) src(%dma_wait3A_109 : memref<2000xi32, #tpu.memory_space<hbm>>) dst(%arg7 : memref<2000xi32, #tpu.memory_space<vmem>>)
      tpu.yield
    }) : () -> ()
    %dma_start3A = arith.constant 0 : i32
    %dma_start3A_5 = arith.constant 0 : i32
    %dma_start3A_6 = tpu.memref_slice %arg4[%dma_start3A, %dma_start3A_5] : memref<10000x16xf32, #tpu.memory_space<hbm>> -> memref<10000x16xf32, #tpu.memory_space<hbm>>
    tpu.enqueue_indirect_dma source(%dma_start3A_6 : memref<10000x16xf32, #tpu.memory_space<hbm>>) target(%arg11 : memref<2000x16xf32, #tpu.memory_space<vmem>>) offsets(%arg7 : memref<2000xi32, #tpu.memory_space<vmem>>) semaphore(%arg14 : memref<!tpu.dma_semaphore, #tpu.memory_space<semaphore_mem>>)
    %mul3A_7 = arith.constant 10000 : i32
    %mul3A_8 = arith.muli %add3A, %mul3A_7 : i32
    "tpu.region"() ({
      %run_scoped3A = tpu.sem_alloc : memref<!tpu.dma_semaphore, #tpu.memory_space<semaphore_mem>>
      %dma_start3A_106 = tpu.memref_slice %arg3[%mul3A_8] : memref<320000xi32, #tpu.memory_space<hbm>> -> memref<2000xi32, #tpu.memory_space<hbm>>
      %dma_start3A_107 = tpu.memref_slice %arg3[%mul3A_8] : memref<320000xi32, #tpu.memory_space<hbm>> -> memref<2000xi32, #tpu.memory_space<hbm>>
      tpu.enqueue_dma source(%dma_start3A_107 : memref<2000xi32, #tpu.memory_space<hbm>>) target(%arg9 : memref<2000xi32, #tpu.memory_space<vmem>>) target_semaphore(%run_scoped3A : memref<!tpu.dma_semaphore, #tpu.memory_space<semaphore_mem>>)
      %dma_wait3A_108 = tpu.memref_slice %arg3[%mul3A_8] : memref<320000xi32, #tpu.memory_space<hbm>> -> memref<2000xi32, #tpu.memory_space<hbm>>
      %dma_wait3A_109 = tpu.memref_slice %arg3[%mul3A_8] : memref<320000xi32, #tpu.memory_space<hbm>> -> memref<2000xi32, #tpu.memory_space<hbm>>
      tpu.wait_dma2 semaphore(%run_scoped3A : memref<!tpu.dma_semaphore, #tpu.memory_space<semaphore_mem>>) src(%dma_wait3A_109 : memref<2000xi32, #tpu.memory_space<hbm>>) dst(%arg9 : memref<2000xi32, #tpu.memory_space<vmem>>)
      tpu.yield
    }) : () -> ()
    %barrier3A = arith.constant 0 : index
    tpu.barrier barrier_id(%barrier3A)
    %mul3A_9 = arith.constant 10000 : i32
    %mul3A_10 = arith.muli %add3A, %mul3A_9 : i32
    %add3A_11 = arith.constant 0 : i32
    %add3A_12 = arith.addi %mul3A_10, %add3A_11 : i32
    %add3A_13 = arith.constant 2000 : i32
    %add3A_14 = arith.addi %add3A_12, %add3A_13 : i32
    "tpu.region"() ({
      %run_scoped3A = tpu.sem_alloc : memref<!tpu.dma_semaphore, #tpu.memory_space<semaphore_mem>>
      %dma_start3A_106 = tpu.memref_slice %arg2[%add3A_14] : memref<320000xi32, #tpu.memory_space<hbm>> -> memref<2000xi32, #tpu.memory_space<hbm>>
      %dma_start3A_107 = tpu.memref_slice %arg2[%add3A_14] : memref<320000xi32, #tpu.memory_space<hbm>> -> memref<2000xi32, #tpu.memory_space<hbm>>
      tpu.enqueue_dma source(%dma_start3A_107 : memref<2000xi32, #tpu.memory_space<hbm>>) target(%arg8 : memref<2000xi32, #tpu.memory_space<vmem>>) target_semaphore(%run_scoped3A : memref<!tpu.dma_semaphore, #tpu.memory_space<semaphore_mem>>)
      %dma_wait3A_108 = tpu.memref_slice %arg2[%add3A_14] : memref<320000xi32, #tpu.memory_space<hbm>> -> memref<2000xi32, #tpu.memory_space<hbm>>
      %dma_wait3A_109 = tpu.memref_slice %arg2[%add3A_14] : memref<320000xi32, #tpu.memory_space<hbm>> -> memref<2000xi32, #tpu.memory_space<hbm>>
      tpu.wait_dma2 semaphore(%run_scoped3A : memref<!tpu.dma_semaphore, #tpu.memory_space<semaphore_mem>>) src(%dma_wait3A_109 : memref<2000xi32, #tpu.memory_space<hbm>>) dst(%arg8 : memref<2000xi32, #tpu.memory_space<vmem>>)
      tpu.yield
    }) : () -> ()
    %dma_start3A_15 = arith.constant 0 : i32
    %dma_start3A_16 = arith.constant 0 : i32
    %dma_start3A_17 = tpu.memref_slice %arg4[%dma_start3A_15, %dma_start3A_16] : memref<10000x16xf32, #tpu.memory_space<hbm>> -> memref<10000x16xf32, #tpu.memory_space<hbm>>
    tpu.enqueue_indirect_dma source(%dma_start3A_17 : memref<10000x16xf32, #tpu.memory_space<hbm>>) target(%arg12 : memref<2000x16xf32, #tpu.memory_space<vmem>>) offsets(%arg8 : memref<2000xi32, #tpu.memory_space<vmem>>) semaphore(%arg15 : memref<!tpu.dma_semaphore, #tpu.memory_space<semaphore_mem>>)
    %add3A_18 = arith.constant 2000 : i32
    %add3A_19 = arith.addi %add3A_12, %add3A_18 : i32
    "tpu.region"() ({
      %run_scoped3A = tpu.sem_alloc : memref<!tpu.dma_semaphore, #tpu.memory_space<semaphore_mem>>
      %dma_start3A_106 = tpu.memref_slice %arg3[%add3A_19] : memref<320000xi32, #tpu.memory_space<hbm>> -> memref<2000xi32, #tpu.memory_space<hbm>>
      %dma_start3A_107 = tpu.memref_slice %arg3[%add3A_19] : memref<320000xi32, #tpu.memory_space<hbm>> -> memref<2000xi32, #tpu.memory_space<hbm>>
      tpu.enqueue_dma source(%dma_start3A_107 : memref<2000xi32, #tpu.memory_space<hbm>>) target(%arg10 : memref<2000xi32, #tpu.memory_space<vmem>>) target_semaphore(%run_scoped3A : memref<!tpu.dma_semaphore, #tpu.memory_space<semaphore_mem>>)
      %dma_wait3A_108 = tpu.memref_slice %arg3[%add3A_19] : memref<320000xi32, #tpu.memory_space<hbm>> -> memref<2000xi32, #tpu.memory_space<hbm>>
      %dma_wait3A_109 = tpu.memref_slice %arg3[%add3A_19] : memref<320000xi32, #tpu.memory_space<hbm>> -> memref<2000xi32, #tpu.memory_space<hbm>>
      tpu.wait_dma2 semaphore(%run_scoped3A : memref<!tpu.dma_semaphore, #tpu.memory_space<semaphore_mem>>) src(%dma_wait3A_109 : memref<2000xi32, #tpu.memory_space<hbm>>) dst(%arg10 : memref<2000xi32, #tpu.memory_space<vmem>>)
      tpu.yield
    }) : () -> ()
    %dma_wait3A = arith.constant 0 : i32
    %dma_wait3A_20 = arith.constant 0 : i32
    %dma_wait3A_21 = tpu.memref_slice %arg4[%dma_wait3A, %dma_wait3A_20] : memref<10000x16xf32, #tpu.memory_space<hbm>> -> memref<10000x16xf32, #tpu.memory_space<hbm>>
    tpu.wait_indirect_dma semaphore(%arg14 : memref<!tpu.dma_semaphore, #tpu.memory_space<semaphore_mem>>) src(%dma_wait3A_21 : memref<10000x16xf32, #tpu.memory_space<hbm>>) dst(%arg11 : memref<2000x16xf32, #tpu.memory_space<vmem>>)
    %dma_start3A_22 = arith.constant 0 : i32
    %dma_start3A_23 = arith.constant 0 : i32
    %dma_start3A_24 = tpu.memref_slice %arg13[%dma_start3A_22, %dma_start3A_23] : memref<10240x16xf32, #tpu.memory_space<vmem_shared>> -> memref<10240x16xf32, #tpu.memory_space<vmem_shared>>
    tpu.enqueue_indirect_dma source(%arg11 : memref<2000x16xf32, #tpu.memory_space<vmem>>) target(%dma_start3A_24 : memref<10240x16xf32, #tpu.memory_space<vmem_shared>>) offsets(%arg9 : memref<2000xi32, #tpu.memory_space<vmem>>) semaphore(%arg16 : memref<!tpu.dma_semaphore, #tpu.memory_space<semaphore_mem>>) {add = true}
    %mul3A_25 = arith.constant 10000 : i32
    %mul3A_26 = arith.muli %add3A, %mul3A_25 : i32
    %add3A_27 = arith.constant 2000 : i32
    %add3A_28 = arith.addi %mul3A_26, %add3A_27 : i32
    %add3A_29 = arith.constant 2000 : i32
    %add3A_30 = arith.addi %add3A_28, %add3A_29 : i32
    "tpu.region"() ({
      %run_scoped3A = tpu.sem_alloc : memref<!tpu.dma_semaphore, #tpu.memory_space<semaphore_mem>>
      %dma_start3A_106 = tpu.memref_slice %arg2[%add3A_30] : memref<320000xi32, #tpu.memory_space<hbm>> -> memref<2000xi32, #tpu.memory_space<hbm>>
      %dma_start3A_107 = tpu.memref_slice %arg2[%add3A_30] : memref<320000xi32, #tpu.memory_space<hbm>> -> memref<2000xi32, #tpu.memory_space<hbm>>
      tpu.enqueue_dma source(%dma_start3A_107 : memref<2000xi32, #tpu.memory_space<hbm>>) target(%arg7 : memref<2000xi32, #tpu.memory_space<vmem>>) target_semaphore(%run_scoped3A : memref<!tpu.dma_semaphore, #tpu.memory_space<semaphore_mem>>)
      %dma_wait3A_108 = tpu.memref_slice %arg2[%add3A_30] : memref<320000xi32, #tpu.memory_space<hbm>> -> memref<2000xi32, #tpu.memory_space<hbm>>
      %dma_wait3A_109 = tpu.memref_slice %arg2[%add3A_30] : memref<320000xi32, #tpu.memory_space<hbm>> -> memref<2000xi32, #tpu.memory_space<hbm>>
      tpu.wait_dma2 semaphore(%run_scoped3A : memref<!tpu.dma_semaphore, #tpu.memory_space<semaphore_mem>>) src(%dma_wait3A_109 : memref<2000xi32, #tpu.memory_space<hbm>>) dst(%arg7 : memref<2000xi32, #tpu.memory_space<vmem>>)
      tpu.yield
    }) : () -> ()
    %dma_wait3A_31 = arith.constant 0 : i32
    %dma_wait3A_32 = arith.constant 0 : i32
    %dma_wait3A_33 = tpu.memref_slice %arg13[%dma_wait3A_31, %dma_wait3A_32] : memref<10240x16xf32, #tpu.memory_space<vmem_shared>> -> memref<10240x16xf32, #tpu.memory_space<vmem_shared>>
    tpu.wait_indirect_dma semaphore(%arg16 : memref<!tpu.dma_semaphore, #tpu.memory_space<semaphore_mem>>) src(%arg11 : memref<2000x16xf32, #tpu.memory_space<vmem>>) dst(%dma_wait3A_33 : memref<10240x16xf32, #tpu.memory_space<vmem_shared>>)
    %dma_start3A_34 = arith.constant 0 : i32
    %dma_start3A_35 = arith.constant 0 : i32
    %dma_start3A_36 = tpu.memref_slice %arg4[%dma_start3A_34, %dma_start3A_35] : memref<10000x16xf32, #tpu.memory_space<hbm>> -> memref<10000x16xf32, #tpu.memory_space<hbm>>
    tpu.enqueue_indirect_dma source(%dma_start3A_36 : memref<10000x16xf32, #tpu.memory_space<hbm>>) target(%arg11 : memref<2000x16xf32, #tpu.memory_space<vmem>>) offsets(%arg7 : memref<2000xi32, #tpu.memory_space<vmem>>) semaphore(%arg14 : memref<!tpu.dma_semaphore, #tpu.memory_space<semaphore_mem>>)
    %add3A_37 = arith.constant 2000 : i32
    %add3A_38 = arith.addi %add3A_28, %add3A_37 : i32
    "tpu.region"() ({
      %run_scoped3A = tpu.sem_alloc : memref<!tpu.dma_semaphore, #tpu.memory_space<semaphore_mem>>
      %dma_start3A_106 = tpu.memref_slice %arg3[%add3A_38] : memref<320000xi32, #tpu.memory_space<hbm>> -> memref<2000xi32, #tpu.memory_space<hbm>>
      %dma_start3A_107 = tpu.memref_slice %arg3[%add3A_38] : memref<320000xi32, #tpu.memory_space<hbm>> -> memref<2000xi32, #tpu.memory_space<hbm>>
      tpu.enqueue_dma source(%dma_start3A_107 : memref<2000xi32, #tpu.memory_space<hbm>>) target(%arg9 : memref<2000xi32, #tpu.memory_space<vmem>>) target_semaphore(%run_scoped3A : memref<!tpu.dma_semaphore, #tpu.memory_space<semaphore_mem>>)
      %dma_wait3A_108 = tpu.memref_slice %arg3[%add3A_38] : memref<320000xi32, #tpu.memory_space<hbm>> -> memref<2000xi32, #tpu.memory_space<hbm>>
      %dma_wait3A_109 = tpu.memref_slice %arg3[%add3A_38] : memref<320000xi32, #tpu.memory_space<hbm>> -> memref<2000xi32, #tpu.memory_space<hbm>>
      tpu.wait_dma2 semaphore(%run_scoped3A : memref<!tpu.dma_semaphore, #tpu.memory_space<semaphore_mem>>) src(%dma_wait3A_109 : memref<2000xi32, #tpu.memory_space<hbm>>) dst(%arg9 : memref<2000xi32, #tpu.memory_space<vmem>>)
      tpu.yield
    }) : () -> ()
    %dma_wait3A_39 = arith.constant 0 : i32
    %dma_wait3A_40 = arith.constant 0 : i32
    %dma_wait3A_41 = tpu.memref_slice %arg4[%dma_wait3A_39, %dma_wait3A_40] : memref<10000x16xf32, #tpu.memory_space<hbm>> -> memref<10000x16xf32, #tpu.memory_space<hbm>>
    tpu.wait_indirect_dma semaphore(%arg15 : memref<!tpu.dma_semaphore, #tpu.memory_space<semaphore_mem>>) src(%dma_wait3A_41 : memref<10000x16xf32, #tpu.memory_space<hbm>>) dst(%arg12 : memref<2000x16xf32, #tpu.memory_space<vmem>>)
    %dma_start3A_42 = arith.constant 0 : i32
    %dma_start3A_43 = arith.constant 0 : i32
    %dma_start3A_44 = tpu.memref_slice %arg13[%dma_start3A_42, %dma_start3A_43] : memref<10240x16xf32, #tpu.memory_space<vmem_shared>> -> memref<10240x16xf32, #tpu.memory_space<vmem_shared>>
    tpu.enqueue_indirect_dma source(%arg12 : memref<2000x16xf32, #tpu.memory_space<vmem>>) target(%dma_start3A_44 : memref<10240x16xf32, #tpu.memory_space<vmem_shared>>) offsets(%arg10 : memref<2000xi32, #tpu.memory_space<vmem>>) semaphore(%arg17 : memref<!tpu.dma_semaphore, #tpu.memory_space<semaphore_mem>>) {add = true}
    %mul3A_45 = arith.constant 10000 : i32
    %mul3A_46 = arith.muli %add3A, %mul3A_45 : i32
    %add3A_47 = arith.constant 4000 : i32
    %add3A_48 = arith.addi %mul3A_46, %add3A_47 : i32
    %add3A_49 = arith.constant 2000 : i32
    %add3A_50 = arith.addi %add3A_48, %add3A_49 : i32
    "tpu.region"() ({
      %run_scoped3A = tpu.sem_alloc : memref<!tpu.dma_semaphore, #tpu.memory_space<semaphore_mem>>
      %dma_start3A_106 = tpu.memref_slice %arg2[%add3A_50] : memref<320000xi32, #tpu.memory_space<hbm>> -> memref<2000xi32, #tpu.memory_space<hbm>>
      %dma_start3A_107 = tpu.memref_slice %arg2[%add3A_50] : memref<320000xi32, #tpu.memory_space<hbm>> -> memref<2000xi32, #tpu.memory_space<hbm>>
      tpu.enqueue_dma source(%dma_start3A_107 : memref<2000xi32, #tpu.memory_space<hbm>>) target(%arg8 : memref<2000xi32, #tpu.memory_space<vmem>>) target_semaphore(%run_scoped3A : memref<!tpu.dma_semaphore, #tpu.memory_space<semaphore_mem>>)
      %dma_wait3A_108 = tpu.memref_slice %arg2[%add3A_50] : memref<320000xi32, #tpu.memory_space<hbm>> -> memref<2000xi32, #tpu.memory_space<hbm>>
      %dma_wait3A_109 = tpu.memref_slice %arg2[%add3A_50] : memref<320000xi32, #tpu.memory_space<hbm>> -> memref<2000xi32, #tpu.memory_space<hbm>>
      tpu.wait_dma2 semaphore(%run_scoped3A : memref<!tpu.dma_semaphore, #tpu.memory_space<semaphore_mem>>) src(%dma_wait3A_109 : memref<2000xi32, #tpu.memory_space<hbm>>) dst(%arg8 : memref<2000xi32, #tpu.memory_space<vmem>>)
      tpu.yield
    }) : () -> ()
    %dma_wait3A_51 = arith.constant 0 : i32
    %dma_wait3A_52 = arith.constant 0 : i32
    %dma_wait3A_53 = tpu.memref_slice %arg13[%dma_wait3A_51, %dma_wait3A_52] : memref<10240x16xf32, #tpu.memory_space<vmem_shared>> -> memref<10240x16xf32, #tpu.memory_space<vmem_shared>>
    tpu.wait_indirect_dma semaphore(%arg17 : memref<!tpu.dma_semaphore, #tpu.memory_space<semaphore_mem>>) src(%arg12 : memref<2000x16xf32, #tpu.memory_space<vmem>>) dst(%dma_wait3A_53 : memref<10240x16xf32, #tpu.memory_space<vmem_shared>>)
    %dma_start3A_54 = arith.constant 0 : i32
    %dma_start3A_55 = arith.constant 0 : i32
    %dma_start3A_56 = tpu.memref_slice %arg4[%dma_start3A_54, %dma_start3A_55] : memref<10000x16xf32, #tpu.memory_space<hbm>> -> memref<10000x16xf32, #tpu.memory_space<hbm>>
    tpu.enqueue_indirect_dma source(%dma_start3A_56 : memref<10000x16xf32, #tpu.memory_space<hbm>>) target(%arg12 : memref<2000x16xf32, #tpu.memory_space<vmem>>) offsets(%arg8 : memref<2000xi32, #tpu.memory_space<vmem>>) semaphore(%arg15 : memref<!tpu.dma_semaphore, #tpu.memory_space<semaphore_mem>>)
    %add3A_57 = arith.constant 2000 : i32
    %add3A_58 = arith.addi %add3A_48, %add3A_57 : i32
    "tpu.region"() ({
      %run_scoped3A = tpu.sem_alloc : memref<!tpu.dma_semaphore, #tpu.memory_space<semaphore_mem>>
      %dma_start3A_106 = tpu.memref_slice %arg3[%add3A_58] : memref<320000xi32, #tpu.memory_space<hbm>> -> memref<2000xi32, #tpu.memory_space<hbm>>
      %dma_start3A_107 = tpu.memref_slice %arg3[%add3A_58] : memref<320000xi32, #tpu.memory_space<hbm>> -> memref<2000xi32, #tpu.memory_space<hbm>>
      tpu.enqueue_dma source(%dma_start3A_107 : memref<2000xi32, #tpu.memory_space<hbm>>) target(%arg10 : memref<2000xi32, #tpu.memory_space<vmem>>) target_semaphore(%run_scoped3A : memref<!tpu.dma_semaphore, #tpu.memory_space<semaphore_mem>>)
      %dma_wait3A_108 = tpu.memref_slice %arg3[%add3A_58] : memref<320000xi32, #tpu.memory_space<hbm>> -> memref<2000xi32, #tpu.memory_space<hbm>>
      %dma_wait3A_109 = tpu.memref_slice %arg3[%add3A_58] : memref<320000xi32, #tpu.memory_space<hbm>> -> memref<2000xi32, #tpu.memory_space<hbm>>
      tpu.wait_dma2 semaphore(%run_scoped3A : memref<!tpu.dma_semaphore, #tpu.memory_space<semaphore_mem>>) src(%dma_wait3A_109 : memref<2000xi32, #tpu.memory_space<hbm>>) dst(%arg10 : memref<2000xi32, #tpu.memory_space<vmem>>)
      tpu.yield
    }) : () -> ()
    %dma_wait3A_59 = arith.constant 0 : i32
    %dma_wait3A_60 = arith.constant 0 : i32
    %dma_wait3A_61 = tpu.memref_slice %arg4[%dma_wait3A_59, %dma_wait3A_60] : memref<10000x16xf32, #tpu.memory_space<hbm>> -> memref<10000x16xf32, #tpu.memory_space<hbm>>
    tpu.wait_indirect_dma semaphore(%arg14 : memref<!tpu.dma_semaphore, #tpu.memory_space<semaphore_mem>>) src(%dma_wait3A_61 : memref<10000x16xf32, #tpu.memory_space<hbm>>) dst(%arg11 : memref<2000x16xf32, #tpu.memory_space<vmem>>)
    %dma_start3A_62 = arith.constant 0 : i32
    %dma_start3A_63 = arith.constant 0 : i32
    %dma_start3A_64 = tpu.memref_slice %arg13[%dma_start3A_62, %dma_start3A_63] : memref<10240x16xf32, #tpu.memory_space<vmem_shared>> -> memref<10240x16xf32, #tpu.memory_space<vmem_shared>>
    tpu.enqueue_indirect_dma source(%arg11 : memref<2000x16xf32, #tpu.memory_space<vmem>>) target(%dma_start3A_64 : memref<10240x16xf32, #tpu.memory_space<vmem_shared>>) offsets(%arg9 : memref<2000xi32, #tpu.memory_space<vmem>>) semaphore(%arg16 : memref<!tpu.dma_semaphore, #tpu.memory_space<semaphore_mem>>) {add = true}
    %mul3A_65 = arith.constant 10000 : i32
    %mul3A_66 = arith.muli %add3A, %mul3A_65 : i32
    %add3A_67 = arith.constant 6000 : i32
    %add3A_68 = arith.addi %mul3A_66, %add3A_67 : i32
    %add3A_69 = arith.constant 2000 : i32
    %add3A_70 = arith.addi %add3A_68, %add3A_69 : i32
    "tpu.region"() ({
      %run_scoped3A = tpu.sem_alloc : memref<!tpu.dma_semaphore, #tpu.memory_space<semaphore_mem>>
      %dma_start3A_106 = tpu.memref_slice %arg2[%add3A_70] : memref<320000xi32, #tpu.memory_space<hbm>> -> memref<2000xi32, #tpu.memory_space<hbm>>
      %dma_start3A_107 = tpu.memref_slice %arg2[%add3A_70] : memref<320000xi32, #tpu.memory_space<hbm>> -> memref<2000xi32, #tpu.memory_space<hbm>>
      tpu.enqueue_dma source(%dma_start3A_107 : memref<2000xi32, #tpu.memory_space<hbm>>) target(%arg7 : memref<2000xi32, #tpu.memory_space<vmem>>) target_semaphore(%run_scoped3A : memref<!tpu.dma_semaphore, #tpu.memory_space<semaphore_mem>>)
      %dma_wait3A_108 = tpu.memref_slice %arg2[%add3A_70] : memref<320000xi32, #tpu.memory_space<hbm>> -> memref<2000xi32, #tpu.memory_space<hbm>>
      %dma_wait3A_109 = tpu.memref_slice %arg2[%add3A_70] : memref<320000xi32, #tpu.memory_space<hbm>> -> memref<2000xi32, #tpu.memory_space<hbm>>
      tpu.wait_dma2 semaphore(%run_scoped3A : memref<!tpu.dma_semaphore, #tpu.memory_space<semaphore_mem>>) src(%dma_wait3A_109 : memref<2000xi32, #tpu.memory_space<hbm>>) dst(%arg7 : memref<2000xi32, #tpu.memory_space<vmem>>)
      tpu.yield
    }) : () -> ()
    %dma_wait3A_71 = arith.constant 0 : i32
    %dma_wait3A_72 = arith.constant 0 : i32
    %dma_wait3A_73 = tpu.memref_slice %arg13[%dma_wait3A_71, %dma_wait3A_72] : memref<10240x16xf32, #tpu.memory_space<vmem_shared>> -> memref<10240x16xf32, #tpu.memory_space<vmem_shared>>
    tpu.wait_indirect_dma semaphore(%arg16 : memref<!tpu.dma_semaphore, #tpu.memory_space<semaphore_mem>>) src(%arg11 : memref<2000x16xf32, #tpu.memory_space<vmem>>) dst(%dma_wait3A_73 : memref<10240x16xf32, #tpu.memory_space<vmem_shared>>)
    %dma_start3A_74 = arith.constant 0 : i32
    %dma_start3A_75 = arith.constant 0 : i32
    %dma_start3A_76 = tpu.memref_slice %arg4[%dma_start3A_74, %dma_start3A_75] : memref<10000x16xf32, #tpu.memory_space<hbm>> -> memref<10000x16xf32, #tpu.memory_space<hbm>>
    tpu.enqueue_indirect_dma source(%dma_start3A_76 : memref<10000x16xf32, #tpu.memory_space<hbm>>) target(%arg11 : memref<2000x16xf32, #tpu.memory_space<vmem>>) offsets(%arg7 : memref<2000xi32, #tpu.memory_space<vmem>>) semaphore(%arg14 : memref<!tpu.dma_semaphore, #tpu.memory_space<semaphore_mem>>)
    %add3A_77 = arith.constant 2000 : i32
    %add3A_78 = arith.addi %add3A_68, %add3A_77 : i32
    "tpu.region"() ({
      %run_scoped3A = tpu.sem_alloc : memref<!tpu.dma_semaphore, #tpu.memory_space<semaphore_mem>>
      %dma_start3A_106 = tpu.memref_slice %arg3[%add3A_78] : memref<320000xi32, #tpu.memory_space<hbm>> -> memref<2000xi32, #tpu.memory_space<hbm>>
      %dma_start3A_107 = tpu.memref_slice %arg3[%add3A_78] : memref<320000xi32, #tpu.memory_space<hbm>> -> memref<2000xi32, #tpu.memory_space<hbm>>
      tpu.enqueue_dma source(%dma_start3A_107 : memref<2000xi32, #tpu.memory_space<hbm>>) target(%arg9 : memref<2000xi32, #tpu.memory_space<vmem>>) target_semaphore(%run_scoped3A : memref<!tpu.dma_semaphore, #tpu.memory_space<semaphore_mem>>)
      %dma_wait3A_108 = tpu.memref_slice %arg3[%add3A_78] : memref<320000xi32, #tpu.memory_space<hbm>> -> memref<2000xi32, #tpu.memory_space<hbm>>
      %dma_wait3A_109 = tpu.memref_slice %arg3[%add3A_78] : memref<320000xi32, #tpu.memory_space<hbm>> -> memref<2000xi32, #tpu.memory_space<hbm>>
      tpu.wait_dma2 semaphore(%run_scoped3A : memref<!tpu.dma_semaphore, #tpu.memory_space<semaphore_mem>>) src(%dma_wait3A_109 : memref<2000xi32, #tpu.memory_space<hbm>>) dst(%arg9 : memref<2000xi32, #tpu.memory_space<vmem>>)
      tpu.yield
    }) : () -> ()
    %dma_wait3A_79 = arith.constant 0 : i32
    %dma_wait3A_80 = arith.constant 0 : i32
    %dma_wait3A_81 = tpu.memref_slice %arg4[%dma_wait3A_79, %dma_wait3A_80] : memref<10000x16xf32, #tpu.memory_space<hbm>> -> memref<10000x16xf32, #tpu.memory_space<hbm>>
    tpu.wait_indirect_dma semaphore(%arg15 : memref<!tpu.dma_semaphore, #tpu.memory_space<semaphore_mem>>) src(%dma_wait3A_81 : memref<10000x16xf32, #tpu.memory_space<hbm>>) dst(%arg12 : memref<2000x16xf32, #tpu.memory_space<vmem>>)
    %dma_start3A_82 = arith.constant 0 : i32
    %dma_start3A_83 = arith.constant 0 : i32
    %dma_start3A_84 = tpu.memref_slice %arg13[%dma_start3A_82, %dma_start3A_83] : memref<10240x16xf32, #tpu.memory_space<vmem_shared>> -> memref<10240x16xf32, #tpu.memory_space<vmem_shared>>
    tpu.enqueue_indirect_dma source(%arg12 : memref<2000x16xf32, #tpu.memory_space<vmem>>) target(%dma_start3A_84 : memref<10240x16xf32, #tpu.memory_space<vmem_shared>>) offsets(%arg10 : memref<2000xi32, #tpu.memory_space<vmem>>) semaphore(%arg17 : memref<!tpu.dma_semaphore, #tpu.memory_space<semaphore_mem>>) {add = true}
    %mul3A_85 = arith.constant 10000 : i32
    %mul3A_86 = arith.muli %add3A, %mul3A_85 : i32
    %add3A_87 = arith.constant 8000 : i32
    %add3A_88 = arith.addi %mul3A_86, %add3A_87 : i32
    %dma_wait3A_89 = arith.constant 0 : i32
    %dma_wait3A_90 = arith.constant 0 : i32
    %dma_wait3A_91 = tpu.memref_slice %arg4[%dma_wait3A_89, %dma_wait3A_90] : memref<10000x16xf32, #tpu.memory_space<hbm>> -> memref<10000x16xf32, #tpu.memory_space<hbm>>
    tpu.wait_indirect_dma semaphore(%arg14 : memref<!tpu.dma_semaphore, #tpu.memory_space<semaphore_mem>>) src(%dma_wait3A_91 : memref<10000x16xf32, #tpu.memory_space<hbm>>) dst(%arg11 : memref<2000x16xf32, #tpu.memory_space<vmem>>)
    %dma_start3A_92 = arith.constant 0 : i32
    %dma_start3A_93 = arith.constant 0 : i32
    %dma_start3A_94 = tpu.memref_slice %arg13[%dma_start3A_92, %dma_start3A_93] : memref<10240x16xf32, #tpu.memory_space<vmem_shared>> -> memref<10240x16xf32, #tpu.memory_space<vmem_shared>>
    tpu.enqueue_indirect_dma source(%arg11 : memref<2000x16xf32, #tpu.memory_space<vmem>>) target(%dma_start3A_94 : memref<10240x16xf32, #tpu.memory_space<vmem_shared>>) offsets(%arg9 : memref<2000xi32, #tpu.memory_space<vmem>>) semaphore(%arg16 : memref<!tpu.dma_semaphore, #tpu.memory_space<semaphore_mem>>) {add = true}
    %dma_wait3A_95 = arith.constant 0 : i32
    %dma_wait3A_96 = arith.constant 0 : i32
    %dma_wait3A_97 = tpu.memref_slice %arg13[%dma_wait3A_95, %dma_wait3A_96] : memref<10240x16xf32, #tpu.memory_space<vmem_shared>> -> memref<10240x16xf32, #tpu.memory_space<vmem_shared>>
    tpu.wait_indirect_dma semaphore(%arg16 : memref<!tpu.dma_semaphore, #tpu.memory_space<semaphore_mem>>) src(%arg11 : memref<2000x16xf32, #tpu.memory_space<vmem>>) dst(%dma_wait3A_97 : memref<10240x16xf32, #tpu.memory_space<vmem_shared>>)
    %dma_wait3A_98 = arith.constant 0 : i32
    %dma_wait3A_99 = arith.constant 0 : i32
    %dma_wait3A_100 = tpu.memref_slice %arg13[%dma_wait3A_98, %dma_wait3A_99] : memref<10240x16xf32, #tpu.memory_space<vmem_shared>> -> memref<10240x16xf32, #tpu.memory_space<vmem_shared>>
    tpu.wait_indirect_dma semaphore(%arg17 : memref<!tpu.dma_semaphore, #tpu.memory_space<semaphore_mem>>) src(%arg12 : memref<2000x16xf32, #tpu.memory_space<vmem>>) dst(%dma_wait3A_100 : memref<10240x16xf32, #tpu.memory_space<vmem_shared>>)
    %barrier3A_101 = arith.constant 0 : index
    tpu.barrier barrier_id(%barrier3A_101)
    %mul3A_102 = arith.constant 640 : i32
    %mul3A_103 = arith.muli %arg1, %mul3A_102 : i32
    %mul3A_104 = arith.constant 640 : i32
    %mul3A_105 = arith.muli %arg1, %mul3A_104 : i32
    "tpu.region"() ({
      %run_scoped3A = tpu.sem_alloc : memref<!tpu.dma_semaphore, #tpu.memory_space<semaphore_mem>>
      %dma_start3A_106 = arith.constant 0 : i32
      %dma_start3A_107 = tpu.memref_slice %arg6[%arg0, %mul3A_105, %dma_start3A_106] : memref<2x10240x16xf32, #tpu.memory_space<hbm>> -> memref<1x640x16xf32, #tpu.memory_space<hbm>>
      %dma_start3A_108 = tpu.memref_squeeze %dma_start3A_107 : memref<1x640x16xf32, #tpu.memory_space<hbm>> -> memref<640x16xf32, #tpu.memory_space<hbm>>
      %dma_start3A_109 = arith.constant 0 : i32
      %dma_start3A_110 = tpu.memref_slice %arg13[%mul3A_103, %dma_start3A_109] : memref<10240x16xf32, #tpu.memory_space<vmem_shared>> -> memref<640x16xf32, #tpu.memory_space<vmem_shared>>
      tpu.enqueue_dma source(%dma_start3A_110 : memref<640x16xf32, #tpu.memory_space<vmem_shared>>) target(%dma_start3A_108 : memref<640x16xf32, #tpu.memory_space<hbm>>) target_semaphore(%run_scoped3A : memref<!tpu.dma_semaphore, #tpu.memory_space<semaphore_mem>>)
      %dma_wait3A_111 = arith.constant 0 : i32
      %dma_wait3A_112 = tpu.memref_slice %arg6[%arg0, %mul3A_105, %dma_wait3A_111] : memref<2x10240x16xf32, #tpu.memory_space<hbm>> -> memref<1x640x16xf32, #tpu.memory_space<hbm>>
      %dma_wait3A_113 = tpu.memref_squeeze %dma_wait3A_112 : memref<1x640x16xf32, #tpu.memory_space<hbm>> -> memref<640x16xf32, #tpu.memory_space<hbm>>
      %dma_wait3A_114 = arith.constant 0 : i32
      %dma_wait3A_115 = tpu.memref_slice %arg13[%mul3A_103, %dma_wait3A_114] : memref<10240x16xf32, #tpu.memory_space<vmem_shared>> -> memref<640x16xf32, #tpu.memory_space<vmem_shared>>
      tpu.wait_dma2 semaphore(%run_scoped3A : memref<!tpu.dma_semaphore, #tpu.memory_space<semaphore_mem>>) src(%dma_wait3A_115 : memref<640x16xf32, #tpu.memory_space<vmem_shared>>) dst(%dma_wait3A_113 : memref<640x16xf32, #tpu.memory_space<hbm>>)
      tpu.yield
    }) : () -> ()
    return
  }
}

module attributes {stable_mosaic.version = 14 : i64} {
  func.func @_split_body(%arg0: i32, %arg1: memref<2x32000xi32, #tpu.memory_space<vmem>>, %arg2: memref<1x250x128xi32, #tpu.memory_space<vmem>>, %arg3: memref<1x250x128xi32, #tpu.memory_space<vmem>>) attributes {dimension_semantics = [#tpu.dimension_semantics<arbitrary>], iteration_bounds = array<i64: 10>, scalar_prefetch = 0 : i64, scratch_operands = 0 : i64, tpu.core_type = #tpu.core_type<tc>, window_params = [{transform_indices = @transform_0, window_bounds = array<i64: 2, 32000>}, {transform_indices = @transform_1, window_bounds = array<i64: 1, 250, 128>}, {transform_indices = @transform_2, window_bounds = array<i64: 1, 250, 128>}]} {
    %get3A = arith.constant 0 : index
    %get3A_0 = arith.constant 0 : index
    %get3A_1 = vector.load %arg1[%get3A, %get3A_0] : memref<2x32000xi32, #tpu.memory_space<vmem>>, vector<1x32000xi32>
    %get3A_2 = vector.shape_cast %get3A_1 : vector<1x32000xi32> to vector<32000xi32>
    %reshape3A = vector.shape_cast %get3A_2 : vector<32000xi32> to vector<1x250x128xi32>
    %swap3A = arith.constant 0 : index
    %swap3A_3 = arith.constant 0 : index
    %swap3A_4 = arith.constant 0 : index
    %swap3A_5 = vector.load %arg2[%swap3A, %swap3A_3, %swap3A_4] : memref<1x250x128xi32, #tpu.memory_space<vmem>>, vector<1x250x128xi32>
    tpu.vector_store %arg2[%swap3A, %swap3A_3, %swap3A_4], %reshape3A {strides = array<i32>} : memref<1x250x128xi32, #tpu.memory_space<vmem>>, vector<1x250x128xi32>,
    %get3A_6 = arith.constant 1 : index
    %get3A_7 = arith.constant 0 : index
    %get3A_8 = vector.load %arg1[%get3A_6, %get3A_7] : memref<2x32000xi32, #tpu.memory_space<vmem>>, vector<1x32000xi32>
    %get3A_9 = vector.shape_cast %get3A_8 : vector<1x32000xi32> to vector<32000xi32>
    %reshape3A_10 = vector.shape_cast %get3A_9 : vector<32000xi32> to vector<1x250x128xi32>
    %swap3A_11 = arith.constant 0 : index
    %swap3A_12 = arith.constant 0 : index
    %swap3A_13 = arith.constant 0 : index
    %swap3A_14 = vector.load %arg3[%swap3A_11, %swap3A_12, %swap3A_13] : memref<1x250x128xi32, #tpu.memory_space<vmem>>, vector<1x250x128xi32>
    tpu.vector_store %arg3[%swap3A_11, %swap3A_12, %swap3A_13], %reshape3A_10 {strides = array<i32>} : memref<1x250x128xi32, #tpu.memory_space<vmem>>, vector<1x250x128xi32>,
    return
  }
  func.func @transform_0(%arg0: i32) -> (i32, i32) {
    %c0_i32 = arith.constant 0 : i32
    %c0_i32_0 = arith.constant 0 : i32
    return %c0_i32, %arg0 : i32, i32
  }
  func.func @transform_1(%arg0: i32) -> (i32, i32, i32) {
    %c0_i32 = arith.constant 0 : i32
    %c0_i32_0 = arith.constant 0 : i32
    %c0_i32_1 = arith.constant 0 : i32
    return %arg0, %c0_i32, %c0_i32_0 : i32, i32, i32
  }
  func.func @transform_2(%arg0: i32) -> (i32, i32, i32) {
    %c0_i32 = arith.constant 0 : i32
    %c0_i32_0 = arith.constant 0 : i32
    %c0_i32_1 = arith.constant 0 : i32
    return %arg0, %c0_i32, %c0_i32_0 : i32, i32, i32
  }
}

module attributes {stable_mosaic.version = 14 : i64} {
  func.func @_tc1a_body(%arg0: memref<1250x8x128xf32, #tpu.memory_space<vmem>>, %arg1: memref<1250x8x2xf32, #tpu.memory_space<vmem>>, %arg2: memref<128x16xf32, #tpu.memory_space<vmem>>, %arg3: memref<2x16xf32, #tpu.memory_space<vmem>>, %arg4: memref<1250x128xf32, #tpu.memory_space<vmem>>) attributes {dimension_semantics = [], scalar_prefetch = 0 : i64, scratch_operands = 0 : i64, tpu.core_type = #tpu.core_type<tc>} {
    %get3A = arith.constant 0 : index
    %get3A_0 = arith.constant 0 : index
    %get3A_1 = arith.constant 0 : index
    %get3A_2 = vector.load %arg0[%get3A, %get3A_0, %get3A_1] : memref<1250x8x128xf32, #tpu.memory_space<vmem>>, vector<1250x8x128xf32>
    %get3A_3 = arith.constant 0 : index
    %get3A_4 = arith.constant 0 : index
    %get3A_5 = vector.load %arg2[%get3A_3, %get3A_4] : memref<128x16xf32, #tpu.memory_space<vmem>>, vector<128x16xf32>
    %dot_general3A = arith.constant dense<0.000000e+00> : vector<1250x8x16xf32>
    %dot_general3A_6 = tpu.matmul %get3A_2, %get3A_5, %dot_general3A {dimension_numbers = #tpu.dot_dimension_numbers<[2], [0], [0, 1], [1], [0, 0, 0, 1, 1, 1], [], []>, transpose_lhs_hint = false} : vector<1250x8x128xf32>, vector<128x16xf32>, vector<1250x8x16xf32> -> vector<1250x8x16xf32>
    %get3A_7 = arith.constant 0 : index
    %get3A_8 = arith.constant 0 : index
    %get3A_9 = arith.constant 0 : index
    %get3A_10 = vector.load %arg1[%get3A_7, %get3A_8, %get3A_9] : memref<1250x8x2xf32, #tpu.memory_space<vmem>>, vector<1250x8x2xf32>
    %get3A_11 = arith.constant 0 : index
    %get3A_12 = arith.constant 0 : index
    %get3A_13 = vector.load %arg3[%get3A_11, %get3A_12] : memref<2x16xf32, #tpu.memory_space<vmem>>, vector<2x16xf32>
    %dot_general3A_14 = arith.constant dense<0.000000e+00> : vector<1250x8x16xf32>
    %dot_general3A_15 = tpu.matmul %get3A_10, %get3A_13, %dot_general3A_14 {dimension_numbers = #tpu.dot_dimension_numbers<[2], [0], [0, 1], [1], [0, 0, 0, 1, 1, 1], [], []>, transpose_lhs_hint = false} : vector<1250x8x2xf32>, vector<2x16xf32>, vector<1250x8x16xf32> -> vector<1250x8x16xf32>
    %add3A = arith.addf %dot_general3A_6, %dot_general3A_15 : vector<1250x8x16xf32>
    %reshape3A = vector.shape_cast %add3A : vector<1250x8x16xf32> to vector<1250x128xf32>
    %swap3A = arith.constant 0 : index
    %swap3A_16 = arith.constant 0 : index
    %swap3A_17 = vector.load %arg4[%swap3A, %swap3A_16] : memref<1250x128xf32, #tpu.memory_space<vmem>>, vector<1250x128xf32>
    tpu.vector_store %arg4[%swap3A, %swap3A_16], %reshape3A {strides = array<i32>} : memref<1250x128xf32, #tpu.memory_space<vmem>>, vector<1250x128xf32>,
    return
  }
}

module attributes {stable_mosaic.version = 14 : i64} {
  func.func @_tc1b_body(%arg0: memref<2x1280x128xf32, #tpu.memory_space<vmem>>, %arg1: memref<1250x128xf32, #tpu.memory_space<vmem>>, %arg2: memref<1250x128xf32, #tpu.memory_space<vmem>>, %arg3: memref<1250x128xf32, #tpu.memory_space<vmem>>) attributes {dimension_semantics = [], scalar_prefetch = 0 : i64, scratch_operands = 0 : i64, tpu.core_type = #tpu.core_type<tc>} {
    %get3A = arith.constant 0 : index
    %get3A_0 = arith.constant 0 : index
    %get3A_1 = arith.constant 0 : index
    %get3A_2 = vector.load %arg0[%get3A, %get3A_0, %get3A_1] : memref<2x1280x128xf32, #tpu.memory_space<vmem>>, vector<1x1250x128xf32>
    %get3A_3 = vector.shape_cast %get3A_2 : vector<1x1250x128xf32> to vector<1250x128xf32>
    %add3A = arith.constant 1.000000e+00 : f32
    %add3A_4 = vector.broadcast %add3A : f32 to vector<1250x128xf32>
    %add3A_5 = arith.addf %add3A_4, %get3A_3 : vector<1250x128xf32>
    %get3A_6 = arith.constant 1 : index
    %get3A_7 = arith.constant 0 : index
    %get3A_8 = arith.constant 0 : index
    %get3A_9 = vector.load %arg0[%get3A_6, %get3A_7, %get3A_8] : memref<2x1280x128xf32, #tpu.memory_space<vmem>>, vector<1x1250x128xf32>
    %get3A_10 = vector.shape_cast %get3A_9 : vector<1x1250x128xf32> to vector<1250x128xf32>
    %add3A_11 = arith.addf %add3A_5, %get3A_10 : vector<1250x128xf32>
    %rsqrt3A = math.rsqrt %add3A_11 : vector<1250x128xf32>
    %get3A_12 = arith.constant 0 : index
    %get3A_13 = arith.constant 0 : index
    %get3A_14 = vector.load %arg1[%get3A_12, %get3A_13] : memref<1250x128xf32, #tpu.memory_space<vmem>>, vector<1250x128xf32>
    %mul3A = arith.mulf %get3A_14, %rsqrt3A : vector<1250x128xf32>
    %swap3A = arith.constant 0 : index
    %swap3A_15 = arith.constant 0 : index
    %swap3A_16 = vector.load %arg2[%swap3A, %swap3A_15] : memref<1250x128xf32, #tpu.memory_space<vmem>>, vector<1250x128xf32>
    tpu.vector_store %arg2[%swap3A, %swap3A_15], %mul3A {strides = array<i32>} : memref<1250x128xf32, #tpu.memory_space<vmem>>, vector<1250x128xf32>,
    %swap3A_17 = arith.constant 0 : index
    %swap3A_18 = arith.constant 0 : index
    %swap3A_19 = vector.load %arg3[%swap3A_17, %swap3A_18] : memref<1250x128xf32, #tpu.memory_space<vmem>>, vector<1250x128xf32>
    tpu.vector_store %arg3[%swap3A_17, %swap3A_18], %rsqrt3A {strides = array<i32>} : memref<1250x128xf32, #tpu.memory_space<vmem>>, vector<1250x128xf32>,
    return
  }
}

module attributes {stable_mosaic.version = 14 : i64} {
  func.func @_tc2_body(%arg0: memref<2x1280x128xf32, #tpu.memory_space<vmem>>, %arg1: memref<1250x128xf32, #tpu.memory_space<vmem>>, %arg2: memref<1250x128xf32, #tpu.memory_space<vmem>>, %arg3: memref<128xf32, #tpu.memory_space<vmem>>, %arg4: memref<128x128xf32, #tpu.memory_space<vmem>>, %arg5: memref<1250x128xf32, #tpu.memory_space<vmem>>) attributes {dimension_semantics = [], scalar_prefetch = 0 : i64, scratch_operands = 0 : i64, tpu.core_type = #tpu.core_type<tc>} {
    %get3A = arith.constant 0 : index
    %get3A_0 = arith.constant 0 : index
    %get3A_1 = arith.constant 0 : index
    %get3A_2 = vector.load %arg0[%get3A, %get3A_0, %get3A_1] : memref<2x1280x128xf32, #tpu.memory_space<vmem>>, vector<1x1250x128xf32>
    %get3A_3 = vector.shape_cast %get3A_2 : vector<1x1250x128xf32> to vector<1250x128xf32>
    %get3A_4 = arith.constant 1 : index
    %get3A_5 = arith.constant 0 : index
    %get3A_6 = arith.constant 0 : index
    %get3A_7 = vector.load %arg0[%get3A_4, %get3A_5, %get3A_6] : memref<2x1280x128xf32, #tpu.memory_space<vmem>>, vector<1x1250x128xf32>
    %get3A_8 = vector.shape_cast %get3A_7 : vector<1x1250x128xf32> to vector<1250x128xf32>
    %add3A = arith.addf %get3A_3, %get3A_8 : vector<1250x128xf32>
    %get3A_9 = arith.constant 0 : index
    %get3A_10 = arith.constant 0 : index
    %get3A_11 = vector.load %arg1[%get3A_9, %get3A_10] : memref<1250x128xf32, #tpu.memory_space<vmem>>, vector<1250x128xf32>
    %add3A_12 = arith.addf %add3A, %get3A_11 : vector<1250x128xf32>
    %get3A_13 = arith.constant 0 : index
    %get3A_14 = arith.constant 0 : index
    %get3A_15 = vector.load %arg2[%get3A_13, %get3A_14] : memref<1250x128xf32, #tpu.memory_space<vmem>>, vector<1250x128xf32>
    %mul3A = arith.mulf %add3A_12, %get3A_15 : vector<1250x128xf32>
    %get3A_16 = arith.constant 0 : index
    %get3A_17 = vector.load %arg3[%get3A_16] : memref<128xf32, #tpu.memory_space<vmem>>, vector<128xf32>
    %broadcast_in_dim3A = vector.shape_cast %get3A_17 : vector<128xf32> to vector<1x128xf32>
    %add3A_18 = vector.broadcast %broadcast_in_dim3A : vector<1x128xf32> to vector<1250x128xf32>
    %add3A_19 = arith.addf %mul3A, %add3A_18 : vector<1250x128xf32>
    %max3A = arith.constant 0.000000e+00 : f32
    %max3A_20 = vector.broadcast %max3A : f32 to vector<1250x128xf32>
    %max3A_21 = arith.maximumf %add3A_19, %max3A_20 : vector<1250x128xf32>
    %get3A_22 = arith.constant 0 : index
    %get3A_23 = arith.constant 0 : index
    %get3A_24 = vector.load %arg4[%get3A_22, %get3A_23] : memref<128x128xf32, #tpu.memory_space<vmem>>, vector<128x128xf32>
    %dot_general3A = arith.constant dense<0.000000e+00> : vector<1250x128xf32>
    %dot_general3A_25 = tpu.matmul %max3A_21, %get3A_24, %dot_general3A {dimension_numbers = #tpu.dot_dimension_numbers<[1], [0], [0], [1], [0, 0, 1, 1], [], []>, transpose_lhs_hint = false} : vector<1250x128xf32>, vector<128x128xf32>, vector<1250x128xf32> -> vector<1250x128xf32>
    %get3A_26 = arith.constant 0 : index
    %get3A_27 = arith.constant 0 : index
    %get3A_28 = vector.load %arg2[%get3A_26, %get3A_27] : memref<1250x128xf32, #tpu.memory_space<vmem>>, vector<1250x128xf32>
    %mul3A_29 = arith.mulf %dot_general3A_25, %get3A_28 : vector<1250x128xf32>
    %swap3A = arith.constant 0 : index
    %swap3A_30 = arith.constant 0 : index
    %swap3A_31 = vector.load %arg5[%swap3A, %swap3A_30] : memref<1250x128xf32, #tpu.memory_space<vmem>>, vector<1250x128xf32>
    tpu.vector_store %arg5[%swap3A, %swap3A_30], %mul3A_29 {strides = array<i32>} : memref<1250x128xf32, #tpu.memory_space<vmem>>, vector<1250x128xf32>,
    return
  }
}

module attributes {stable_mosaic.version = 14 : i64} {
  func.func @_tc3_body(%arg0: memref<2x1280x128xf32, #tpu.memory_space<vmem>>, %arg1: memref<1250x128xf32, #tpu.memory_space<vmem>>, %arg2: memref<1250x128xf32, #tpu.memory_space<vmem>>, %arg3: memref<128xf32, #tpu.memory_space<vmem>>, %arg4: memref<128x128xf32, #tpu.memory_space<vmem>>, %arg5: memref<128x128xf32, #tpu.memory_space<vmem>>, %arg6: memref<1250x128xf32, #tpu.memory_space<vmem>>) attributes {dimension_semantics = [], scalar_prefetch = 0 : i64, scratch_operands = 0 : i64, tpu.core_type = #tpu.core_type<tc>} {
    %get3A = arith.constant 0 : index
    %get3A_0 = arith.constant 0 : index
    %get3A_1 = arith.constant 0 : index
    %get3A_2 = vector.load %arg0[%get3A, %get3A_0, %get3A_1] : memref<2x1280x128xf32, #tpu.memory_space<vmem>>, vector<1x1250x128xf32>
    %get3A_3 = vector.shape_cast %get3A_2 : vector<1x1250x128xf32> to vector<1250x128xf32>
    %get3A_4 = arith.constant 1 : index
    %get3A_5 = arith.constant 0 : index
    %get3A_6 = arith.constant 0 : index
    %get3A_7 = vector.load %arg0[%get3A_4, %get3A_5, %get3A_6] : memref<2x1280x128xf32, #tpu.memory_space<vmem>>, vector<1x1250x128xf32>
    %get3A_8 = vector.shape_cast %get3A_7 : vector<1x1250x128xf32> to vector<1250x128xf32>
    %add3A = arith.addf %get3A_3, %get3A_8 : vector<1250x128xf32>
    %get3A_9 = arith.constant 0 : index
    %get3A_10 = arith.constant 0 : index
    %get3A_11 = vector.load %arg1[%get3A_9, %get3A_10] : memref<1250x128xf32, #tpu.memory_space<vmem>>, vector<1250x128xf32>
    %add3A_12 = arith.addf %add3A, %get3A_11 : vector<1250x128xf32>
    %get3A_13 = arith.constant 0 : index
    %get3A_14 = arith.constant 0 : index
    %get3A_15 = vector.load %arg2[%get3A_13, %get3A_14] : memref<1250x128xf32, #tpu.memory_space<vmem>>, vector<1250x128xf32>
    %mul3A = arith.mulf %add3A_12, %get3A_15 : vector<1250x128xf32>
    %get3A_16 = arith.constant 0 : index
    %get3A_17 = vector.load %arg3[%get3A_16] : memref<128xf32, #tpu.memory_space<vmem>>, vector<128xf32>
    %broadcast_in_dim3A = vector.shape_cast %get3A_17 : vector<128xf32> to vector<1x128xf32>
    %add3A_18 = vector.broadcast %broadcast_in_dim3A : vector<1x128xf32> to vector<1250x128xf32>
    %add3A_19 = arith.addf %mul3A, %add3A_18 : vector<1250x128xf32>
    %iota3A = tpu.iota {dimensions = array<i32: 1>} : vector<1250x128xi32>
    %jit3A = arith.constant 16 : i32
    %eq3A = arith.constant 0 : i32
    %eq3A_20 = arith.cmpi eq, %jit3A, %eq3A : i32
    %jit3A_21 = arith.constant 1 : i32
    %select_n3A = arith.select %eq3A_20, %jit3A_21, %jit3A : i32
    %rem3A = vector.broadcast %select_n3A : i32 to vector<1250x128xi32>
    %rem3A_22 = arith.remsi %iota3A, %rem3A : vector<1250x128xi32>
    %ne3A = arith.constant 0 : i32
    %ne3A_23 = vector.broadcast %ne3A : i32 to vector<1250x128xi32>
    %ne3A_24 = arith.cmpi ne, %rem3A_22, %ne3A_23 : vector<1250x128xi32>
    %lt3A = arith.constant 0 : i32
    %lt3A_25 = vector.broadcast %lt3A : i32 to vector<1250x128xi32>
    %lt3A_26 = arith.cmpi slt, %rem3A_22, %lt3A_25 : vector<1250x128xi32>
    %lt3A_27 = arith.constant 0 : i32
    %lt3A_28 = arith.cmpi slt, %select_n3A, %lt3A_27 : i32
    %ne3A_29 = vector.broadcast %lt3A_28 : i1 to vector<1250x128xi1>
    %ne3A_30 = vector.broadcast %ne3A_29 : vector<1250x128xi1> to vector<1250x128xi1>
    %ne3A_31 = arith.xori %lt3A_26, %ne3A_30 : vector<1250x128xi1>
    %and3A = arith.andi %ne3A_31, %ne3A_24 : vector<1250x128xi1>
    %add3A_32 = vector.broadcast %select_n3A : i32 to vector<1250x128xi32>
    %add3A_33 = arith.addi %rem3A_22, %add3A_32 : vector<1250x128xi32>
    %select_n3A_34 = arith.select %and3A, %add3A_33, %rem3A_22 : vector<1250x128xi1>, vector<1250x128xi32>
    %lt3A_35 = arith.constant 10 : i32
    %lt3A_36 = vector.broadcast %lt3A_35 : i32 to vector<1250x128xi32>
    %lt3A_37 = arith.cmpi slt, %select_n3A_34, %lt3A_36 : vector<1250x128xi32>
    %jit3A_38 = arith.constant -3.000000e+38 : f32
    %broadcast_in_dim3A_39 = vector.broadcast %jit3A_38 : f32 to vector<1250x128xf32>
    %select_n3A_40 = arith.select %lt3A_37, %add3A_19, %broadcast_in_dim3A_39 : vector<1250x128xi1>, vector<1250x128xf32>
    %slice3A = vector.extract_strided_slice %select_n3A_40 {offsets = [0, 1], sizes = [1250, 127], strides = [1, 1]} : vector<1250x128xf32> to vector<1250x127xf32>
    %slice3A_41 = vector.extract_strided_slice %select_n3A_40 {offsets = [0, 0], sizes = [1250, 1], strides = [1, 1]} : vector<1250x128xf32> to vector<1250x1xf32>
    %concatenate3A = tpu.concatenate %slice3A, %slice3A_41 in 1 : vector<1250x127xf32>, vector<1250x1xf32> -> vector<1250x128xf32>
    %add3A_42 = arith.constant 1 : i32
    %add3A_43 = vector.broadcast %add3A_42 : i32 to vector<1250x128xi32>
    %add3A_44 = arith.addi %select_n3A_34, %add3A_43 : vector<1250x128xi32>
    %lt3A_45 = arith.constant 16 : i32
    %lt3A_46 = vector.broadcast %lt3A_45 : i32 to vector<1250x128xi32>
    %lt3A_47 = arith.cmpi slt, %add3A_44, %lt3A_46 : vector<1250x128xi32>
    %max3A = arith.maximumf %select_n3A_40, %concatenate3A : vector<1250x128xf32>
    %select_n3A_48 = arith.select %lt3A_47, %max3A, %select_n3A_40 : vector<1250x128xi1>, vector<1250x128xf32>
    %slice3A_49 = vector.extract_strided_slice %select_n3A_48 {offsets = [0, 2], sizes = [1250, 126], strides = [1, 1]} : vector<1250x128xf32> to vector<1250x126xf32>
    %slice3A_50 = vector.extract_strided_slice %select_n3A_48 {offsets = [0, 0], sizes = [1250, 2], strides = [1, 1]} : vector<1250x128xf32> to vector<1250x2xf32>
    %concatenate3A_51 = tpu.concatenate %slice3A_49, %slice3A_50 in 1 : vector<1250x126xf32>, vector<1250x2xf32> -> vector<1250x128xf32>
    %add3A_52 = arith.constant 2 : i32
    %add3A_53 = vector.broadcast %add3A_52 : i32 to vector<1250x128xi32>
    %add3A_54 = arith.addi %select_n3A_34, %add3A_53 : vector<1250x128xi32>
    %lt3A_55 = arith.constant 16 : i32
    %lt3A_56 = vector.broadcast %lt3A_55 : i32 to vector<1250x128xi32>
    %lt3A_57 = arith.cmpi slt, %add3A_54, %lt3A_56 : vector<1250x128xi32>
    %max3A_58 = arith.maximumf %select_n3A_48, %concatenate3A_51 : vector<1250x128xf32>
    %select_n3A_59 = arith.select %lt3A_57, %max3A_58, %select_n3A_48 : vector<1250x128xi1>, vector<1250x128xf32>
    %slice3A_60 = vector.extract_strided_slice %select_n3A_59 {offsets = [0, 4], sizes = [1250, 124], strides = [1, 1]} : vector<1250x128xf32> to vector<1250x124xf32>
    %slice3A_61 = vector.extract_strided_slice %select_n3A_59 {offsets = [0, 0], sizes = [1250, 4], strides = [1, 1]} : vector<1250x128xf32> to vector<1250x4xf32>
    %concatenate3A_62 = tpu.concatenate %slice3A_60, %slice3A_61 in 1 : vector<1250x124xf32>, vector<1250x4xf32> -> vector<1250x128xf32>
    %add3A_63 = arith.constant 4 : i32
    %add3A_64 = vector.broadcast %add3A_63 : i32 to vector<1250x128xi32>
    %add3A_65 = arith.addi %select_n3A_34, %add3A_64 : vector<1250x128xi32>
    %lt3A_66 = arith.constant 16 : i32
    %lt3A_67 = vector.broadcast %lt3A_66 : i32 to vector<1250x128xi32>
    %lt3A_68 = arith.cmpi slt, %add3A_65, %lt3A_67 : vector<1250x128xi32>
    %max3A_69 = arith.maximumf %select_n3A_59, %concatenate3A_62 : vector<1250x128xf32>
    %select_n3A_70 = arith.select %lt3A_68, %max3A_69, %select_n3A_59 : vector<1250x128xi1>, vector<1250x128xf32>
    %slice3A_71 = vector.extract_strided_slice %select_n3A_70 {offsets = [0, 8], sizes = [1250, 120], strides = [1, 1]} : vector<1250x128xf32> to vector<1250x120xf32>
    %slice3A_72 = vector.extract_strided_slice %select_n3A_70 {offsets = [0, 0], sizes = [1250, 8], strides = [1, 1]} : vector<1250x128xf32> to vector<1250x8xf32>
    %concatenate3A_73 = tpu.concatenate %slice3A_71, %slice3A_72 in 1 : vector<1250x120xf32>, vector<1250x8xf32> -> vector<1250x128xf32>
    %add3A_74 = arith.constant 8 : i32
    %add3A_75 = vector.broadcast %add3A_74 : i32 to vector<1250x128xi32>
    %add3A_76 = arith.addi %select_n3A_34, %add3A_75 : vector<1250x128xi32>
    %lt3A_77 = arith.constant 16 : i32
    %lt3A_78 = vector.broadcast %lt3A_77 : i32 to vector<1250x128xi32>
    %lt3A_79 = arith.cmpi slt, %add3A_76, %lt3A_78 : vector<1250x128xi32>
    %max3A_80 = arith.maximumf %select_n3A_70, %concatenate3A_73 : vector<1250x128xf32>
    %select_n3A_81 = arith.select %lt3A_79, %max3A_80, %select_n3A_70 : vector<1250x128xi1>, vector<1250x128xf32>
    %get3A_82 = arith.constant 0 : index
    %get3A_83 = arith.constant 0 : index
    %get3A_84 = vector.load %arg4[%get3A_82, %get3A_83] : memref<128x128xf32, #tpu.memory_space<vmem>>, vector<128x128xf32>
    %dot_general3A = arith.constant dense<0.000000e+00> : vector<1250x128xf32>
    %dot_general3A_85 = tpu.matmul %select_n3A_81, %get3A_84, %dot_general3A {dimension_numbers = #tpu.dot_dimension_numbers<[1], [0], [0], [1], [0, 0, 1, 1], [], []>, transpose_lhs_hint = false} : vector<1250x128xf32>, vector<128x128xf32>, vector<1250x128xf32> -> vector<1250x128xf32>
    %sub3A = arith.subf %add3A_19, %dot_general3A_85 : vector<1250x128xf32>
    %exp3A = math.exp %sub3A : vector<1250x128xf32>
    %jit3A_86 = arith.constant 0.000000e+00 : f32
    %broadcast_in_dim3A_87 = vector.broadcast %jit3A_86 : f32 to vector<1250x128xf32>
    %select_n3A_88 = arith.select %lt3A_37, %exp3A, %broadcast_in_dim3A_87 : vector<1250x128xi1>, vector<1250x128xf32>
    %get3A_89 = arith.constant 0 : index
    %get3A_90 = arith.constant 0 : index
    %get3A_91 = vector.load %arg5[%get3A_89, %get3A_90] : memref<128x128xf32, #tpu.memory_space<vmem>>, vector<128x128xf32>
    %dot_general3A_92 = arith.constant dense<0.000000e+00> : vector<1250x128xf32>
    %dot_general3A_93 = tpu.matmul %select_n3A_88, %get3A_91, %dot_general3A_92 {dimension_numbers = #tpu.dot_dimension_numbers<[1], [0], [0], [1], [0, 0, 1, 1], [], []>, transpose_lhs_hint = false} : vector<1250x128xf32>, vector<128x128xf32>, vector<1250x128xf32> -> vector<1250x128xf32>
    %sub3A_94 = arith.subf %add3A_19, %dot_general3A_85 : vector<1250x128xf32>
    %log3A = math.log %dot_general3A_93 : vector<1250x128xf32>
    %sub3A_95 = arith.subf %sub3A_94, %log3A : vector<1250x128xf32>
    %swap3A = arith.constant 0 : index
    %swap3A_96 = arith.constant 0 : index
    %swap3A_97 = vector.load %arg6[%swap3A, %swap3A_96] : memref<1250x128xf32, #tpu.memory_space<vmem>>, vector<1250x128xf32>
    tpu.vector_store %arg6[%swap3A, %swap3A_96], %sub3A_95 {strides = array<i32>} : memref<1250x128xf32, #tpu.memory_space<vmem>>, vector<1250x128xf32>,
    return
  }
}

</mosaic_0001>

<sc_bundles>
// kernel: kernel.10.cloned.1.call-start
scs
__scs_entry_jumppad:
0x0: {  	(pc) =	sbr.rel $0x88, $3  }
0x1: {  	(tag) =	ssettag $0x0;
	lr =	simm.s32 $0x1  }
0x2: {  	[smem:$0x3F9A] =	sst lr;
	_ =	strace $0xD0000000  }
0x3: {  	_ = 	snop  }
0x4: {  	_ = 	snop  }
0x5: {  	_ = 	snop  }
0x6: {  	_ = 	snop  }
0x7: {  	_ = 	snop  }
__scs_overlays_trampoline_lowered:
0x8: {  	[smem:$0x3FA9] =	sst s0  }
0x9: {  	[smem:$0x3FAA] =	sst s1  }
0xa: {  	[smem:$0x3FAB] =	sst s2  }
0xb: {  	[smem:$0x3FAC] =	sst s3  }
0xc: {  	[smem:$0x3FAD] =	sst s4  }
0xd: {  	[smem:$0x3FAE] =	sst s5  }
0xe: {  	[smem:$0x3FAF] =	sst s6  }
0xf: {  	[smem:$0x3FB0] =	sst s7  }
0x10: {  	[smem:$0x3FB1] =	sst s8  }
0x11: {  	[smem:$0x3FB2] =	sst s9;
	s0 =	simm.s32 @!p0 $0x0  }
0x12: {  	s1 =	sld [smem:$0x3F98];
	s0 =	simm.s32 @p0 $0x1  }
0x13: {  	[smem:$0x3FB3] =	sst s0;
	s0 =	simm.s32 @!p1 $0x0  }
0x14: {  	s2 =	sld [smem:$0x3F97];
	s0 =	simm.s32 @p1 $0x1  }
0x15: {  	[smem:$0x3FB4] =	sst s0;
	s0 =	simm.s32 @!p2 $0x0  }
0x16: {  	s3 =	sld [smem:$0x3FDB];
	s0 =	simm.s32 @p2 $0x1  }
0x17: {  	s4 =	simm.s32 $0x1BF5;
	[smem:$0x3FB6] =	sst s0  }
0x18: {  	s0 =	sld [smem:$0x3F99];
	_ =	swait.ge [sflag:s4], $0x0  }
0x19: {  	s7 =	sld [smem:$0x3F9A]  }
0x1a: {  	s8 =	sadd.s32 $0xFFFFE003, lr  }
0x1b: {  	s9 =	sadd.s32 $0xFFFFFEF7, lr;
	s5 =	simm.s32 $0xFFFFFFFF;
	p2 =	slt.u32 s8, $0xFFFFF086  }
0x1c: {  	p1 =	slt.u32 s9, $0xF7A;
	s5 =	simm.s32 @!p2 $0x0  }
0x1d: {  	s5 =	simm.s32 @p1 $0x1;
	p0 =	seq.s32 s7, s2  }
0x1e: {  	s7 =	smul.u32 @!p0 $0xF7A, s2;
	p2 =	seq.s32 @!p0 s5, $0x0  }
0x1f: {  	s9 =	smul.u32 $0xF7A, s1;
	s8 =	simm.s32 @!p0 $0x1BF5;
	p2 =	por !p2, p0  }
0x20: {  	[sflag:s8] =	ssyncset.s32 @!p0 $0xFFFFF086;
	s6 =	sadd.s32 @!p0 s3, s7;
	s7 =	simm.s32 @!p0 $0x108  }
0x21: {  	s3 =	sadd.s32 s3, s9;
	s6 =	sadd.s32 @!p0 $0x88, s6;
	s7 =	simm.s32 @p2 $0x1082  }
0x22: {  	[simem:s7], [sflag:s8] =	dma.local @!p0 [hbm:s6], $0xF7A  }
0x23: {  	s9 =	sor.u32 $0xD0000000, s2;
	s6 =	simm.s32 $0x108;
	_ =	swait.ge @!p0 [sflag:s8], $0x0  }
0x24: {  	s3 =	sadd.s32 $0x88, s3;
	s6 =	simm.s32 @!p1 $0x1082;
	[sflag:s4] =	ssyncset.s32 $0xFFFFF086  }
0x25: {  	[simem:s6], [sflag:s4] =	dma.local [hbm:s3], $0xF7A  }
0x26: {  	[smem:$0x3F9A] =	sst s1;
	(tag) =	ssettag s2;
	_ =	strace s9  }
0x27: {  	s1 =	sld [smem:$0x3FAA]  }
0x28: {  	s2 =	sld [smem:$0x3FAB]  }
0x29: {  	s4 =	sld [smem:$0x3FAD]  }
0x2a: {  	p0 =	seq.s32 s5, $0x0;
	s5 =	sld [smem:$0x3FAE]  }
0x2b: {  	s6 =	sld [smem:$0x3FAF]  }
0x2c: {  	s7 =	sld [smem:$0x3FB0]  }
0x2d: {  	s3 =	simm.s32 $0x108;
	s8 =	sld [smem:$0x3FB1]  }
0x2e: {  	s3 =	simm.s32 @!p0 $0x1082;
	s9 =	sld [smem:$0x3FB2]  }
0x2f: {  	lr =	sadd.s32 s0, s3;
	s0 =	sld [smem:$0x3FA9]  }
0x30: {  	s3 =	sld [smem:$0x3FAC]  }
0x31: {  	[smem:$0x3FB5] =	sst s10  }
0x32: {  	s10 =	sld [smem:$0x3FB3];
	_ =	sdelay $0x3  }
0x33: {  	p0 =	seq.s32 s10, $0x1;
	s10 =	sld [smem:$0x3FB5];
	_ =	sdelay $0x3  }
0x34: {  	[smem:$0x3FB5] =	sst s10  }
0x35: {  	s10 =	sld [smem:$0x3FB4];
	_ =	sdelay $0x3  }
0x36: {  	p1 =	seq.s32 s10, $0x1;
	s10 =	sld [smem:$0x3FB5];
	_ =	sdelay $0x3  }
0x37: {  	[smem:$0x3FB5] =	sst s10  }
0x38: {  	s10 =	sld [smem:$0x3FB6]  }
0x39: {  	_ = 	snop;
	(pc) =	sbr.ind lr, $3  }
0x3a: {  	_ = 	snop  }
0x3b: {  	_ = 	snop  }
0x3c: {  	p2 =	seq.s32 s10, $0x1;
	s10 =	sld [smem:$0x3FB5]  }
0x3d: {  	_ =	shalt  }
0x3e: {  	_ =	shalt  }
0x3f: {  	_ =	shalt  }
0x40: {  	_ =	shalt  }
0x41: {  	_ =	shalt  }
0x42: {  	_ =	shalt  }
0x43: {  	_ =	shalt  }
0x44: {  	_ =	shalt  }
0x45: {  	_ =	shalt  }
0x46: {  	_ =	shalt  }
0x47: {  	_ =	shalt  }
0x48: {  	_ =	shalt  }
0x49: {  	_ =	shalt  }
0x4a: {  	_ =	shalt  }
0x4b: {  	_ =	shalt  }
0x4c: {  	_ =	shalt  }
0x4d: {  	_ =	shalt  }
0x4e: {  	_ =	shalt  }
0x4f: {  	_ =	shalt  }
0x50: {  	_ =	shalt  }
0x51: {  	_ =	shalt  }
0x52: {  	_ =	shalt  }
0x53: {  	_ =	shalt  }
0x54: {  	_ =	shalt  }
0x55: {  	_ =	shalt  }
0x56: {  	_ =	shalt  }
0x57: {  	_ =	shalt  }
0x58: {  	_ =	shalt  }
0x59: {  	_ =	shalt  }
0x5a: {  	_ =	shalt  }
0x5b: {  	_ =	shalt  }
0x5c: {  	_ =	shalt  }
0x5d: {  	_ =	shalt  }
0x5e: {  	_ =	shalt  }
0x5f: {  	_ =	shalt  }
0x60: {  	_ =	shalt  }
0x61: {  	_ =	shalt  }
0x62: {  	_ =	shalt  }
0x63: {  	_ =	shalt  }
0x64: {  	_ =	shalt  }
0x65: {  	_ =	shalt  }
0x66: {  	_ =	shalt  }
0x67: {  	_ =	shalt  }
0x68: {  	_ =	shalt  }
0x69: {  	_ =	shalt  }
0x6a: {  	_ =	shalt  }
0x6b: {  	_ =	shalt  }
0x6c: {  	_ =	shalt  }
0x6d: {  	_ =	shalt  }
0x6e: {  	_ =	shalt  }
0x6f: {  	_ =	shalt  }
0x70: {  	_ =	shalt  }
0x71: {  	_ =	shalt  }
0x72: {  	_ =	shalt  }
0x73: {  	_ =	shalt  }
0x74: {  	_ =	shalt  }
0x75: {  	_ =	shalt  }
0x76: {  	_ =	shalt  }
0x77: {  	_ =	shalt  }
0x78: {  	_ =	shalt  }
0x79: {  	_ =	shalt  }
0x7a: {  	_ =	shalt  }
0x7b: {  	_ =	shalt  }
0x7c: {  	_ =	shalt  }
0x7d: {  	_ =	shalt  }
0x7e: {  	_ =	shalt  }
0x7f: {  	_ =	shalt  }
0x80: {  	_ =	shalt  }
0x81: {  	_ =	shalt  }
0x82: {  	_ =	shalt  }
0x83: {  	_ =	shalt  }
0x84: {  	_ =	shalt  }
0x85: {  	_ =	shalt  }
0x86: {  	_ =	shalt  }
0x87: {  	_ =	shalt  }
.Lfunc_end0:
.L_simem_size_0:
called_computation_lowered:
.L_overlay_start_0:
0x88: {  	s2 =	sld [smem:$0x3FD9]  }
0x89: {  	s3 =	sld [smem:$0x3FFE];
	_ =	sdelay $0x1  }
0x8a: {  	s1 =	srdreg.scid  }
0x8b: {  	s0 =	sand.u32 $0x1, s1  }
0x8c: {  	s17 =	sshll.u32 s0, $0xA;
	s2 =	sadd.s32 s3, s2  }
0x8d: {  	s2 =	sadd.s32 s2, s17  }
0x8e: {  	[smem:$0x3FC1] =	sst s2  }
0x8f: {  	_ = 	snop  }
0x90: {  	s2 =	sld [smem:$0x3FD0];
	(tm) =	ssettm $0x1  }
0x91: {  	s18 =	sld [smem:$0x3FFB];
	_ =	sdelay $0x3  }
0x92: {  	_ =	strace s18  }
0x93: {  	s3 =	sld [smem:$0x3FFC];
	_ =	sdelay $0x3  }
0x94: {  	_ =	strace s3  }
0x95: {  	s3 =	sld [smem:$0x3FFD];
	_ =	sdelay $0x3  }
0x96: {  	_ =	strace s3  }
0x97: {  	_ =	strace $0x8FFFFFFF  }
0x98: {  	s19 =	sld [smem:$0x3FDB];
	_ =	sdelay $0x1  }
0x99: {  	s4 =	simm.s32 $_scs_section_size  }
0x9a: {  	s5 =	simm.s32 $_size__tile_overlayer_lowered;
	s6 =	simm.s32 $_tile_overlayer_lowered  }
0x9b: {  	s22 =	simm.s32 $0x1BFF;
	s21 =	sshll.u32 s6, $0x1;
	s3 =	sadd.s32 s4, s19  }
0x9c: {  	s7 =	simm.s32 $0x0;
	s20 =	sshll.u32 s5, $0x1;
	s5 =	sadd.s32 s21, s3  }
0x9d: {  	[timem:s7], [sflag:s22] =	dma.local [hbm:s5], s20  }
0x9e: {  	_ =	swait.ge [sflag:s22], s20  }
0x9f: {  	s4 =	ssub.s32 $0x0, s20;
	[sflag:s22] =	ssyncset.done $0x0  }
0xa0: {  	[sflag:s22] =	ssyncadd.s32 s4;
	_ =	sdelay $0x1  }
0xa1: {  	s23 =	simm.s32 $0x1B8B  }
0xa2: {  	_ =	swait.ge [sflag:s23], $0x1  }
0xa3: {  	[sflag:s23] =	ssyncset.done $0x0  }
0xa4: {  	s25 =	simm.s32 $0x1B8E;
	s24 =	sld [smem:$0x3FFE];
	[sflag:s23] =	ssyncadd.s32 $0xFFFFFFFF  }
0xa5: {  	s26 =	simm.s32 $execute0_lowered;
	[smem:$0x3FD2] =	sst s25  }
0xa6: {  	s5 =	sshll.u32 s26, $0x1;
	_ =	strace $0x80000046;
	[dreg:$0x1] =	wrdreg $0xFFFFFFFF  }
0xa7: {  	s28 =	simm.s32 $_size_execute0_lowered;
	s3 =	sadd.s32 s3, s5;
	[dreg:$0x0] =	wrdreg $0x0  }
0xa8: {  	s5 =	sshll.u32 s28, $0x1;
	[dreg:$0x2] =	wrdreg s3  }
0xa9: {  	[dreg:$0x3] =	wrdreg s5  }
0xaa: {  	[dreg:$0x4] =	wrdreg $0xC0  }
0xab: {  	_ =	task [dreg:s7], $0x5FFFF  }
0xac: {  	[dreg:$0x1] =	wrdreg $0xFFFFFFFF  }
0xad: {  	[dreg:$0x0] =	wrdreg $0x60  }
0xae: {  	[dreg:$0x2] =	wrdreg s24  }
0xaf: {  	[dreg:$0x3] =	wrdreg s2  }
0xb0: {  	[dreg:$0x4] =	wrdreg $0x41F00  }
0xb1: {  	[dreg:$0x5] =	wrdreg $0x9  }
0xb2: {  	_ =	task.clear_ibuf [dreg:s7], $0x6FFFF;
	_ =	strace $0x90000046  }
0xb3: {  	s29 =	simm.s32 $0x9;
	_ =	strace $0x80000048  }
0xb4: {  	_ =	swait.ge [sflag:s29], $0x1  }
0xb5: {  	[sflag:s29] =	ssyncadd.s32 $0xFFFFFFFF  }
0xb6: {  	_ =	strace $0x90000048  }
0xb7: {  	_ =	sfence  }
0xb8: {  	s30 =	sld [smem:$0x0];
	_ =	sdelay $0x2  }
0xb9: {  	s31 =	sshll.u32 s1, $0xD;
	s1 =	sshrl.u32 s1, $0x2  }
0xba: {  	s3 =	sand.u32 $0x4000, s31;
	s1 =	sadd.s32 s1, s30  }
0xbb: {  	s0 =	sor.u32 s3, s0;
	s1 =	sshll.u32 s1, $0x11  }
0xbc: {  	s0 =	sor.u32 s1, s0  }
0xbd: {  	s0 =	sadd.s32 $0x8F2B, s0  }
0xbe: {  	[sflag:s0] =	ssyncadd.remote.s32 $0x1  }
0xbf: {  	_ =	sfence.sel $0xFFFF  }
0xc0: {  	[dreg:$0x0] =	wrdreg $0xFFFFFFFF;
	(pc) =	sbr.abs _section_cstart, $3  }
0xc1: {  	[dreg:$0x1] =	wrdreg $0xFFFFFFFF  }
0xc2: {  	_ =	task.clear_ibuf [dreg:s7], $0x2FFFF;
	_ =	strace $0x9FFFFFFF  }
0xc3: {  	(tm) =	ssettm $0x7FFFFFFF  }
tec
execute0_lowered:
.L_overlay_start_1:
0x0: {  	(tag) =	ssettag $0x1  }
0x1: {  	s6 =	rddreg [dreg:$0x0]  }
0x2: {  	s0 =	srdreg.scid;
	s2 =	rddreg [dreg:$0x1]  }
0x3: {  	s3 =	rddreg [dreg:$0x2];
	s4 =	simm.s32 $0x0;
	s16 =	simm.s32 $0x3  }
0x4: {  	s17 =	simm.s32 $0xFA0;
	s18 =	simm.s32 $0x7D0;
	s19 =	simm.s32 $0x1  }
0x5: {  	s20 =	simm.s32 $0x2;
	s21 =	simm.s32 $0x1770;
	s5 =	sand.u32 $0x1, s0  }
0x6: {  	s22 =	simm.s32 $0x19F0;
	s0 =	stileid.u32;
	s8 =	smul.u32 $0x28000, s5  }
0x7: {  	s23 =	simm.s32 $0x0;
	s1 =	sshll.u32 s5, $0x4;
	s9 =	smul.u32 $0x2800, s0  }
0x8: {  	[smem:$0x7FF] =	sst s4;
	s28 =	smul.u32 $0xA00, s0;
	s1 =	sor.u32 s0, s1  }
0x9: {  	s26 =	ssub.s32 $0x2, s5;
	s5 =	sadd.s32 $0xDA00, s6;
	s7 =	smul.u32 $0x2710, s1  }
0xa: {  	s31 =	sshll.u32 s0, $0x6;
	s29 =	sshrl.u32 s26, $0x1;
	s1 =	rddreg [dreg:$0x3]  }
0xb: {  	_ =	strace $0x80000047;
	s25 =	sadd.s32 s9, s8;
	s7 =	sshrl.u32 s7, $0x3  }
0xc: {  	s14 =	ssub.s32 s26, s29;
	s12 =	sadd.s32 s7, s6;
	s7 =	sshrl.u32 s25, $0x3  }
0xd: {  	s30 =	sshrl.u32 s28, $0x2;
	s14 =	smax.u32 s14, $0x1;
	s13 =	sadd.s32 s7, s6  }
0xe: {  	s6 =	sadd.s32 s30, s3;
	s7 =	sor.u32 $0x1C03, s31;
	s8 =	sadd.s32 $0x3C00, s12  }
0xf: {  	s9 =	sadd.s32 $0x3CFA, s12;
	s10 =	sadd.s32 $0x3DF4, s12;
	s11 =	sadd.s32 $0x3EEE, s12  }
0x10: {  	s12 =	sadd.s32 $0x3FE8, s12;
	s13 =	sadd.s32 $0xDC00, s13;
	s15 =	sshrl.u32 s6, $0x3  }
.LBB2_1:
0x11: {  	[spmem:s15], [sflag:s7] =	dma.local [hbm:s5], $0x50  }
0x12: {  	_ =	swait.ge [sflag:s16], $0x50  }
0x13: {  	[sflag:s16] =	ssyncset.done $0x0  }
0x14: {  	[sflag:s16] =	ssyncadd.s32 $0xFFFFFFB0  }
0x15: {  	[tilespmem:s17], [sflag:$0x3] =	stream.linear.gather [hbm4b:s2+s4], $0x7D0, $0x38;
	[tilespmem:$0x4470] =	vst v63  }
0x16: {  	_ =	swait.ge [sflag:s16], $0x7D0  }
0x17: {  	[sflag:s16] =	ssyncset.done $0x0  }
0x18: {  	[sflag:s16] =	ssyncadd.s32 $0xFFFFF830  }
0x19: {  	[tilespmem:s4], [sflag:$0x3] =	stream.linear.gather [hbm4b:s8+s4], $0x7D0, $0x38;
	[tilespmem:$0x4470] =	vst v63  }
0x1a: {  	_ =	swait.ge [sflag:s16], $0x7D0  }
0x1b: {  	[sflag:s16] =	ssyncset.done $0x0  }
0x1c: {  	[sflag:s16] =	ssyncadd.s32 $0xFFFFF830  }
0x1d: {  	[bflag:$0x0] =	sbarrier.arrive $0xFFFF  }
0x1e: {  	[tilespmem:s18], [sflag:$0x3] =	stream.linear.gather [hbm4b:s9+s4], $0x7D0, $0x38;
	[tilespmem:$0x4470] =	vst v63  }
0x1f: {  	_ =	swait.ge [sflag:s16], $0x7D0  }
0x20: {  	[sflag:s16] =	ssyncset.done $0x0  }
0x21: {  	[sflag:s16] =	ssyncadd.s32 $0xFFFFF830  }
0x22: {  	[spmem:s3] =	stream.indirect.scatter.add.f32 [tilespmem:s17], [sflag:$0x1], $0x1, s4, s18, $0xb8;
	[tilespmem:$0x4470] =	vst v63  }
0x23: {  	_ =	swait.ge [sflag:s19], $0x7D0  }
0x24: {  	[sflag:s19] =	ssyncset.done $0x0  }
0x25: {  	[sflag:s19] =	ssyncadd.s32 $0xFFFFF830  }
0x26: {  	[tilespmem:s4], [sflag:$0x3] =	stream.linear.gather [hbm4b:s10+s4], $0x7D0, $0x38;
	[tilespmem:$0x4470] =	vst v63  }
0x27: {  	_ =	swait.ge [sflag:s16], $0x7D0  }
0x28: {  	[sflag:s16] =	ssyncset.done $0x0  }
0x29: {  	[sflag:s16] =	ssyncadd.s32 $0xFFFFF830  }
0x2a: {  	[spmem:s3] =	stream.indirect.scatter.add.f32 [tilespmem:s17], [sflag:$0x2], $0x1, s18, s18, $0xb8;
	[tilespmem:$0x4470] =	vst v63  }
0x2b: {  	_ =	swait.ge [sflag:s20], $0x7D0  }
0x2c: {  	[sflag:s20] =	ssyncset.done $0x0  }
0x2d: {  	[sflag:s20] =	ssyncadd.s32 $0xFFFFF830  }
0x2e: {  	[tilespmem:s18], [sflag:$0x3] =	stream.linear.gather [hbm4b:s11+s4], $0x7D0, $0x38;
	[tilespmem:$0x4470] =	vst v63  }
0x2f: {  	_ =	swait.ge [sflag:s16], $0x7D0  }
0x30: {  	[sflag:s16] =	ssyncset.done $0x0  }
0x31: {  	[sflag:s16] =	ssyncadd.s32 $0xFFFFF830  }
0x32: {  	[spmem:s3] =	stream.indirect.scatter.add.f32 [tilespmem:s17], [sflag:$0x1], $0x1, s4, s18, $0xb8;
	[tilespmem:$0x4470] =	vst v63  }
0x33: {  	_ =	swait.ge [sflag:s19], $0x7D0  }
0x34: {  	[sflag:s19] =	ssyncset.done $0x0  }
0x35: {  	[sflag:s19] =	ssyncadd.s32 $0xFFFFF830  }
0x36: {  	[tilespmem:s4], [sflag:$0x3] =	stream.linear.gather [hbm4b:s12+s4], $0x7D0, $0x38;
	[tilespmem:$0x4470] =	vst v63  }
0x37: {  	_ =	swait.ge [sflag:s16], $0x7D0  }
0x38: {  	[sflag:s16] =	ssyncset.done $0x0  }
0x39: {  	[sflag:s16] =	ssyncadd.s32 $0xFFFFF830  }
0x3a: {  	[spmem:s3] =	stream.indirect.scatter.add.f32 [tilespmem:s17], [sflag:$0x2], $0x1, s18, s18, $0xb8;
	[tilespmem:$0x4470] =	vst v63  }
0x3b: {  	_ = 	snop  }
0x3c: {  	[spmem:s3] =	stream.indirect.scatter.add.f32 [tilespmem:s17], [sflag:$0x1], $0x1, s4, s18, $0xb8;
	[tilespmem:$0x4470] =	vst v63  }
0x3d: {  	_ =	swait.ge [sflag:s19], $0x7D0  }
0x3e: {  	[sflag:s19] =	ssyncset.done $0x0  }
0x3f: {  	[sflag:s19] =	ssyncadd.s32 $0xFFFFF830  }
0x40: {  	_ =	swait.ge [sflag:s20], $0x7D0  }
0x41: {  	[sflag:s20] =	ssyncset.done $0x0  }
0x42: {  	[sflag:s20] =	ssyncadd.s32 $0xFFFFF830  }
0x43: {  	[bflag:$0x0] =	sbarrier.arrive $0xFFFF  }
0x44: {  	[tilespmem:s21], [sflag:$0x3] =	stream.linear.gather [spmem:s6], $0x280, $0x38;
	[tilespmem:$0x4470] =	vst v63  }
0x45: {  	_ =	swait.ge [sflag:s16], $0x280  }
0x46: {  	[sflag:s16] =	ssyncset.done $0x0  }
0x47: {  	s24 =	simm.s32 $0x0;
	[sflag:s16] =	ssyncadd.s32 $0xFFFFFD80  }
0x48: {  	v0 =	vld [tilespmem:s24+$0x1770];
	_ =	sdelay $0x4  }
0x49: {  	v1 =	vbroadcast v0, $0x0  }
0x4a: {  	s24 =	simm.s32 $0x1A70;
	v2 =	vbroadcast v0, $0x1  }
0x4b: {  	v3 =	vbroadcast v0, $0x2;
	[tilespmem:s24+$0xFFFFFF80] =	vst v1  }
0x4c: {  	v52 =	vbroadcast v0, $0x3;
	[tilespmem:s24+$0xFFFFFF90] =	vst v2  }
0x4d: {  	v53 =	vbroadcast v0, $0x4;
	[tilespmem:s24+$0xFFFFFFA0] =	vst v3  }
0x4e: {  	v54 =	vbroadcast v0, $0x5;
	[tilespmem:s24+$0xFFFFFFB0] =	vst v52  }
0x4f: {  	v55 =	vbroadcast v0, $0x6;
	[tilespmem:s24+$0xFFFFFFC0] =	vst v53  }
0x50: {  	v56 =	vbroadcast v0, $0x7;
	[tilespmem:s24+$0xFFFFFFD0] =	vst v54  }
0x51: {  	v57 =	vbroadcast v0, $0x8;
	[tilespmem:s24+$0xFFFFFFE0] =	vst v55  }
0x52: {  	v58 =	vbroadcast v0, $0x9;
	[tilespmem:s24+$0xFFFFFFF0] =	vst v56  }
0x53: {  	v59 =	vbroadcast v0, $0xA;
	[tilespmem:s24+$0x0] =	vst v57  }
0x54: {  	v60 =	vbroadcast v0, $0xB;
	[tilespmem:s24+$0x10] =	vst v58  }
0x55: {  	v61 =	vbroadcast v0, $0xC;
	[tilespmem:s24+$0x20] =	vst v59  }
0x56: {  	v62 =	vbroadcast v0, $0xD;
	[tilespmem:s24+$0x30] =	vst v60  }
0x57: {  	v63 =	vbroadcast v0, $0xE;
	[tilespmem:s24+$0x40] =	vst v61  }
0x58: {  	v0 =	vbroadcast v0, $0xF;
	[tilespmem:s24+$0x50] =	vst v62  }
0x59: {  	[tilespmem:s24+$0x60] =	vst v63  }
0x5a: {  	s26 =	simm.s32 $0x10;
	s25 =	simm.s32 $0x80;
	[tilespmem:s24+$0x70] =	vst v0  }
.LBB2_2:
0x5b: {  	p0 =	sne.s32 s25, $0x9C0;
	v0 =	vld [tilespmem:s26+$0x1770];
	_ =	sdelay $0x4  }
0x5c: {  	v1 =	vbroadcast v0, $0x0;
	v2 =	vbroadcast v0, $0x1  }
0x5d: {  	s24 =	sadd.s32 $0x100, s24;
	v3 =	vbroadcast v0, $0x2;
	v4 =	vbroadcast v0, $0x3  }
0x5e: {  	v5 =	vbroadcast v0, $0x5;
	[tilespmem:s24+$0xFFFFFF80] =	vst v1;
	v1 =	vbroadcast v0, $0x4  }
0x5f: {  	v6 =	vbroadcast v0, $0x7;
	[tilespmem:s24+$0xFFFFFF90] =	vst v2;
	v2 =	vbroadcast v0, $0x6  }
0x60: {  	v7 =	vbroadcast v0, $0x9;
	[tilespmem:s24+$0xFFFFFFA0] =	vst v3;
	v3 =	vbroadcast v0, $0x8  }
0x61: {  	v8 =	vbroadcast v0, $0xB;
	[tilespmem:s24+$0xFFFFFFB0] =	vst v4;
	v4 =	vbroadcast v0, $0xA  }
0x62: {  	v9 =	vbroadcast v0, $0xD;
	[tilespmem:s24+$0xFFFFFFC0] =	vst v1;
	v1 =	vbroadcast v0, $0xC  }
0x63: {  	[tilespmem:s24+$0xFFFFFFD0] =	vst v5;
	v5 =	vbroadcast v0, $0xE;
	v0 =	vbroadcast v0, $0xF  }
0x64: {  	[tilespmem:s24+$0xFFFFFFE0] =	vst v2  }
0x65: {  	[tilespmem:s24+$0xFFFFFFF0] =	vst v6  }
0x66: {  	[tilespmem:s24+$0x0] =	vst v3  }
0x67: {  	[tilespmem:s24+$0x10] =	vst v7  }
0x68: {  	[tilespmem:s24+$0x20] =	vst v4  }
.Ltmp0:
0x69: {  	[tilespmem:s24+$0x30] =	vst v8;
	(pc) =	sbr.rel @p0 .LBB2_2-.Ltmp0, $4  }
0x6a: {  	[tilespmem:s24+$0x40] =	vst v1  }
0x6b: {  	[tilespmem:s24+$0x50] =	vst v9  }
0x6c: {  	[tilespmem:s24+$0x60] =	vst v5  }
0x6d: {  	s26 =	sshra.s32 s25, $0x2;
	s25 =	sadd.s32 $0x40, s25;
	[tilespmem:s24+$0x70] =	vst v0  }
0x6e: {  	v0 =	vld [tilespmem:s26+$0x1770];
	_ =	sdelay $0x4  }
0x6f: {  	v1 =	vbroadcast v0, $0x0  }
0x70: {  	s24 =	sadd.s32 $0x100, s24;
	v2 =	vbroadcast v0, $0x1  }
0x71: {  	v3 =	vbroadcast v0, $0x2;
	[tilespmem:s24+$0xFFFFFF80] =	vst v1  }
0x72: {  	v52 =	vbroadcast v0, $0x3;
	[tilespmem:s24+$0xFFFFFF90] =	vst v2  }
0x73: {  	v53 =	vbroadcast v0, $0x4;
	[tilespmem:s24+$0xFFFFFFA0] =	vst v3  }
0x74: {  	v54 =	vbroadcast v0, $0x5;
	[tilespmem:s24+$0xFFFFFFB0] =	vst v52  }
0x75: {  	v55 =	vbroadcast v0, $0x6;
	[tilespmem:s24+$0xFFFFFFC0] =	vst v53  }
0x76: {  	v56 =	vbroadcast v0, $0x7;
	[tilespmem:s24+$0xFFFFFFD0] =	vst v54  }
0x77: {  	v57 =	vbroadcast v0, $0x8;
	[tilespmem:s24+$0xFFFFFFE0] =	vst v55  }
0x78: {  	v58 =	vbroadcast v0, $0x9;
	[tilespmem:s24+$0xFFFFFFF0] =	vst v56  }
0x79: {  	v59 =	vbroadcast v0, $0xA;
	[tilespmem:s24+$0x0] =	vst v57  }
0x7a: {  	v60 =	vbroadcast v0, $0xB;
	[tilespmem:s24+$0x10] =	vst v58  }
0x7b: {  	v61 =	vbroadcast v0, $0xC;
	[tilespmem:s24+$0x20] =	vst v59  }
0x7c: {  	v62 =	vbroadcast v0, $0xD;
	[tilespmem:s24+$0x30] =	vst v60  }
0x7d: {  	v63 =	vbroadcast v0, $0xE;
	[tilespmem:s24+$0x40] =	vst v61  }
0x7e: {  	s23 =	sadd.s32 $0x1, s23;
	v0 =	vbroadcast v0, $0xF;
	[tilespmem:s24+$0x50] =	vst v62  }
0x7f: {  	p0 =	sne.s32 s23, s14;
	[tilespmem:s24+$0x60] =	vst v63  }
.Ltmp1:
0x80: {  	[tilespmem:s24+$0x70] =	vst v0;
	(pc) =	sbr.rel @p0 .LBB2_1-.Ltmp1, $4  }
0x81: {  	[hbm4b:s13+s4] =	stream.linear.scatter [tilespmem:s22], [sflag:$0x3], $0x2800, $0x38;
	[tilespmem:$0x4470] =	vst v63  }
0x82: {  	_ =	swait.ge [sflag:s16], $0x2800  }
0x83: {  	[sflag:s16] =	ssyncset.done $0x0  }
0x84: {  	[sflag:s16] =	ssyncadd.s32 $0xFFFFD800  }
0x85: {  	_ =	sfence.sel $0x180000  }
0x86: {  	[bflag:$0x0] =	sbarrier.arrive $0xFFFF  }
0x87: {  	p0 =	sne.s32 s0, $0x0;
	_ =	strace $0x90000047  }
0x88: {  	s0 =	sadd.s32 @!p0 $0x100000, s1;
	[bflag:$0x2] =	sbarrier.arrive $0xFFFF  }
0x89: {  	[sflag:s0] =	ssyncadd.tile.s32 @!p0 $0x1;
	_ =	shalt  }
.Lfunc_end2:
_tile_overlayer_lowered:
.L_overlay_start_2:
0x8a: {  	(tag) =	ssettag $0x2  }
0x8b: {  	s0 =	rddreg [dreg:$0x0];
	s2 =	stileid.u32  }
0x8c: {  	s1 =	rddreg [dreg:$0x1];
	p0 =	sne.s32 s2, $0x0  }
0x8d: {  	s3 =	rddreg [dreg:$0x2];
	[bflag:$0x3] =	sbarrier.arrive $0xFFFF;
	s2 =	simm.s32 @!p0 $0x1C03  }
0x8e: {  	[timem:s3], [sflag:s2] =	dma.local @!p0 [hbm:s0], s1  }
0x8f: {  	s0 =	simm.s32 @!p0 $0x3  }
0x90: {  	_ =	swait.ge @!p0 [sflag:s0], s1  }
0x91: {  	s1 =	ssub.s32 @!p0 $0x0, s1;
	[sflag:s0] =	ssyncset.done @!p0 $0x0  }
0x92: {  	[sflag:s0] =	ssyncadd.s32 @!p0 s1  }
0x93: {  	[bflag:$0x3] =	sbarrier.arrive $0xFFFF  }
0x94: {  	_ =	shalt  }

// kernel: kernel.13.cloned.1.call-start
scs
__scs_entry_jumppad:
0x0: {  	(pc) =	sbr.rel $0x88, $3  }
0x1: {  	(tag) =	ssettag $0x0;
	lr =	simm.s32 $0x1  }
0x2: {  	[smem:$0x3F9A] =	sst lr;
	_ =	strace $0xD0000000  }
0x3: {  	_ = 	snop  }
0x4: {  	_ = 	snop  }
0x5: {  	_ = 	snop  }
0x6: {  	_ = 	snop  }
0x7: {  	_ = 	snop  }
__scs_overlays_trampoline_lowered:
0x8: {  	[smem:$0x3FA9] =	sst s0  }
0x9: {  	[smem:$0x3FAA] =	sst s1  }
0xa: {  	[smem:$0x3FAB] =	sst s2  }
0xb: {  	[smem:$0x3FAC] =	sst s3  }
0xc: {  	[smem:$0x3FAD] =	sst s4  }
0xd: {  	[smem:$0x3FAE] =	sst s5  }
0xe: {  	[smem:$0x3FAF] =	sst s6  }
0xf: {  	[smem:$0x3FB0] =	sst s7  }
0x10: {  	[smem:$0x3FB1] =	sst s8  }
0x11: {  	[smem:$0x3FB2] =	sst s9;
	s0 =	simm.s32 @!p0 $0x0  }
0x12: {  	s1 =	sld [smem:$0x3F98];
	s0 =	simm.s32 @p0 $0x1  }
0x13: {  	[smem:$0x3FB3] =	sst s0;
	s0 =	simm.s32 @!p1 $0x0  }
0x14: {  	s2 =	sld [smem:$0x3F97];
	s0 =	simm.s32 @p1 $0x1  }
0x15: {  	[smem:$0x3FB4] =	sst s0;
	s0 =	simm.s32 @!p2 $0x0  }
0x16: {  	s3 =	sld [smem:$0x3FDB];
	s0 =	simm.s32 @p2 $0x1  }
0x17: {  	s4 =	simm.s32 $0x1BF5;
	[smem:$0x3FB6] =	sst s0  }
0x18: {  	s0 =	sld [smem:$0x3F99];
	_ =	swait.ge [sflag:s4], $0x0  }
0x19: {  	s7 =	sld [smem:$0x3F9A]  }
0x1a: {  	s8 =	sadd.s32 $0xFFFFE003, lr  }
0x1b: {  	s9 =	sadd.s32 $0xFFFFFEF7, lr;
	s5 =	simm.s32 $0xFFFFFFFF;
	p2 =	slt.u32 s8, $0xFFFFF086  }
0x1c: {  	p1 =	slt.u32 s9, $0xF7A;
	s5 =	simm.s32 @!p2 $0x0  }
0x1d: {  	s5 =	simm.s32 @p1 $0x1;
	p0 =	seq.s32 s7, s2  }
0x1e: {  	s7 =	smul.u32 @!p0 $0xF7A, s2;
	p2 =	seq.s32 @!p0 s5, $0x0  }
0x1f: {  	s9 =	smul.u32 $0xF7A, s1;
	s8 =	simm.s32 @!p0 $0x1BF5;
	p2 =	por !p2, p0  }
0x20: {  	[sflag:s8] =	ssyncset.s32 @!p0 $0xFFFFF086;
	s6 =	sadd.s32 @!p0 s3, s7;
	s7 =	simm.s32 @!p0 $0x108  }
0x21: {  	s3 =	sadd.s32 s3, s9;
	s6 =	sadd.s32 @!p0 $0x88, s6;
	s7 =	simm.s32 @p2 $0x1082  }
0x22: {  	[simem:s7], [sflag:s8] =	dma.local @!p0 [hbm:s6], $0xF7A  }
0x23: {  	s9 =	sor.u32 $0xD0000000, s2;
	s6 =	simm.s32 $0x108;
	_ =	swait.ge @!p0 [sflag:s8], $0x0  }
0x24: {  	s3 =	sadd.s32 $0x88, s3;
	s6 =	simm.s32 @!p1 $0x1082;
	[sflag:s4] =	ssyncset.s32 $0xFFFFF086  }
0x25: {  	[simem:s6], [sflag:s4] =	dma.local [hbm:s3], $0xF7A  }
0x26: {  	[smem:$0x3F9A] =	sst s1;
	(tag) =	ssettag s2;
	_ =	strace s9  }
0x27: {  	s1 =	sld [smem:$0x3FAA]  }
0x28: {  	s2 =	sld [smem:$0x3FAB]  }
0x29: {  	s4 =	sld [smem:$0x3FAD]  }
0x2a: {  	p0 =	seq.s32 s5, $0x0;
	s5 =	sld [smem:$0x3FAE]  }
0x2b: {  	s6 =	sld [smem:$0x3FAF]  }
0x2c: {  	s7 =	sld [smem:$0x3FB0]  }
0x2d: {  	s3 =	simm.s32 $0x108;
	s8 =	sld [smem:$0x3FB1]  }
0x2e: {  	s3 =	simm.s32 @!p0 $0x1082;
	s9 =	sld [smem:$0x3FB2]  }
0x2f: {  	lr =	sadd.s32 s0, s3;
	s0 =	sld [smem:$0x3FA9]  }
0x30: {  	s3 =	sld [smem:$0x3FAC]  }
0x31: {  	[smem:$0x3FB5] =	sst s10  }
0x32: {  	s10 =	sld [smem:$0x3FB3];
	_ =	sdelay $0x3  }
0x33: {  	p0 =	seq.s32 s10, $0x1;
	s10 =	sld [smem:$0x3FB5];
	_ =	sdelay $0x3  }
0x34: {  	[smem:$0x3FB5] =	sst s10  }
0x35: {  	s10 =	sld [smem:$0x3FB4];
	_ =	sdelay $0x3  }
0x36: {  	p1 =	seq.s32 s10, $0x1;
	s10 =	sld [smem:$0x3FB5];
	_ =	sdelay $0x3  }
0x37: {  	[smem:$0x3FB5] =	sst s10  }
0x38: {  	s10 =	sld [smem:$0x3FB6]  }
0x39: {  	_ = 	snop;
	(pc) =	sbr.ind lr, $3  }
0x3a: {  	_ = 	snop  }
0x3b: {  	_ = 	snop  }
0x3c: {  	p2 =	seq.s32 s10, $0x1;
	s10 =	sld [smem:$0x3FB5]  }
0x3d: {  	_ =	shalt  }
0x3e: {  	_ =	shalt  }
0x3f: {  	_ =	shalt  }
0x40: {  	_ =	shalt  }
0x41: {  	_ =	shalt  }
0x42: {  	_ =	shalt  }
0x43: {  	_ =	shalt  }
0x44: {  	_ =	shalt  }
0x45: {  	_ =	shalt  }
0x46: {  	_ =	shalt  }
0x47: {  	_ =	shalt  }
0x48: {  	_ =	shalt  }
0x49: {  	_ =	shalt  }
0x4a: {  	_ =	shalt  }
0x4b: {  	_ =	shalt  }
0x4c: {  	_ =	shalt  }
0x4d: {  	_ =	shalt  }
0x4e: {  	_ =	shalt  }
0x4f: {  	_ =	shalt  }
0x50: {  	_ =	shalt  }
0x51: {  	_ =	shalt  }
0x52: {  	_ =	shalt  }
0x53: {  	_ =	shalt  }
0x54: {  	_ =	shalt  }
0x55: {  	_ =	shalt  }
0x56: {  	_ =	shalt  }
0x57: {  	_ =	shalt  }
0x58: {  	_ =	shalt  }
0x59: {  	_ =	shalt  }
0x5a: {  	_ =	shalt  }
0x5b: {  	_ =	shalt  }
0x5c: {  	_ =	shalt  }
0x5d: {  	_ =	shalt  }
0x5e: {  	_ =	shalt  }
0x5f: {  	_ =	shalt  }
0x60: {  	_ =	shalt  }
0x61: {  	_ =	shalt  }
0x62: {  	_ =	shalt  }
0x63: {  	_ =	shalt  }
0x64: {  	_ =	shalt  }
0x65: {  	_ =	shalt  }
0x66: {  	_ =	shalt  }
0x67: {  	_ =	shalt  }
0x68: {  	_ =	shalt  }
0x69: {  	_ =	shalt  }
0x6a: {  	_ =	shalt  }
0x6b: {  	_ =	shalt  }
0x6c: {  	_ =	shalt  }
0x6d: {  	_ =	shalt  }
0x6e: {  	_ =	shalt  }
0x6f: {  	_ =	shalt  }
0x70: {  	_ =	shalt  }
0x71: {  	_ =	shalt  }
0x72: {  	_ =	shalt  }
0x73: {  	_ =	shalt  }
0x74: {  	_ =	shalt  }
0x75: {  	_ =	shalt  }
0x76: {  	_ =	shalt  }
0x77: {  	_ =	shalt  }
0x78: {  	_ =	shalt  }
0x79: {  	_ =	shalt  }
0x7a: {  	_ =	shalt  }
0x7b: {  	_ =	shalt  }
0x7c: {  	_ =	shalt  }
0x7d: {  	_ =	shalt  }
0x7e: {  	_ =	shalt  }
0x7f: {  	_ =	shalt  }
0x80: {  	_ =	shalt  }
0x81: {  	_ =	shalt  }
0x82: {  	_ =	shalt  }
0x83: {  	_ =	shalt  }
0x84: {  	_ =	shalt  }
0x85: {  	_ =	shalt  }
0x86: {  	_ =	shalt  }
0x87: {  	_ =	shalt  }
.Lfunc_end0:
.L_simem_size_0:
called_computation.1_lowered:
.L_overlay_start_0:
0x88: {  	s2 =	sld [smem:$0x3FD9]  }
0x89: {  	s3 =	sld [smem:$0x3FFE];
	_ =	sdelay $0x1  }
0x8a: {  	s1 =	srdreg.scid  }
0x8b: {  	s0 =	sand.u32 $0x1, s1  }
0x8c: {  	s17 =	sshll.u32 s0, $0xA;
	s2 =	sadd.s32 s3, s2  }
0x8d: {  	s2 =	sadd.s32 s2, s17  }
0x8e: {  	[smem:$0x3FC1] =	sst s2  }
0x8f: {  	_ = 	snop  }
0x90: {  	s2 =	sld [smem:$0x3FD0];
	(tm) =	ssettm $0x1  }
0x91: {  	s18 =	sld [smem:$0x3FFB];
	_ =	sdelay $0x3  }
0x92: {  	_ =	strace s18  }
0x93: {  	s3 =	sld [smem:$0x3FFC];
	_ =	sdelay $0x3  }
0x94: {  	_ =	strace s3  }
0x95: {  	s3 =	sld [smem:$0x3FFD];
	_ =	sdelay $0x3  }
0x96: {  	_ =	strace s3  }
0x97: {  	_ =	strace $0x8FFFFFFF  }
0x98: {  	s19 =	sld [smem:$0x3FDB];
	_ =	sdelay $0x1  }
0x99: {  	s4 =	simm.s32 $_scs_section_size  }
0x9a: {  	s5 =	simm.s32 $_size__tile_overlayer_lowered;
	s6 =	simm.s32 $_tile_overlayer_lowered  }
0x9b: {  	s22 =	simm.s32 $0x1BFF;
	s21 =	sshll.u32 s6, $0x1;
	s3 =	sadd.s32 s4, s19  }
0x9c: {  	s7 =	simm.s32 $0x0;
	s20 =	sshll.u32 s5, $0x1;
	s5 =	sadd.s32 s21, s3  }
0x9d: {  	[timem:s7], [sflag:s22] =	dma.local [hbm:s5], s20  }
0x9e: {  	_ =	swait.ge [sflag:s22], s20  }
0x9f: {  	s4 =	ssub.s32 $0x0, s20;
	[sflag:s22] =	ssyncset.done $0x0  }
0xa0: {  	[sflag:s22] =	ssyncadd.s32 s4;
	_ =	sdelay $0x1  }
0xa1: {  	s23 =	simm.s32 $0x1B8B  }
0xa2: {  	_ =	swait.ge [sflag:s23], $0x1  }
0xa3: {  	[sflag:s23] =	ssyncset.done $0x0  }
0xa4: {  	s25 =	simm.s32 $0x1B8E;
	s24 =	sld [smem:$0x3FFE];
	[sflag:s23] =	ssyncadd.s32 $0xFFFFFFFF  }
0xa5: {  	s26 =	simm.s32 $execute0_lowered;
	[smem:$0x3FD2] =	sst s25  }
0xa6: {  	s5 =	sshll.u32 s26, $0x1;
	_ =	strace $0x80000049;
	[dreg:$0x1] =	wrdreg $0xFFFFFFFF  }
0xa7: {  	s28 =	simm.s32 $_size_execute0_lowered;
	s3 =	sadd.s32 s3, s5;
	[dreg:$0x0] =	wrdreg $0x0  }
0xa8: {  	s5 =	sshll.u32 s28, $0x1;
	[dreg:$0x2] =	wrdreg s3  }
0xa9: {  	[dreg:$0x3] =	wrdreg s5  }
0xaa: {  	[dreg:$0x4] =	wrdreg $0xC0  }
0xab: {  	_ =	task [dreg:s7], $0x5FFFF  }
0xac: {  	[dreg:$0x1] =	wrdreg $0xFFFFFFFF  }
0xad: {  	[dreg:$0x0] =	wrdreg $0x60  }
0xae: {  	[dreg:$0x2] =	wrdreg s24  }
0xaf: {  	[dreg:$0x3] =	wrdreg s2  }
0xb0: {  	[dreg:$0x4] =	wrdreg $0x119400  }
0xb1: {  	[dreg:$0x5] =	wrdreg $0x9  }
0xb2: {  	_ =	task.clear_ibuf [dreg:s7], $0x6FFFF;
	_ =	strace $0x90000049  }
0xb3: {  	s29 =	simm.s32 $0x9;
	_ =	strace $0x8000004B  }
0xb4: {  	_ =	swait.ge [sflag:s29], $0x1  }
0xb5: {  	[sflag:s29] =	ssyncadd.s32 $0xFFFFFFFF  }
0xb6: {  	_ =	strace $0x9000004B  }
0xb7: {  	_ =	sfence  }
0xb8: {  	s30 =	sld [smem:$0x0];
	_ =	sdelay $0x2  }
0xb9: {  	s31 =	sshll.u32 s1, $0xD;
	s1 =	sshrl.u32 s1, $0x2  }
0xba: {  	s3 =	sand.u32 $0x4000, s31;
	s1 =	sadd.s32 s1, s30  }
0xbb: {  	s0 =	sor.u32 s3, s0;
	s1 =	sshll.u32 s1, $0x11  }
0xbc: {  	s0 =	sor.u32 s1, s0  }
0xbd: {  	s0 =	sadd.s32 $0x8F2B, s0  }
0xbe: {  	[sflag:s0] =	ssyncadd.remote.s32 $0x1  }
0xbf: {  	_ =	sfence.sel $0xFFFF  }
0xc0: {  	[dreg:$0x0] =	wrdreg $0xFFFFFFFF;
	(pc) =	sbr.abs _section_cstart, $3  }
0xc1: {  	[dreg:$0x1] =	wrdreg $0xFFFFFFFF  }
0xc2: {  	_ =	task.clear_ibuf [dreg:s7], $0x2FFFF;
	_ =	strace $0x9FFFFFFF  }
0xc3: {  	(tm) =	ssettm $0x7FFFFFFF  }
tec
execute0_lowered:
.L_overlay_start_1:
0x0: {  	(tag) =	ssettag $0x1  }
0x1: {  	s29 =	rddreg [dreg:$0x0]  }
0x2: {  	s1 =	rddreg [dreg:$0x1]  }
0x3: {  	s3 =	rddreg [dreg:$0x2];
	s4 =	simm.s32 $0x0;
	s0 =	srdreg.scid  }
0x4: {  	s2 =	stileid.u32;
	[smem:$0x7FF] =	sst s4  }
0x5: {  	s30 =	sand.u32 $0x1, s0;
	s31 =	smul.u32 $0x2800, s2;
	s5 =	sadd.s32 $0xDA00, s29  }
0x6: {  	s6 =	sshll.u32 s2, $0x6;
	_ =	strace $0x8000004A;
	s0 =	sshll.u32 s30, $0x4  }
0x7: {  	s6 =	sor.u32 $0x1C05, s6;
	s0 =	sor.u32 s2, s0;
	s7 =	sadd.s32 s31, s3  }
0x8: {  	s0 =	smul.u32 $0x2710, s0;
	s8 =	sshrl.u32 s7, $0x3;
	s7 =	simm.s32 $0x5  }
0x9: {  	[spmem:s8], [sflag:s6] =	dma.local [hbm:s5], $0x500  }
0xa: {  	_ =	swait.ge [sflag:s7], $0x500  }
0xb: {  	s26 =	sadd.s32 $0x17C00, s29;
	s0 =	sshrl.u32 s0, $0x3;
	[sflag:s7] =	ssyncset.done $0x0  }
0xc: {  	s9 =	sadd.s32 s26, s0;
	[sflag:s7] =	ssyncadd.s32 $0xFFFFFB00  }
0xd: {  	[tilespmem:s4], [sflag:$0x5] =	stream.linear.gather [hbm4b:s9+s4], $0x7D0, $0x38;
	[tilespmem:$0x14140] =	vst v63  }
0xe: {  	_ =	swait.ge [sflag:s7], $0x7D0  }
0xf: {  	s10 =	simm.s32 $0x7D0;
	[sflag:s7] =	ssyncset.done $0x0  }
0x10: {  	s11 =	simm.s32 $0x1F40;
	s28 =	sadd.s32 $0x3C00, s29;
	[sflag:s7] =	ssyncadd.s32 $0xFFFFF830  }
0x11: {  	[tilespmem:s11], [sflag:$0x1] =	stream.indirect.gather [hbm4b:s1+s10], $0x10, s4, s10, $0xb8;
	[tilespmem:$0x14140] =	vst v63  }
0x12: {  	s13 =	simm.s32 $0xFA0;
	s12 =	sadd.s32 s28, s0  }
0x13: {  	[tilespmem:s13], [sflag:$0x5] =	stream.linear.gather [hbm4b:s12+s4], $0x7D0, $0x38;
	[tilespmem:$0x14140] =	vst v63  }
0x14: {  	_ =	swait.ge [sflag:s7], $0x7D0  }
0x15: {  	[sflag:s7] =	ssyncset.done $0x0  }
0x16: {  	s16 =	sadd.s32 $0xFA, s0;
	[sflag:s7] =	ssyncadd.s32 $0xFFFFF830  }
0x17: {  	s14 =	sadd.s32 s26, s16;
	[bflag:$0x0] =	sbarrier.arrive $0xFFFF  }
0x18: {  	[tilespmem:s10], [sflag:$0x5] =	stream.linear.gather [hbm4b:s14+s4], $0x7D0, $0x38;
	[tilespmem:$0x14140] =	vst v63  }
0x19: {  	_ =	swait.ge [sflag:s7], $0x7D0  }
0x1a: {  	[sflag:s7] =	ssyncset.done $0x0  }
0x1b: {  	s15 =	simm.s32 $0x9C40;
	[sflag:s7] =	ssyncadd.s32 $0xFFFFF830  }
0x1c: {  	[tilespmem:s15], [sflag:$0x2] =	stream.indirect.gather [hbm4b:s1+s10], $0x10, s10, s10, $0xb8;
	[tilespmem:$0x14140] =	vst v63  }
0x1d: {  	s17 =	simm.s32 $0x1770;
	s16 =	sadd.s32 s28, s16  }
0x1e: {  	[tilespmem:s17], [sflag:$0x5] =	stream.linear.gather [hbm4b:s16+s4], $0x7D0, $0x38;
	[tilespmem:$0x14140] =	vst v63  }
0x1f: {  	_ =	swait.ge [sflag:s7], $0x7D0  }
0x20: {  	[sflag:s7] =	ssyncset.done $0x0  }
0x21: {  	s18 =	simm.s32 $0x1;
	[sflag:s7] =	ssyncadd.s32 $0xFFFFF830  }
0x22: {  	_ =	swait.ge [sflag:s18], $0x7D00  }
0x23: {  	[sflag:s18] =	ssyncset.done $0x0  }
0x24: {  	s21 =	sadd.s32 $0x1F4, s0;
	[sflag:s18] =	ssyncadd.s32 $0xFFFF8300  }
0x25: {  	[spmem:s3] =	stream.indirect.scatter.add.f32 [tilespmem:s11], [sflag:$0x3], $0x10, s13, s10, $0xb8;
	[tilespmem:$0x14140] =	vst v63  }
0x26: {  	s19 =	sadd.s32 s26, s21  }
0x27: {  	[tilespmem:s4], [sflag:$0x5] =	stream.linear.gather [hbm4b:s19+s4], $0x7D0, $0x38;
	[tilespmem:$0x14140] =	vst v63  }
0x28: {  	_ =	swait.ge [sflag:s7], $0x7D0  }
0x29: {  	[sflag:s7] =	ssyncset.done $0x0  }
0x2a: {  	s20 =	simm.s32 $0x3;
	[sflag:s7] =	ssyncadd.s32 $0xFFFFF830  }
0x2b: {  	_ =	swait.ge [sflag:s20], $0x7D00  }
0x2c: {  	[sflag:s20] =	ssyncset.done $0x0  }
0x2d: {  	[sflag:s20] =	ssyncadd.s32 $0xFFFF8300  }
0x2e: {  	[tilespmem:s11], [sflag:$0x1] =	stream.indirect.gather [hbm4b:s1+s10], $0x10, s4, s10, $0xb8;
	[tilespmem:$0x14140] =	vst v63  }
0x2f: {  	s21 =	sadd.s32 s28, s21  }
0x30: {  	[tilespmem:s13], [sflag:$0x5] =	stream.linear.gather [hbm4b:s21+s4], $0x7D0, $0x38;
	[tilespmem:$0x14140] =	vst v63  }
0x31: {  	_ =	swait.ge [sflag:s7], $0x7D0  }
0x32: {  	[sflag:s7] =	ssyncset.done $0x0  }
0x33: {  	s22 =	simm.s32 $0x2;
	[sflag:s7] =	ssyncadd.s32 $0xFFFFF830  }
0x34: {  	_ =	swait.ge [sflag:s22], $0x7D00  }
0x35: {  	[sflag:s22] =	ssyncset.done $0x0  }
0x36: {  	s25 =	sadd.s32 $0x2EE, s0;
	[sflag:s22] =	ssyncadd.s32 $0xFFFF8300  }
0x37: {  	[spmem:s3] =	stream.indirect.scatter.add.f32 [tilespmem:s15], [sflag:$0x4], $0x10, s17, s10, $0xb8;
	[tilespmem:$0x14140] =	vst v63  }
0x38: {  	s23 =	sadd.s32 s26, s25  }
0x39: {  	[tilespmem:s10], [sflag:$0x5] =	stream.linear.gather [hbm4b:s23+s4], $0x7D0, $0x38;
	[tilespmem:$0x14140] =	vst v63  }
0x3a: {  	_ =	swait.ge [sflag:s7], $0x7D0  }
0x3b: {  	[sflag:s7] =	ssyncset.done $0x0  }
0x3c: {  	s24 =	simm.s32 $0x4;
	[sflag:s7] =	ssyncadd.s32 $0xFFFFF830  }
0x3d: {  	_ =	swait.ge [sflag:s24], $0x7D00  }
0x3e: {  	[sflag:s24] =	ssyncset.done $0x0  }
0x3f: {  	[sflag:s24] =	ssyncadd.s32 $0xFFFF8300  }
0x40: {  	[tilespmem:s15], [sflag:$0x2] =	stream.indirect.gather [hbm4b:s1+s10], $0x10, s10, s10, $0xb8;
	[tilespmem:$0x14140] =	vst v63  }
0x41: {  	s25 =	sadd.s32 s28, s25  }
0x42: {  	[tilespmem:s17], [sflag:$0x5] =	stream.linear.gather [hbm4b:s25+s4], $0x7D0, $0x38;
	[tilespmem:$0x14140] =	vst v63  }
0x43: {  	_ =	swait.ge [sflag:s7], $0x7D0  }
0x44: {  	[sflag:s7] =	ssyncset.done $0x0  }
0x45: {  	[sflag:s7] =	ssyncadd.s32 $0xFFFFF830  }
0x46: {  	_ =	swait.ge [sflag:s18], $0x7D00  }
0x47: {  	[sflag:s18] =	ssyncset.done $0x0  }
0x48: {  	s0 =	sadd.s32 $0x3E8, s0;
	[sflag:s18] =	ssyncadd.s32 $0xFFFF8300  }
0x49: {  	[spmem:s3] =	stream.indirect.scatter.add.f32 [tilespmem:s11], [sflag:$0x3], $0x10, s13, s10, $0xb8;
	[tilespmem:$0x14140] =	vst v63  }
0x4a: {  	s26 =	sadd.s32 s26, s0  }
0x4b: {  	[tilespmem:s4], [sflag:$0x5] =	stream.linear.gather [hbm4b:s26+s4], $0x7D0, $0x38;
	[tilespmem:$0x14140] =	vst v63  }
0x4c: {  	_ =	swait.ge [sflag:s7], $0x7D0  }
0x4d: {  	[sflag:s7] =	ssyncset.done $0x0  }
0x4e: {  	[sflag:s7] =	ssyncadd.s32 $0xFFFFF830  }
0x4f: {  	_ =	swait.ge [sflag:s20], $0x7D00  }
0x50: {  	[sflag:s20] =	ssyncset.done $0x0  }
0x51: {  	[sflag:s20] =	ssyncadd.s32 $0xFFFF8300  }
0x52: {  	[tilespmem:s11], [sflag:$0x1] =	stream.indirect.gather [hbm4b:s1+s10], $0x10, s4, s10, $0xb8;
	[tilespmem:$0x14140] =	vst v63  }
0x53: {  	s28 =	sadd.s32 s28, s0  }
0x54: {  	[tilespmem:s13], [sflag:$0x5] =	stream.linear.gather [hbm4b:s28+s4], $0x7D0, $0x38;
	[tilespmem:$0x14140] =	vst v63  }
0x55: {  	_ =	swait.ge [sflag:s7], $0x7D0  }
0x56: {  	[sflag:s7] =	ssyncset.done $0x0  }
0x57: {  	[sflag:s7] =	ssyncadd.s32 $0xFFFFF830  }
0x58: {  	_ =	swait.ge [sflag:s22], $0x7D00  }
0x59: {  	[sflag:s22] =	ssyncset.done $0x0  }
0x5a: {  	[sflag:s22] =	ssyncadd.s32 $0xFFFF8300  }
0x5b: {  	[spmem:s3] =	stream.indirect.scatter.add.f32 [tilespmem:s15], [sflag:$0x4], $0x10, s17, s10, $0xb8;
	[tilespmem:$0x14140] =	vst v63  }
0x5c: {  	_ =	swait.ge [sflag:s18], $0x7D00  }
0x5d: {  	[sflag:s18] =	ssyncset.done $0x0  }
0x5e: {  	s0 =	smul.u32 $0x28000, s30;
	[sflag:s18] =	ssyncadd.s32 $0xFFFF8300  }
0x5f: {  	[spmem:s3] =	stream.indirect.scatter.add.f32 [tilespmem:s11], [sflag:$0x3], $0x10, s13, s10, $0xb8;
	[tilespmem:$0x14140] =	vst v63  }
0x60: {  	s30 =	ssub.s32 $0x2, s30;
	_ =	swait.ge [sflag:s20], $0x7D00  }
0x61: {  	s0 =	sadd.s32 s31, s0;
	s31 =	sshrl.u32 s30, $0x1;
	[sflag:s20] =	ssyncset.done $0x0  }
0x62: {  	s30 =	ssub.s32 s30, s31;
	[sflag:s20] =	ssyncadd.s32 $0xFFFF8300  }
0x63: {  	s31 =	smax.u32 s30, $0x1;
	_ =	swait.ge [sflag:s24], $0x7D00  }
0x64: {  	s0 =	sshrl.u32 s0, $0x3;
	p0 =	sne.s32 s31, $0x1;
	[sflag:s24] =	ssyncset.done $0x0  }
.Ltmp0:
0x65: {  	s0 =	sadd.s32 s0, s29;
	[sflag:s24] =	ssyncadd.s32 $0xFFFF8300;
	(pc) =	sbr.rel @!p0 .LBB2_2-.Ltmp0, $4  }
0x66: {  	s29 =	sadd.s32 $0x21A00, s0;
	[bflag:$0x0] =	sbarrier.arrive $0xFFFF  }
0x67: {  	[hbm:s29], [sflag:s6] =	dma.local [spmem:s8], $0x500  }
0x68: {  	_ =	swait.ge [sflag:s7], $0x500  }
0x69: {  	s30 =	sadd.s32 $0xFFFFFFFF, s31;
	[sflag:s7] =	ssyncset.done $0x0  }
.LBB2_1:
0x6a: {  	p0 =	sne.s32 s30, $0x1;
	s30 =	sadd.s32 $0xFFFFFFFF, s30;
	[sflag:s7] =	ssyncadd.s32 $0xFFFFFB00  }
0x6b: {  	[spmem:s8], [sflag:s6] =	dma.local [hbm:s5], $0x500  }
0x6c: {  	_ =	swait.ge [sflag:s7], $0x500  }
0x6d: {  	[sflag:s7] =	ssyncset.done $0x0  }
0x6e: {  	[sflag:s7] =	ssyncadd.s32 $0xFFFFFB00  }
0x6f: {  	[tilespmem:s4], [sflag:$0x5] =	stream.linear.gather [hbm4b:s9+s4], $0x7D0, $0x38;
	[tilespmem:$0x14140] =	vst v63  }
0x70: {  	_ =	swait.ge [sflag:s7], $0x7D0  }
0x71: {  	[sflag:s7] =	ssyncset.done $0x0  }
0x72: {  	[sflag:s7] =	ssyncadd.s32 $0xFFFFF830  }
0x73: {  	[tilespmem:s11], [sflag:$0x1] =	stream.indirect.gather [hbm4b:s1+s10], $0x10, s4, s10, $0xb8;
	[tilespmem:$0x14140] =	vst v63  }
0x74: {  	_ = 	snop  }
0x75: {  	[tilespmem:s13], [sflag:$0x5] =	stream.linear.gather [hbm4b:s12+s4], $0x7D0, $0x38;
	[tilespmem:$0x14140] =	vst v63  }
0x76: {  	_ =	swait.ge [sflag:s7], $0x7D0  }
0x77: {  	[sflag:s7] =	ssyncset.done $0x0  }
0x78: {  	[sflag:s7] =	ssyncadd.s32 $0xFFFFF830  }
0x79: {  	[bflag:$0x0] =	sbarrier.arrive $0xFFFF  }
0x7a: {  	[tilespmem:s10], [sflag:$0x5] =	stream.linear.gather [hbm4b:s14+s4], $0x7D0, $0x38;
	[tilespmem:$0x14140] =	vst v63  }
0x7b: {  	_ =	swait.ge [sflag:s7], $0x7D0  }
0x7c: {  	[sflag:s7] =	ssyncset.done $0x0  }
0x7d: {  	[sflag:s7] =	ssyncadd.s32 $0xFFFFF830  }
0x7e: {  	[tilespmem:s15], [sflag:$0x2] =	stream.indirect.gather [hbm4b:s1+s10], $0x10, s10, s10, $0xb8;
	[tilespmem:$0x14140] =	vst v63  }
0x7f: {  	_ = 	snop  }
0x80: {  	[tilespmem:s17], [sflag:$0x5] =	stream.linear.gather [hbm4b:s16+s4], $0x7D0, $0x38;
	[tilespmem:$0x14140] =	vst v63  }
0x81: {  	_ =	swait.ge [sflag:s7], $0x7D0  }
0x82: {  	[sflag:s7] =	ssyncset.done $0x0  }
0x83: {  	[sflag:s7] =	ssyncadd.s32 $0xFFFFF830  }
0x84: {  	_ =	swait.ge [sflag:s18], $0x7D00  }
0x85: {  	[sflag:s18] =	ssyncset.done $0x0  }
0x86: {  	[sflag:s18] =	ssyncadd.s32 $0xFFFF8300  }
0x87: {  	[spmem:s3] =	stream.indirect.scatter.add.f32 [tilespmem:s11], [sflag:$0x3], $0x10, s13, s10, $0xb8;
	[tilespmem:$0x14140] =	vst v63  }
0x88: {  	_ = 	snop  }
0x89: {  	[tilespmem:s4], [sflag:$0x5] =	stream.linear.gather [hbm4b:s19+s4], $0x7D0, $0x38;
	[tilespmem:$0x14140] =	vst v63  }
0x8a: {  	_ =	swait.ge [sflag:s7], $0x7D0  }
0x8b: {  	[sflag:s7] =	ssyncset.done $0x0  }
0x8c: {  	[sflag:s7] =	ssyncadd.s32 $0xFFFFF830  }
0x8d: {  	_ =	swait.ge [sflag:s20], $0x7D00  }
0x8e: {  	[sflag:s20] =	ssyncset.done $0x0  }
0x8f: {  	[sflag:s20] =	ssyncadd.s32 $0xFFFF8300  }
0x90: {  	[tilespmem:s11], [sflag:$0x1] =	stream.indirect.gather [hbm4b:s1+s10], $0x10, s4, s10, $0xb8;
	[tilespmem:$0x14140] =	vst v63  }
0x91: {  	_ = 	snop  }
0x92: {  	[tilespmem:s13], [sflag:$0x5] =	stream.linear.gather [hbm4b:s21+s4], $0x7D0, $0x38;
	[tilespmem:$0x14140] =	vst v63  }
0x93: {  	_ =	swait.ge [sflag:s7], $0x7D0  }
0x94: {  	[sflag:s7] =	ssyncset.done $0x0  }
0x95: {  	[sflag:s7] =	ssyncadd.s32 $0xFFFFF830  }
0x96: {  	_ =	swait.ge [sflag:s22], $0x7D00  }
0x97: {  	[sflag:s22] =	ssyncset.done $0x0  }
0x98: {  	[sflag:s22] =	ssyncadd.s32 $0xFFFF8300  }
0x99: {  	[spmem:s3] =	stream.indirect.scatter.add.f32 [tilespmem:s15], [sflag:$0x4], $0x10, s17, s10, $0xb8;
	[tilespmem:$0x14140] =	vst v63  }
0x9a: {  	_ = 	snop  }
0x9b: {  	[tilespmem:s10], [sflag:$0x5] =	stream.linear.gather [hbm4b:s23+s4], $0x7D0, $0x38;
	[tilespmem:$0x14140] =	vst v63  }
0x9c: {  	_ =	swait.ge [sflag:s7], $0x7D0  }
0x9d: {  	[sflag:s7] =	ssyncset.done $0x0  }
0x9e: {  	[sflag:s7] =	ssyncadd.s32 $0xFFFFF830  }
0x9f: {  	_ =	swait.ge [sflag:s24], $0x7D00  }
0xa0: {  	[sflag:s24] =	ssyncset.done $0x0  }
0xa1: {  	[sflag:s24] =	ssyncadd.s32 $0xFFFF8300  }
0xa2: {  	[tilespmem:s15], [sflag:$0x2] =	stream.indirect.gather [hbm4b:s1+s10], $0x10, s10, s10, $0xb8;
	[tilespmem:$0x14140] =	vst v63  }
0xa3: {  	_ = 	snop  }
0xa4: {  	[tilespmem:s17], [sflag:$0x5] =	stream.linear.gather [hbm4b:s25+s4], $0x7D0, $0x38;
	[tilespmem:$0x14140] =	vst v63  }
0xa5: {  	_ =	swait.ge [sflag:s7], $0x7D0  }
0xa6: {  	[sflag:s7] =	ssyncset.done $0x0  }
0xa7: {  	[sflag:s7] =	ssyncadd.s32 $0xFFFFF830  }
0xa8: {  	_ =	swait.ge [sflag:s18], $0x7D00  }
0xa9: {  	[sflag:s18] =	ssyncset.done $0x0  }
0xaa: {  	[sflag:s18] =	ssyncadd.s32 $0xFFFF8300  }
0xab: {  	[spmem:s3] =	stream.indirect.scatter.add.f32 [tilespmem:s11], [sflag:$0x3], $0x10, s13, s10, $0xb8;
	[tilespmem:$0x14140] =	vst v63  }
0xac: {  	_ = 	snop  }
0xad: {  	[tilespmem:s4], [sflag:$0x5] =	stream.linear.gather [hbm4b:s26+s4], $0x7D0, $0x38;
	[tilespmem:$0x14140] =	vst v63  }
0xae: {  	_ =	swait.ge [sflag:s7], $0x7D0  }
0xaf: {  	[sflag:s7] =	ssyncset.done $0x0  }
0xb0: {  	[sflag:s7] =	ssyncadd.s32 $0xFFFFF830  }
0xb1: {  	_ =	swait.ge [sflag:s20], $0x7D00  }
0xb2: {  	[sflag:s20] =	ssyncset.done $0x0  }
0xb3: {  	[sflag:s20] =	ssyncadd.s32 $0xFFFF8300  }
0xb4: {  	[tilespmem:s11], [sflag:$0x1] =	stream.indirect.gather [hbm4b:s1+s10], $0x10, s4, s10, $0xb8;
	[tilespmem:$0x14140] =	vst v63  }
0xb5: {  	_ = 	snop  }
0xb6: {  	[tilespmem:s13], [sflag:$0x5] =	stream.linear.gather [hbm4b:s28+s4], $0x7D0, $0x38;
	[tilespmem:$0x14140] =	vst v63  }
0xb7: {  	_ =	swait.ge [sflag:s7], $0x7D0  }
0xb8: {  	[sflag:s7] =	ssyncset.done $0x0  }
0xb9: {  	[sflag:s7] =	ssyncadd.s32 $0xFFFFF830  }
0xba: {  	_ =	swait.ge [sflag:s22], $0x7D00  }
0xbb: {  	[sflag:s22] =	ssyncset.done $0x0  }
0xbc: {  	[sflag:s22] =	ssyncadd.s32 $0xFFFF8300  }
0xbd: {  	[spmem:s3] =	stream.indirect.scatter.add.f32 [tilespmem:s15], [sflag:$0x4], $0x10, s17, s10, $0xb8;
	[tilespmem:$0x14140] =	vst v63  }
0xbe: {  	_ =	swait.ge [sflag:s18], $0x7D00  }
0xbf: {  	[sflag:s18] =	ssyncset.done $0x0  }
0xc0: {  	[sflag:s18] =	ssyncadd.s32 $0xFFFF8300  }
0xc1: {  	[spmem:s3] =	stream.indirect.scatter.add.f32 [tilespmem:s11], [sflag:$0x3], $0x10, s13, s10, $0xb8;
	[tilespmem:$0x14140] =	vst v63  }
0xc2: {  	_ =	swait.ge [sflag:s20], $0x7D00  }
0xc3: {  	[sflag:s20] =	ssyncset.done $0x0  }
0xc4: {  	[sflag:s20] =	ssyncadd.s32 $0xFFFF8300  }
0xc5: {  	_ =	swait.ge [sflag:s24], $0x7D00  }
0xc6: {  	[sflag:s24] =	ssyncset.done $0x0  }
.Ltmp1:
0xc7: {  	[sflag:s24] =	ssyncadd.s32 $0xFFFF8300;
	(pc) =	sbr.rel @p0 .LBB2_1-.Ltmp1, $4  }
0xc8: {  	[bflag:$0x0] =	sbarrier.arrive $0xFFFF  }
0xc9: {  	[hbm:s29], [sflag:s6] =	dma.local [spmem:s8], $0x500  }
0xca: {  	_ =	swait.ge [sflag:s7], $0x500  }
0xcb: {  	[sflag:s7] =	ssyncset.done $0x0  }
.LBB2_2:
0xcc: {  	[sflag:s7] =	ssyncadd.s32 $0xFFFFFB00  }
0xcd: {  	_ =	sfence.sel $0x180000  }
0xce: {  	[bflag:$0x0] =	sbarrier.arrive $0xFFFF  }
0xcf: {  	_ =	strace $0x9000004A  }
0xd0: {  	[bflag:$0x2] =	sbarrier.arrive $0xFFFF  }
0xd1: {  	p0 =	sne.s32 s2, $0x0;
	s0 =	rddreg [dreg:$0x3]  }
0xd2: {  	s0 =	sadd.s32 @!p0 $0x100000, s0  }
0xd3: {  	[sflag:s0] =	ssyncadd.tile.s32 @!p0 $0x1;
	_ =	shalt  }
.Lfunc_end2:
_tile_overlayer_lowered:
.L_overlay_start_2:
0xd4: {  	(tag) =	ssettag $0x2  }
0xd5: {  	s0 =	rddreg [dreg:$0x0];
	s2 =	stileid.u32  }
0xd6: {  	s1 =	rddreg [dreg:$0x1];
	p0 =	sne.s32 s2, $0x0  }
0xd7: {  	s3 =	rddreg [dreg:$0x2];
	[bflag:$0x3] =	sbarrier.arrive $0xFFFF;
	s2 =	simm.s32 @!p0 $0x1C05  }
0xd8: {  	[timem:s3], [sflag:s2] =	dma.local @!p0 [hbm:s0], s1  }
0xd9: {  	s0 =	simm.s32 @!p0 $0x5  }
0xda: {  	_ =	swait.ge @!p0 [sflag:s0], s1  }
0xdb: {  	s1 =	ssub.s32 @!p0 $0x0, s1;
	[sflag:s0] =	ssyncset.done @!p0 $0x0  }
0xdc: {  	[sflag:s0] =	ssyncadd.s32 @!p0 s1  }
0xdd: {  	[bflag:$0x3] =	sbarrier.arrive $0xFFFF  }
0xde: {  	_ =	shalt  }

// kernel: kernel.16.cloned.1.call-start
scs
__scs_entry_jumppad:
0x0: {  	(pc) =	sbr.rel $0x88, $3  }
0x1: {  	(tag) =	ssettag $0x0;
	lr =	simm.s32 $0x1  }
0x2: {  	[smem:$0x3F9A] =	sst lr;
	_ =	strace $0xD0000000  }
0x3: {  	_ = 	snop  }
0x4: {  	_ = 	snop  }
0x5: {  	_ = 	snop  }
0x6: {  	_ = 	snop  }
0x7: {  	_ = 	snop  }
__scs_overlays_trampoline_lowered:
0x8: {  	[smem:$0x3FA9] =	sst s0  }
0x9: {  	[smem:$0x3FAA] =	sst s1  }
0xa: {  	[smem:$0x3FAB] =	sst s2  }
0xb: {  	[smem:$0x3FAC] =	sst s3  }
0xc: {  	[smem:$0x3FAD] =	sst s4  }
0xd: {  	[smem:$0x3FAE] =	sst s5  }
0xe: {  	[smem:$0x3FAF] =	sst s6  }
0xf: {  	[smem:$0x3FB0] =	sst s7  }
0x10: {  	[smem:$0x3FB1] =	sst s8  }
0x11: {  	[smem:$0x3FB2] =	sst s9;
	s0 =	simm.s32 @!p0 $0x0  }
0x12: {  	s1 =	sld [smem:$0x3F98];
	s0 =	simm.s32 @p0 $0x1  }
0x13: {  	[smem:$0x3FB3] =	sst s0;
	s0 =	simm.s32 @!p1 $0x0  }
0x14: {  	s2 =	sld [smem:$0x3F97];
	s0 =	simm.s32 @p1 $0x1  }
0x15: {  	[smem:$0x3FB4] =	sst s0;
	s0 =	simm.s32 @!p2 $0x0  }
0x16: {  	s3 =	sld [smem:$0x3FDB];
	s0 =	simm.s32 @p2 $0x1  }
0x17: {  	s4 =	simm.s32 $0x1BF5;
	[smem:$0x3FB6] =	sst s0  }
0x18: {  	s0 =	sld [smem:$0x3F99];
	_ =	swait.ge [sflag:s4], $0x0  }
0x19: {  	s7 =	sld [smem:$0x3F9A]  }
0x1a: {  	s8 =	sadd.s32 $0xFFFFE003, lr  }
0x1b: {  	s9 =	sadd.s32 $0xFFFFFEF7, lr;
	s5 =	simm.s32 $0xFFFFFFFF;
	p2 =	slt.u32 s8, $0xFFFFF086  }
0x1c: {  	p1 =	slt.u32 s9, $0xF7A;
	s5 =	simm.s32 @!p2 $0x0  }
0x1d: {  	s5 =	simm.s32 @p1 $0x1;
	p0 =	seq.s32 s7, s2  }
0x1e: {  	s7 =	smul.u32 @!p0 $0xF7A, s2;
	p2 =	seq.s32 @!p0 s5, $0x0  }
0x1f: {  	s9 =	smul.u32 $0xF7A, s1;
	s8 =	simm.s32 @!p0 $0x1BF5;
	p2 =	por !p2, p0  }
0x20: {  	[sflag:s8] =	ssyncset.s32 @!p0 $0xFFFFF086;
	s6 =	sadd.s32 @!p0 s3, s7;
	s7 =	simm.s32 @!p0 $0x108  }
0x21: {  	s3 =	sadd.s32 s3, s9;
	s6 =	sadd.s32 @!p0 $0x88, s6;
	s7 =	simm.s32 @p2 $0x1082  }
0x22: {  	[simem:s7], [sflag:s8] =	dma.local @!p0 [hbm:s6], $0xF7A  }
0x23: {  	s9 =	sor.u32 $0xD0000000, s2;
	s6 =	simm.s32 $0x108;
	_ =	swait.ge @!p0 [sflag:s8], $0x0  }
0x24: {  	s3 =	sadd.s32 $0x88, s3;
	s6 =	simm.s32 @!p1 $0x1082;
	[sflag:s4] =	ssyncset.s32 $0xFFFFF086  }
0x25: {  	[simem:s6], [sflag:s4] =	dma.local [hbm:s3], $0xF7A  }
0x26: {  	[smem:$0x3F9A] =	sst s1;
	(tag) =	ssettag s2;
	_ =	strace s9  }
0x27: {  	s1 =	sld [smem:$0x3FAA]  }
0x28: {  	s2 =	sld [smem:$0x3FAB]  }
0x29: {  	s4 =	sld [smem:$0x3FAD]  }
0x2a: {  	p0 =	seq.s32 s5, $0x0;
	s5 =	sld [smem:$0x3FAE]  }
0x2b: {  	s6 =	sld [smem:$0x3FAF]  }
0x2c: {  	s7 =	sld [smem:$0x3FB0]  }
0x2d: {  	s3 =	simm.s32 $0x108;
	s8 =	sld [smem:$0x3FB1]  }
0x2e: {  	s3 =	simm.s32 @!p0 $0x1082;
	s9 =	sld [smem:$0x3FB2]  }
0x2f: {  	lr =	sadd.s32 s0, s3;
	s0 =	sld [smem:$0x3FA9]  }
0x30: {  	s3 =	sld [smem:$0x3FAC]  }
0x31: {  	[smem:$0x3FB5] =	sst s10  }
0x32: {  	s10 =	sld [smem:$0x3FB3];
	_ =	sdelay $0x3  }
0x33: {  	p0 =	seq.s32 s10, $0x1;
	s10 =	sld [smem:$0x3FB5];
	_ =	sdelay $0x3  }
0x34: {  	[smem:$0x3FB5] =	sst s10  }
0x35: {  	s10 =	sld [smem:$0x3FB4];
	_ =	sdelay $0x3  }
0x36: {  	p1 =	seq.s32 s10, $0x1;
	s10 =	sld [smem:$0x3FB5];
	_ =	sdelay $0x3  }
0x37: {  	[smem:$0x3FB5] =	sst s10  }
0x38: {  	s10 =	sld [smem:$0x3FB6]  }
0x39: {  	_ = 	snop;
	(pc) =	sbr.ind lr, $3  }
0x3a: {  	_ = 	snop  }
0x3b: {  	_ = 	snop  }
0x3c: {  	p2 =	seq.s32 s10, $0x1;
	s10 =	sld [smem:$0x3FB5]  }
0x3d: {  	_ =	shalt  }
0x3e: {  	_ =	shalt  }
0x3f: {  	_ =	shalt  }
0x40: {  	_ =	shalt  }
0x41: {  	_ =	shalt  }
0x42: {  	_ =	shalt  }
0x43: {  	_ =	shalt  }
0x44: {  	_ =	shalt  }
0x45: {  	_ =	shalt  }
0x46: {  	_ =	shalt  }
0x47: {  	_ =	shalt  }
0x48: {  	_ =	shalt  }
0x49: {  	_ =	shalt  }
0x4a: {  	_ =	shalt  }
0x4b: {  	_ =	shalt  }
0x4c: {  	_ =	shalt  }
0x4d: {  	_ =	shalt  }
0x4e: {  	_ =	shalt  }
0x4f: {  	_ =	shalt  }
0x50: {  	_ =	shalt  }
0x51: {  	_ =	shalt  }
0x52: {  	_ =	shalt  }
0x53: {  	_ =	shalt  }
0x54: {  	_ =	shalt  }
0x55: {  	_ =	shalt  }
0x56: {  	_ =	shalt  }
0x57: {  	_ =	shalt  }
0x58: {  	_ =	shalt  }
0x59: {  	_ =	shalt  }
0x5a: {  	_ =	shalt  }
0x5b: {  	_ =	shalt  }
0x5c: {  	_ =	shalt  }
0x5d: {  	_ =	shalt  }
0x5e: {  	_ =	shalt  }
0x5f: {  	_ =	shalt  }
0x60: {  	_ =	shalt  }
0x61: {  	_ =	shalt  }
0x62: {  	_ =	shalt  }
0x63: {  	_ =	shalt  }
0x64: {  	_ =	shalt  }
0x65: {  	_ =	shalt  }
0x66: {  	_ =	shalt  }
0x67: {  	_ =	shalt  }
0x68: {  	_ =	shalt  }
0x69: {  	_ =	shalt  }
0x6a: {  	_ =	shalt  }
0x6b: {  	_ =	shalt  }
0x6c: {  	_ =	shalt  }
0x6d: {  	_ =	shalt  }
0x6e: {  	_ =	shalt  }
0x6f: {  	_ =	shalt  }
0x70: {  	_ =	shalt  }
0x71: {  	_ =	shalt  }
0x72: {  	_ =	shalt  }
0x73: {  	_ =	shalt  }
0x74: {  	_ =	shalt  }
0x75: {  	_ =	shalt  }
0x76: {  	_ =	shalt  }
0x77: {  	_ =	shalt  }
0x78: {  	_ =	shalt  }
0x79: {  	_ =	shalt  }
0x7a: {  	_ =	shalt  }
0x7b: {  	_ =	shalt  }
0x7c: {  	_ =	shalt  }
0x7d: {  	_ =	shalt  }
0x7e: {  	_ =	shalt  }
0x7f: {  	_ =	shalt  }
0x80: {  	_ =	shalt  }
0x81: {  	_ =	shalt  }
0x82: {  	_ =	shalt  }
0x83: {  	_ =	shalt  }
0x84: {  	_ =	shalt  }
0x85: {  	_ =	shalt  }
0x86: {  	_ =	shalt  }
0x87: {  	_ =	shalt  }
.Lfunc_end0:
.L_simem_size_0:
called_computation.2_lowered:
.L_overlay_start_0:
0x88: {  	s2 =	sld [smem:$0x3FD9]  }
0x89: {  	s3 =	sld [smem:$0x3FFE];
	_ =	sdelay $0x1  }
0x8a: {  	s1 =	srdreg.scid  }
0x8b: {  	s0 =	sand.u32 $0x1, s1  }
0x8c: {  	s17 =	sshll.u32 s0, $0xA;
	s2 =	sadd.s32 s3, s2  }
0x8d: {  	s2 =	sadd.s32 s2, s17  }
0x8e: {  	[smem:$0x3FC1] =	sst s2  }
0x8f: {  	_ = 	snop  }
0x90: {  	s2 =	sld [smem:$0x3FD0];
	(tm) =	ssettm $0x1  }
0x91: {  	s18 =	sld [smem:$0x3FFB];
	_ =	sdelay $0x3  }
0x92: {  	_ =	strace s18  }
0x93: {  	s3 =	sld [smem:$0x3FFC];
	_ =	sdelay $0x3  }
0x94: {  	_ =	strace s3  }
0x95: {  	s3 =	sld [smem:$0x3FFD];
	_ =	sdelay $0x3  }
0x96: {  	_ =	strace s3  }
0x97: {  	_ =	strace $0x8FFFFFFF  }
0x98: {  	s19 =	sld [smem:$0x3FDB];
	_ =	sdelay $0x1  }
0x99: {  	s4 =	simm.s32 $_scs_section_size  }
0x9a: {  	s5 =	simm.s32 $_size__tile_overlayer_lowered;
	s6 =	simm.s32 $_tile_overlayer_lowered  }
0x9b: {  	s22 =	simm.s32 $0x1BFF;
	s21 =	sshll.u32 s6, $0x1;
	s3 =	sadd.s32 s4, s19  }
0x9c: {  	s7 =	simm.s32 $0x0;
	s20 =	sshll.u32 s5, $0x1;
	s5 =	sadd.s32 s21, s3  }
0x9d: {  	[timem:s7], [sflag:s22] =	dma.local [hbm:s5], s20  }
0x9e: {  	_ =	swait.ge [sflag:s22], s20  }
0x9f: {  	s4 =	ssub.s32 $0x0, s20;
	[sflag:s22] =	ssyncset.done $0x0  }
0xa0: {  	[sflag:s22] =	ssyncadd.s32 s4;
	_ =	sdelay $0x1  }
0xa1: {  	s23 =	simm.s32 $0x1B8B  }
0xa2: {  	_ =	swait.ge [sflag:s23], $0x1  }
0xa3: {  	[sflag:s23] =	ssyncset.done $0x0  }
0xa4: {  	s25 =	simm.s32 $0x1B8E;
	s24 =	sld [smem:$0x3FFE];
	[sflag:s23] =	ssyncadd.s32 $0xFFFFFFFF  }
0xa5: {  	s26 =	simm.s32 $execute0_lowered;
	[smem:$0x3FD2] =	sst s25  }
0xa6: {  	s5 =	sshll.u32 s26, $0x1;
	_ =	strace $0x8000004C;
	[dreg:$0x1] =	wrdreg $0xFFFFFFFF  }
0xa7: {  	s28 =	simm.s32 $_size_execute0_lowered;
	s3 =	sadd.s32 s3, s5;
	[dreg:$0x0] =	wrdreg $0x0  }
0xa8: {  	s5 =	sshll.u32 s28, $0x1;
	[dreg:$0x2] =	wrdreg s3  }
0xa9: {  	[dreg:$0x3] =	wrdreg s5  }
0xaa: {  	[dreg:$0x4] =	wrdreg $0xC0  }
0xab: {  	_ =	task [dreg:s7], $0x5FFFF  }
0xac: {  	[dreg:$0x1] =	wrdreg $0xFFFFFFFF  }
0xad: {  	[dreg:$0x0] =	wrdreg $0x60  }
0xae: {  	[dreg:$0x2] =	wrdreg s24  }
0xaf: {  	[dreg:$0x3] =	wrdreg s2  }
0xb0: {  	[dreg:$0x4] =	wrdreg $0x119400  }
0xb1: {  	[dreg:$0x5] =	wrdreg $0x9  }
0xb2: {  	_ =	task.clear_ibuf [dreg:s7], $0x6FFFF;
	_ =	strace $0x9000004C  }
0xb3: {  	s29 =	simm.s32 $0x9;
	_ =	strace $0x8000004E  }
0xb4: {  	_ =	swait.ge [sflag:s29], $0x1  }
0xb5: {  	[sflag:s29] =	ssyncadd.s32 $0xFFFFFFFF  }
0xb6: {  	_ =	strace $0x9000004E  }
0xb7: {  	_ =	sfence  }
0xb8: {  	s30 =	sld [smem:$0x0];
	_ =	sdelay $0x2  }
0xb9: {  	s31 =	sshll.u32 s1, $0xD;
	s1 =	sshrl.u32 s1, $0x2  }
0xba: {  	s3 =	sand.u32 $0x4000, s31;
	s1 =	sadd.s32 s1, s30  }
0xbb: {  	s0 =	sor.u32 s3, s0;
	s1 =	sshll.u32 s1, $0x11  }
0xbc: {  	s0 =	sor.u32 s1, s0  }
0xbd: {  	s0 =	sadd.s32 $0x8F2B, s0  }
0xbe: {  	[sflag:s0] =	ssyncadd.remote.s32 $0x1  }
0xbf: {  	_ =	sfence.sel $0xFFFF  }
0xc0: {  	[dreg:$0x0] =	wrdreg $0xFFFFFFFF;
	(pc) =	sbr.abs _section_cstart, $3  }
0xc1: {  	[dreg:$0x1] =	wrdreg $0xFFFFFFFF  }
0xc2: {  	_ =	task.clear_ibuf [dreg:s7], $0x2FFFF;
	_ =	strace $0x9FFFFFFF  }
0xc3: {  	(tm) =	ssettm $0x7FFFFFFF  }
tec
execute0_lowered:
.L_overlay_start_1:
0x0: {  	(tag) =	ssettag $0x1  }
0x1: {  	s29 =	rddreg [dreg:$0x0]  }
0x2: {  	s1 =	rddreg [dreg:$0x1]  }
0x3: {  	s3 =	rddreg [dreg:$0x2];
	s4 =	simm.s32 $0x0;
	s0 =	srdreg.scid  }
0x4: {  	s2 =	stileid.u32;
	[smem:$0x7FF] =	sst s4  }
0x5: {  	s30 =	sand.u32 $0x1, s0;
	s31 =	smul.u32 $0x2800, s2;
	s5 =	sadd.s32 $0xDA00, s29  }
0x6: {  	s6 =	sshll.u32 s2, $0x6;
	_ =	strace $0x8000004D;
	s0 =	sshll.u32 s30, $0x4  }
0x7: {  	s6 =	sor.u32 $0x1C05, s6;
	s0 =	sor.u32 s2, s0;
	s7 =	sadd.s32 s31, s3  }
0x8: {  	s0 =	smul.u32 $0x2710, s0;
	s8 =	sshrl.u32 s7, $0x3;
	s7 =	simm.s32 $0x5  }
0x9: {  	[spmem:s8], [sflag:s6] =	dma.local [hbm:s5], $0x500  }
0xa: {  	_ =	swait.ge [sflag:s7], $0x500  }
0xb: {  	s26 =	sadd.s32 $0x17C00, s29;
	s0 =	sshrl.u32 s0, $0x3;
	[sflag:s7] =	ssyncset.done $0x0  }
0xc: {  	s9 =	sadd.s32 s26, s0;
	[sflag:s7] =	ssyncadd.s32 $0xFFFFFB00  }
0xd: {  	[tilespmem:s4], [sflag:$0x5] =	stream.linear.gather [hbm4b:s9+s4], $0x7D0, $0x38;
	[tilespmem:$0x14140] =	vst v63  }
0xe: {  	_ =	swait.ge [sflag:s7], $0x7D0  }
0xf: {  	s10 =	simm.s32 $0x7D0;
	[sflag:s7] =	ssyncset.done $0x0  }
0x10: {  	s11 =	simm.s32 $0x1F40;
	s28 =	sadd.s32 $0x3C00, s29;
	[sflag:s7] =	ssyncadd.s32 $0xFFFFF830  }
0x11: {  	[tilespmem:s11], [sflag:$0x1] =	stream.indirect.gather [hbm4b:s1+s10], $0x10, s4, s10, $0xb8;
	[tilespmem:$0x14140] =	vst v63  }
0x12: {  	s13 =	simm.s32 $0xFA0;
	s12 =	sadd.s32 s28, s0  }
0x13: {  	[tilespmem:s13], [sflag:$0x5] =	stream.linear.gather [hbm4b:s12+s4], $0x7D0, $0x38;
	[tilespmem:$0x14140] =	vst v63  }
0x14: {  	_ =	swait.ge [sflag:s7], $0x7D0  }
0x15: {  	[sflag:s7] =	ssyncset.done $0x0  }
0x16: {  	s16 =	sadd.s32 $0xFA, s0;
	[sflag:s7] =	ssyncadd.s32 $0xFFFFF830  }
0x17: {  	s14 =	sadd.s32 s26, s16;
	[bflag:$0x0] =	sbarrier.arrive $0xFFFF  }
0x18: {  	[tilespmem:s10], [sflag:$0x5] =	stream.linear.gather [hbm4b:s14+s4], $0x7D0, $0x38;
	[tilespmem:$0x14140] =	vst v63  }
0x19: {  	_ =	swait.ge [sflag:s7], $0x7D0  }
0x1a: {  	[sflag:s7] =	ssyncset.done $0x0  }
0x1b: {  	s15 =	simm.s32 $0x9C40;
	[sflag:s7] =	ssyncadd.s32 $0xFFFFF830  }
0x1c: {  	[tilespmem:s15], [sflag:$0x2] =	stream.indirect.gather [hbm4b:s1+s10], $0x10, s10, s10, $0xb8;
	[tilespmem:$0x14140] =	vst v63  }
0x1d: {  	s17 =	simm.s32 $0x1770;
	s16 =	sadd.s32 s28, s16  }
0x1e: {  	[tilespmem:s17], [sflag:$0x5] =	stream.linear.gather [hbm4b:s16+s4], $0x7D0, $0x38;
	[tilespmem:$0x14140] =	vst v63  }
0x1f: {  	_ =	swait.ge [sflag:s7], $0x7D0  }
0x20: {  	[sflag:s7] =	ssyncset.done $0x0  }
0x21: {  	s18 =	simm.s32 $0x1;
	[sflag:s7] =	ssyncadd.s32 $0xFFFFF830  }
0x22: {  	_ =	swait.ge [sflag:s18], $0x7D00  }
0x23: {  	[sflag:s18] =	ssyncset.done $0x0  }
0x24: {  	s21 =	sadd.s32 $0x1F4, s0;
	[sflag:s18] =	ssyncadd.s32 $0xFFFF8300  }
0x25: {  	[spmem:s3] =	stream.indirect.scatter.add.f32 [tilespmem:s11], [sflag:$0x3], $0x10, s13, s10, $0xb8;
	[tilespmem:$0x14140] =	vst v63  }
0x26: {  	s19 =	sadd.s32 s26, s21  }
0x27: {  	[tilespmem:s4], [sflag:$0x5] =	stream.linear.gather [hbm4b:s19+s4], $0x7D0, $0x38;
	[tilespmem:$0x14140] =	vst v63  }
0x28: {  	_ =	swait.ge [sflag:s7], $0x7D0  }
0x29: {  	[sflag:s7] =	ssyncset.done $0x0  }
0x2a: {  	s20 =	simm.s32 $0x3;
	[sflag:s7] =	ssyncadd.s32 $0xFFFFF830  }
0x2b: {  	_ =	swait.ge [sflag:s20], $0x7D00  }
0x2c: {  	[sflag:s20] =	ssyncset.done $0x0  }
0x2d: {  	[sflag:s20] =	ssyncadd.s32 $0xFFFF8300  }
0x2e: {  	[tilespmem:s11], [sflag:$0x1] =	stream.indirect.gather [hbm4b:s1+s10], $0x10, s4, s10, $0xb8;
	[tilespmem:$0x14140] =	vst v63  }
0x2f: {  	s21 =	sadd.s32 s28, s21  }
0x30: {  	[tilespmem:s13], [sflag:$0x5] =	stream.linear.gather [hbm4b:s21+s4], $0x7D0, $0x38;
	[tilespmem:$0x14140] =	vst v63  }
0x31: {  	_ =	swait.ge [sflag:s7], $0x7D0  }
0x32: {  	[sflag:s7] =	ssyncset.done $0x0  }
0x33: {  	s22 =	simm.s32 $0x2;
	[sflag:s7] =	ssyncadd.s32 $0xFFFFF830  }
0x34: {  	_ =	swait.ge [sflag:s22], $0x7D00  }
0x35: {  	[sflag:s22] =	ssyncset.done $0x0  }
0x36: {  	s25 =	sadd.s32 $0x2EE, s0;
	[sflag:s22] =	ssyncadd.s32 $0xFFFF8300  }
0x37: {  	[spmem:s3] =	stream.indirect.scatter.add.f32 [tilespmem:s15], [sflag:$0x4], $0x10, s17, s10, $0xb8;
	[tilespmem:$0x14140] =	vst v63  }
0x38: {  	s23 =	sadd.s32 s26, s25  }
0x39: {  	[tilespmem:s10], [sflag:$0x5] =	stream.linear.gather [hbm4b:s23+s4], $0x7D0, $0x38;
	[tilespmem:$0x14140] =	vst v63  }
0x3a: {  	_ =	swait.ge [sflag:s7], $0x7D0  }
0x3b: {  	[sflag:s7] =	ssyncset.done $0x0  }
0x3c: {  	s24 =	simm.s32 $0x4;
	[sflag:s7] =	ssyncadd.s32 $0xFFFFF830  }
0x3d: {  	_ =	swait.ge [sflag:s24], $0x7D00  }
0x3e: {  	[sflag:s24] =	ssyncset.done $0x0  }
0x3f: {  	[sflag:s24] =	ssyncadd.s32 $0xFFFF8300  }
0x40: {  	[tilespmem:s15], [sflag:$0x2] =	stream.indirect.gather [hbm4b:s1+s10], $0x10, s10, s10, $0xb8;
	[tilespmem:$0x14140] =	vst v63  }
0x41: {  	s25 =	sadd.s32 s28, s25  }
0x42: {  	[tilespmem:s17], [sflag:$0x5] =	stream.linear.gather [hbm4b:s25+s4], $0x7D0, $0x38;
	[tilespmem:$0x14140] =	vst v63  }
0x43: {  	_ =	swait.ge [sflag:s7], $0x7D0  }
0x44: {  	[sflag:s7] =	ssyncset.done $0x0  }
0x45: {  	[sflag:s7] =	ssyncadd.s32 $0xFFFFF830  }
0x46: {  	_ =	swait.ge [sflag:s18], $0x7D00  }
0x47: {  	[sflag:s18] =	ssyncset.done $0x0  }
0x48: {  	s0 =	sadd.s32 $0x3E8, s0;
	[sflag:s18] =	ssyncadd.s32 $0xFFFF8300  }
0x49: {  	[spmem:s3] =	stream.indirect.scatter.add.f32 [tilespmem:s11], [sflag:$0x3], $0x10, s13, s10, $0xb8;
	[tilespmem:$0x14140] =	vst v63  }
0x4a: {  	s26 =	sadd.s32 s26, s0  }
0x4b: {  	[tilespmem:s4], [sflag:$0x5] =	stream.linear.gather [hbm4b:s26+s4], $0x7D0, $0x38;
	[tilespmem:$0x14140] =	vst v63  }
0x4c: {  	_ =	swait.ge [sflag:s7], $0x7D0  }
0x4d: {  	[sflag:s7] =	ssyncset.done $0x0  }
0x4e: {  	[sflag:s7] =	ssyncadd.s32 $0xFFFFF830  }
0x4f: {  	_ =	swait.ge [sflag:s20], $0x7D00  }
0x50: {  	[sflag:s20] =	ssyncset.done $0x0  }
0x51: {  	[sflag:s20] =	ssyncadd.s32 $0xFFFF8300  }
0x52: {  	[tilespmem:s11], [sflag:$0x1] =	stream.indirect.gather [hbm4b:s1+s10], $0x10, s4, s10, $0xb8;
	[tilespmem:$0x14140] =	vst v63  }
0x53: {  	s28 =	sadd.s32 s28, s0  }
0x54: {  	[tilespmem:s13], [sflag:$0x5] =	stream.linear.gather [hbm4b:s28+s4], $0x7D0, $0x38;
	[tilespmem:$0x14140] =	vst v63  }
0x55: {  	_ =	swait.ge [sflag:s7], $0x7D0  }
0x56: {  	[sflag:s7] =	ssyncset.done $0x0  }
0x57: {  	[sflag:s7] =	ssyncadd.s32 $0xFFFFF830  }
0x58: {  	_ =	swait.ge [sflag:s22], $0x7D00  }
0x59: {  	[sflag:s22] =	ssyncset.done $0x0  }
0x5a: {  	[sflag:s22] =	ssyncadd.s32 $0xFFFF8300  }
0x5b: {  	[spmem:s3] =	stream.indirect.scatter.add.f32 [tilespmem:s15], [sflag:$0x4], $0x10, s17, s10, $0xb8;
	[tilespmem:$0x14140] =	vst v63  }
0x5c: {  	_ =	swait.ge [sflag:s18], $0x7D00  }
0x5d: {  	[sflag:s18] =	ssyncset.done $0x0  }
0x5e: {  	s0 =	smul.u32 $0x28000, s30;
	[sflag:s18] =	ssyncadd.s32 $0xFFFF8300  }
0x5f: {  	[spmem:s3] =	stream.indirect.scatter.add.f32 [tilespmem:s11], [sflag:$0x3], $0x10, s13, s10, $0xb8;
	[tilespmem:$0x14140] =	vst v63  }
0x60: {  	s30 =	ssub.s32 $0x2, s30;
	_ =	swait.ge [sflag:s20], $0x7D00  }
0x61: {  	s0 =	sadd.s32 s31, s0;
	s31 =	sshrl.u32 s30, $0x1;
	[sflag:s20] =	ssyncset.done $0x0  }
0x62: {  	s30 =	ssub.s32 s30, s31;
	[sflag:s20] =	ssyncadd.s32 $0xFFFF8300  }
0x63: {  	s31 =	smax.u32 s30, $0x1;
	_ =	swait.ge [sflag:s24], $0x7D00  }
0x64: {  	s0 =	sshrl.u32 s0, $0x3;
	p0 =	sne.s32 s31, $0x1;
	[sflag:s24] =	ssyncset.done $0x0  }
.Ltmp0:
0x65: {  	s0 =	sadd.s32 s0, s29;
	[sflag:s24] =	ssyncadd.s32 $0xFFFF8300;
	(pc) =	sbr.rel @!p0 .LBB2_2-.Ltmp0, $4  }
0x66: {  	s29 =	sadd.s32 $0x21A00, s0;
	[bflag:$0x0] =	sbarrier.arrive $0xFFFF  }
0x67: {  	[hbm:s29], [sflag:s6] =	dma.local [spmem:s8], $0x500  }
0x68: {  	_ =	swait.ge [sflag:s7], $0x500  }
0x69: {  	s30 =	sadd.s32 $0xFFFFFFFF, s31;
	[sflag:s7] =	ssyncset.done $0x0  }
.LBB2_1:
0x6a: {  	p0 =	sne.s32 s30, $0x1;
	s30 =	sadd.s32 $0xFFFFFFFF, s30;
	[sflag:s7] =	ssyncadd.s32 $0xFFFFFB00  }
0x6b: {  	[spmem:s8], [sflag:s6] =	dma.local [hbm:s5], $0x500  }
0x6c: {  	_ =	swait.ge [sflag:s7], $0x500  }
0x6d: {  	[sflag:s7] =	ssyncset.done $0x0  }
0x6e: {  	[sflag:s7] =	ssyncadd.s32 $0xFFFFFB00  }
0x6f: {  	[tilespmem:s4], [sflag:$0x5] =	stream.linear.gather [hbm4b:s9+s4], $0x7D0, $0x38;
	[tilespmem:$0x14140] =	vst v63  }
0x70: {  	_ =	swait.ge [sflag:s7], $0x7D0  }
0x71: {  	[sflag:s7] =	ssyncset.done $0x0  }
0x72: {  	[sflag:s7] =	ssyncadd.s32 $0xFFFFF830  }
0x73: {  	[tilespmem:s11], [sflag:$0x1] =	stream.indirect.gather [hbm4b:s1+s10], $0x10, s4, s10, $0xb8;
	[tilespmem:$0x14140] =	vst v63  }
0x74: {  	_ = 	snop  }
0x75: {  	[tilespmem:s13], [sflag:$0x5] =	stream.linear.gather [hbm4b:s12+s4], $0x7D0, $0x38;
	[tilespmem:$0x14140] =	vst v63  }
0x76: {  	_ =	swait.ge [sflag:s7], $0x7D0  }
0x77: {  	[sflag:s7] =	ssyncset.done $0x0  }
0x78: {  	[sflag:s7] =	ssyncadd.s32 $0xFFFFF830  }
0x79: {  	[bflag:$0x0] =	sbarrier.arrive $0xFFFF  }
0x7a: {  	[tilespmem:s10], [sflag:$0x5] =	stream.linear.gather [hbm4b:s14+s4], $0x7D0, $0x38;
	[tilespmem:$0x14140] =	vst v63  }
0x7b: {  	_ =	swait.ge [sflag:s7], $0x7D0  }
0x7c: {  	[sflag:s7] =	ssyncset.done $0x0  }
0x7d: {  	[sflag:s7] =	ssyncadd.s32 $0xFFFFF830  }
0x7e: {  	[tilespmem:s15], [sflag:$0x2] =	stream.indirect.gather [hbm4b:s1+s10], $0x10, s10, s10, $0xb8;
	[tilespmem:$0x14140] =	vst v63  }
0x7f: {  	_ = 	snop  }
0x80: {  	[tilespmem:s17], [sflag:$0x5] =	stream.linear.gather [hbm4b:s16+s4], $0x7D0, $0x38;
	[tilespmem:$0x14140] =	vst v63  }
0x81: {  	_ =	swait.ge [sflag:s7], $0x7D0  }
0x82: {  	[sflag:s7] =	ssyncset.done $0x0  }
0x83: {  	[sflag:s7] =	ssyncadd.s32 $0xFFFFF830  }
0x84: {  	_ =	swait.ge [sflag:s18], $0x7D00  }
0x85: {  	[sflag:s18] =	ssyncset.done $0x0  }
0x86: {  	[sflag:s18] =	ssyncadd.s32 $0xFFFF8300  }
0x87: {  	[spmem:s3] =	stream.indirect.scatter.add.f32 [tilespmem:s11], [sflag:$0x3], $0x10, s13, s10, $0xb8;
	[tilespmem:$0x14140] =	vst v63  }
0x88: {  	_ = 	snop  }
0x89: {  	[tilespmem:s4], [sflag:$0x5] =	stream.linear.gather [hbm4b:s19+s4], $0x7D0, $0x38;
	[tilespmem:$0x14140] =	vst v63  }
0x8a: {  	_ =	swait.ge [sflag:s7], $0x7D0  }
0x8b: {  	[sflag:s7] =	ssyncset.done $0x0  }
0x8c: {  	[sflag:s7] =	ssyncadd.s32 $0xFFFFF830  }
0x8d: {  	_ =	swait.ge [sflag:s20], $0x7D00  }
0x8e: {  	[sflag:s20] =	ssyncset.done $0x0  }
0x8f: {  	[sflag:s20] =	ssyncadd.s32 $0xFFFF8300  }
0x90: {  	[tilespmem:s11], [sflag:$0x1] =	stream.indirect.gather [hbm4b:s1+s10], $0x10, s4, s10, $0xb8;
	[tilespmem:$0x14140] =	vst v63  }
0x91: {  	_ = 	snop  }
0x92: {  	[tilespmem:s13], [sflag:$0x5] =	stream.linear.gather [hbm4b:s21+s4], $0x7D0, $0x38;
	[tilespmem:$0x14140] =	vst v63  }
0x93: {  	_ =	swait.ge [sflag:s7], $0x7D0  }
0x94: {  	[sflag:s7] =	ssyncset.done $0x0  }
0x95: {  	[sflag:s7] =	ssyncadd.s32 $0xFFFFF830  }
0x96: {  	_ =	swait.ge [sflag:s22], $0x7D00  }
0x97: {  	[sflag:s22] =	ssyncset.done $0x0  }
0x98: {  	[sflag:s22] =	ssyncadd.s32 $0xFFFF8300  }
0x99: {  	[spmem:s3] =	stream.indirect.scatter.add.f32 [tilespmem:s15], [sflag:$0x4], $0x10, s17, s10, $0xb8;
	[tilespmem:$0x14140] =	vst v63  }
0x9a: {  	_ = 	snop  }
0x9b: {  	[tilespmem:s10], [sflag:$0x5] =	stream.linear.gather [hbm4b:s23+s4], $0x7D0, $0x38;
	[tilespmem:$0x14140] =	vst v63  }
0x9c: {  	_ =	swait.ge [sflag:s7], $0x7D0  }
0x9d: {  	[sflag:s7] =	ssyncset.done $0x0  }
0x9e: {  	[sflag:s7] =	ssyncadd.s32 $0xFFFFF830  }
0x9f: {  	_ =	swait.ge [sflag:s24], $0x7D00  }
0xa0: {  	[sflag:s24] =	ssyncset.done $0x0  }
0xa1: {  	[sflag:s24] =	ssyncadd.s32 $0xFFFF8300  }
0xa2: {  	[tilespmem:s15], [sflag:$0x2] =	stream.indirect.gather [hbm4b:s1+s10], $0x10, s10, s10, $0xb8;
	[tilespmem:$0x14140] =	vst v63  }
0xa3: {  	_ = 	snop  }
0xa4: {  	[tilespmem:s17], [sflag:$0x5] =	stream.linear.gather [hbm4b:s25+s4], $0x7D0, $0x38;
	[tilespmem:$0x14140] =	vst v63  }
0xa5: {  	_ =	swait.ge [sflag:s7], $0x7D0  }
0xa6: {  	[sflag:s7] =	ssyncset.done $0x0  }
0xa7: {  	[sflag:s7] =	ssyncadd.s32 $0xFFFFF830  }
0xa8: {  	_ =	swait.ge [sflag:s18], $0x7D00  }
0xa9: {  	[sflag:s18] =	ssyncset.done $0x0  }
0xaa: {  	[sflag:s18] =	ssyncadd.s32 $0xFFFF8300  }
0xab: {  	[spmem:s3] =	stream.indirect.scatter.add.f32 [tilespmem:s11], [sflag:$0x3], $0x10, s13, s10, $0xb8;
	[tilespmem:$0x14140] =	vst v63  }
0xac: {  	_ = 	snop  }
0xad: {  	[tilespmem:s4], [sflag:$0x5] =	stream.linear.gather [hbm4b:s26+s4], $0x7D0, $0x38;
	[tilespmem:$0x14140] =	vst v63  }
0xae: {  	_ =	swait.ge [sflag:s7], $0x7D0  }
0xaf: {  	[sflag:s7] =	ssyncset.done $0x0  }
0xb0: {  	[sflag:s7] =	ssyncadd.s32 $0xFFFFF830  }
0xb1: {  	_ =	swait.ge [sflag:s20], $0x7D00  }
0xb2: {  	[sflag:s20] =	ssyncset.done $0x0  }
0xb3: {  	[sflag:s20] =	ssyncadd.s32 $0xFFFF8300  }
0xb4: {  	[tilespmem:s11], [sflag:$0x1] =	stream.indirect.gather [hbm4b:s1+s10], $0x10, s4, s10, $0xb8;
	[tilespmem:$0x14140] =	vst v63  }
0xb5: {  	_ = 	snop  }
0xb6: {  	[tilespmem:s13], [sflag:$0x5] =	stream.linear.gather [hbm4b:s28+s4], $0x7D0, $0x38;
	[tilespmem:$0x14140] =	vst v63  }
0xb7: {  	_ =	swait.ge [sflag:s7], $0x7D0  }
0xb8: {  	[sflag:s7] =	ssyncset.done $0x0  }
0xb9: {  	[sflag:s7] =	ssyncadd.s32 $0xFFFFF830  }
0xba: {  	_ =	swait.ge [sflag:s22], $0x7D00  }
0xbb: {  	[sflag:s22] =	ssyncset.done $0x0  }
0xbc: {  	[sflag:s22] =	ssyncadd.s32 $0xFFFF8300  }
0xbd: {  	[spmem:s3] =	stream.indirect.scatter.add.f32 [tilespmem:s15], [sflag:$0x4], $0x10, s17, s10, $0xb8;
	[tilespmem:$0x14140] =	vst v63  }
0xbe: {  	_ =	swait.ge [sflag:s18], $0x7D00  }
0xbf: {  	[sflag:s18] =	ssyncset.done $0x0  }
0xc0: {  	[sflag:s18] =	ssyncadd.s32 $0xFFFF8300  }
0xc1: {  	[spmem:s3] =	stream.indirect.scatter.add.f32 [tilespmem:s11], [sflag:$0x3], $0x10, s13, s10, $0xb8;
	[tilespmem:$0x14140] =	vst v63  }
0xc2: {  	_ =	swait.ge [sflag:s20], $0x7D00  }
0xc3: {  	[sflag:s20] =	ssyncset.done $0x0  }
0xc4: {  	[sflag:s20] =	ssyncadd.s32 $0xFFFF8300  }
0xc5: {  	_ =	swait.ge [sflag:s24], $0x7D00  }
0xc6: {  	[sflag:s24] =	ssyncset.done $0x0  }
.Ltmp1:
0xc7: {  	[sflag:s24] =	ssyncadd.s32 $0xFFFF8300;
	(pc) =	sbr.rel @p0 .LBB2_1-.Ltmp1, $4  }
0xc8: {  	[bflag:$0x0] =	sbarrier.arrive $0xFFFF  }
0xc9: {  	[hbm:s29], [sflag:s6] =	dma.local [spmem:s8], $0x500  }
0xca: {  	_ =	swait.ge [sflag:s7], $0x500  }
0xcb: {  	[sflag:s7] =	ssyncset.done $0x0  }
.LBB2_2:
0xcc: {  	[sflag:s7] =	ssyncadd.s32 $0xFFFFFB00  }
0xcd: {  	_ =	sfence.sel $0x180000  }
0xce: {  	[bflag:$0x0] =	sbarrier.arrive $0xFFFF  }
0xcf: {  	_ =	strace $0x9000004D  }
0xd0: {  	[bflag:$0x2] =	sbarrier.arrive $0xFFFF  }
0xd1: {  	p0 =	sne.s32 s2, $0x0;
	s0 =	rddreg [dreg:$0x3]  }
0xd2: {  	s0 =	sadd.s32 @!p0 $0x100000, s0  }
0xd3: {  	[sflag:s0] =	ssyncadd.tile.s32 @!p0 $0x1;
	_ =	shalt  }
.Lfunc_end2:
_tile_overlayer_lowered:
.L_overlay_start_2:
0xd4: {  	(tag) =	ssettag $0x2  }
0xd5: {  	s0 =	rddreg [dreg:$0x0];
	s2 =	stileid.u32  }
0xd6: {  	s1 =	rddreg [dreg:$0x1];
	p0 =	sne.s32 s2, $0x0  }
0xd7: {  	s3 =	rddreg [dreg:$0x2];
	[bflag:$0x3] =	sbarrier.arrive $0xFFFF;
	s2 =	simm.s32 @!p0 $0x1C05  }
0xd8: {  	[timem:s3], [sflag:s2] =	dma.local @!p0 [hbm:s0], s1  }
0xd9: {  	s0 =	simm.s32 @!p0 $0x5  }
0xda: {  	_ =	swait.ge @!p0 [sflag:s0], s1  }
0xdb: {  	s1 =	ssub.s32 @!p0 $0x0, s1;
	[sflag:s0] =	ssyncset.done @!p0 $0x0  }
0xdc: {  	[sflag:s0] =	ssyncadd.s32 @!p0 s1  }
0xdd: {  	[bflag:$0x3] =	sbarrier.arrive $0xFFFF  }
0xde: {  	_ =	shalt  }

</sc_bundles>
